<compile_context>
chip_gen: v7x
topology: tpu7x:2x2x1
jax: 0.10.2.dev20260603
libtpu: 0.0.44.dev20260713+nightly
codegen_flags: <defaults>
</compile_context>

<pallas_src>
import functools

import jax
import jax.numpy as jnp
from jax import lax
from jax.experimental import pallas as pl
from jax.experimental.pallas import tpu as pltpu
from jax.experimental.pallas import tpu_sc as plsc

N = 50000
C = 50
C0 = 25
CP = 32
E = 1600000
L = 4

LANE = 128
RC = 3
NCH = 262
RT = NCH * RC
NTILES = 16
E_PAD = RT * NTILES * LANE
ROWS = E_PAD // LANE
AROWS = 50048
ZROWS = AROWS // NTILES
WROWS = 3128
WLAST = N - 15 * WROWS

BLK = 1000

@functools.cache
def _build_edge_scatter():
    mesh = plsc.VectorSubcoreMesh(core_axis_name="c", subcore_axis_name="s")
    return pl.kernel(
        _edge_scatter_body,
        out_type=jax.ShapeDtypeStruct((2 * N, CP), jnp.float32),
        mesh=mesh,
        scratch_types=[
            pltpu.VMEM((2, RC, LANE), jnp.int32),
            pltpu.VMEM((2, RC, LANE), jnp.int32),
            pltpu.VMEM((2, RC * LANE, CP), jnp.float32),
            pltpu.VMEM_SHARED((AROWS, CP), jnp.float32),
            pltpu.SemaphoreType.DMA,
            pltpu.SemaphoreType.DMA,
        ],
        compiler_params=pltpu.CompilerParams(use_tc_tiling_on_sc=False),
    )


def _edge_scatter_body(h2, src2, dst2, zblk, out, src_v, dst_v, rows_v, acc,
                       gsem, ssem):
    c = lax.axis_index("c")
    s = lax.axis_index("s")

    pltpu.sync_copy(zblk, acc.at[pl.ds(s * ZROWS, ZROWS), :])
    plsc.subcore_barrier()

    base = s * RT

    def load_idx(i, b):
        r0 = base + i * RC
        pltpu.sync_copy(src2.at[c, pl.ds(r0, RC), :], src_v.at[b])
        pltpu.sync_copy(dst2.at[pl.ds(r0, RC), :], dst_v.at[b])

    def fire_gathers(b):
        for j in range(RC):
            pltpu.async_copy(h2.at[src_v.at[b, j]],
                             rows_v.at[b, pl.ds(j * LANE, LANE), :], gsem)

    def wait_gathers(b):
        pltpu.make_async_copy(h2.at[pl.ds(0, RC * LANE), :],
                              rows_v.at[b], gsem).wait()

    def fire_scatters(b):
        for j in range(RC):
            pltpu.async_copy(rows_v.at[b, pl.ds(j * LANE, LANE), :],
                             acc.at[dst_v.at[b, j]], ssem, add=True)

    def wait_scatters(b):
        pltpu.make_async_copy(rows_v.at[b],
                              acc.at[pl.ds(0, RC * LANE), :], ssem).wait()

    load_idx(0, 0)
    fire_gathers(0)

    def chunk(i, carry):
        b = i % 2
        nb = 1 - b

        @pl.when(i >= 1)
        def _():
            wait_scatters(nb)

        @pl.when(i + 1 < NCH)
        def _():
            load_idx(i + 1, nb)

        wait_gathers(b)

        @pl.when(i + 1 < NCH)
        def _():
            fire_gathers(nb)

        fire_scatters(b)
        return carry

    lax.fori_loop(0, NCH, chunk, 0)
    wait_scatters((NCH - 1) % 2)
    plsc.subcore_barrier()

    @pl.when(s < NTILES - 1)
    def _():
        pltpu.sync_copy(
            acc.at[pl.ds(s * WROWS, WROWS), :],
            out.at[pl.ds(c * N + s * WROWS, WROWS), :],
        )

    @pl.when(s == NTILES - 1)
    def _():
        pltpu.sync_copy(
            acc.at[pl.ds(15 * WROWS, WLAST), :],
            out.at[pl.ds(c * N + 15 * WROWS, WLAST), :],
        )


def _split_pad(msg):
    zpad = jnp.zeros((msg.shape[0], CP - C0), jnp.float32)
    return (jnp.concatenate([msg[:, :C0], zpad], axis=1),
            jnp.concatenate([msg[:, C0:], zpad], axis=1))


def _gru_body(agg_ref, h_ref, k3_ref, r3_ref, b3_ref, wn_ref,
              hnew_ref, mpad_ref):
    m = jnp.concatenate([agg_ref[0][:, :C0], agg_ref[1][:, :C0]], axis=1)
    h = h_ref[...]
    gi_z = jnp.dot(m, k3_ref[0], preferred_element_type=jnp.float32)
    gi_r = jnp.dot(m, k3_ref[1], preferred_element_type=jnp.float32)
    gi_h = jnp.dot(m, k3_ref[2], preferred_element_type=jnp.float32)
    gh_z = jnp.dot(h, r3_ref[0], preferred_element_type=jnp.float32)
    gh_r = jnp.dot(h, r3_ref[1], preferred_element_type=jnp.float32)
    gh_h = jnp.dot(h, r3_ref[2], preferred_element_type=jnp.float32)
    z = jax.nn.sigmoid((gi_z + b3_ref[0:1, :]) + gh_z)
    r = jax.nn.sigmoid((gi_r + b3_ref[1:2, :]) + gh_r)
    ht = jnp.tanh((gi_h + b3_ref[2:3, :]) + r * gh_h)
    hn = (1.0 - z) * h + z * ht
    hnew_ref[...] = hn
    msg = jnp.dot(hn, wn_ref[...], preferred_element_type=jnp.float32)
    m0, m1 = _split_pad(msg)
    mpad_ref[0] = m0
    mpad_ref[1] = m1


_gru_call = pl.pallas_call(
    _gru_body,
    grid=(N // BLK,),
    in_specs=[
        pl.BlockSpec((2, BLK, CP), lambda i: (0, i, 0)),
        pl.BlockSpec((BLK, C), lambda i: (i, 0)),
        pl.BlockSpec((3, C, C), lambda i: (0, 0, 0)),
        pl.BlockSpec((3, C, C), lambda i: (0, 0, 0)),
        pl.BlockSpec((3, C), lambda i: (0, 0)),
        pl.BlockSpec((C, C), lambda i: (0, 0)),
    ],
    out_specs=[
        pl.BlockSpec((BLK, C), lambda i: (i, 0)),
        pl.BlockSpec((2, BLK, CP), lambda i: (0, i, 0)),
    ],
    out_shape=[
        jax.ShapeDtypeStruct((N, C), jnp.float32),
        jax.ShapeDtypeStruct((2, N, CP), jnp.float32),
    ],
)


def _msg0_body(x_ref, w_ref, mpad_ref):
    msg = jnp.dot(x_ref[...], w_ref[...], preferred_element_type=jnp.float32)
    m0, m1 = _split_pad(msg)
    mpad_ref[0] = m0
    mpad_ref[1] = m1


_msg0_call = pl.pallas_call(
    _msg0_body,
    grid=(N // BLK,),
    in_specs=[
        pl.BlockSpec((BLK, C), lambda i: (i, 0)),
        pl.BlockSpec((C, C), lambda i: (0, 0)),
    ],
    out_specs=pl.BlockSpec((2, BLK, CP), lambda i: (0, i, 0)),
    out_shape=jax.ShapeDtypeStruct((2, N, CP), jnp.float32),
)


def kernel(x, edge_index, W, kernel, recurrent_kernel, bias):
    src = edge_index[0]
    dst = edge_index[1]
    pad = E_PAD - E

    srcp = jnp.concatenate([src, jnp.zeros((pad,), jnp.int32)])
    src2 = jnp.stack([srcp, srcp + N]).reshape(2, ROWS, LANE)
    dst2 = jnp.concatenate([dst, jnp.full((pad,), N, jnp.int32)])
    dst2 = dst2.reshape(ROWS, LANE)
    zblk = jnp.zeros((ZROWS, CP), jnp.float32)

    k3 = kernel.reshape(C, 3, C).transpose(1, 0, 2)
    r3 = recurrent_kernel.reshape(C, 3, C).transpose(1, 0, 2)
    b3 = bias.reshape(3, C)

    h = x
    mpad = _msg0_call(x, W[0])

    for l in range(L):
        m2 = mpad.reshape(2 * N, CP)
        agg2 = _build_edge_scatter()(m2, src2, dst2, zblk)
        agg2 = agg2.reshape(2, N, CP)
        h, mpad = _gru_call(agg2, h, k3, r3, b3, W[(l + 1) % L])
    return h

# --- scband reference (transcript-rebuilt; emitter-appended) ---
"""Pipeline reference for scband-encoder-ggnn-13761075216506 (READ-ONLY COPY).

The authoritative reference and input builder live on the scoring server;
editing this copy changes nothing except your own understanding.
"""

import jax, jax.numpy as jnp
import numpy as np

N = 50000
E = 1600000
C = 50  # channels hardcoded in Encoder_GGNN
L = 4   # n_layers


def setup_inputs(seed: int = 0) -> dict:
    key = jax.random.key(seed)
    k1, k2, k3, k4, k5 = jax.random.split(key, 5)
    x = jax.random.normal(k1, (N, C), dtype=jnp.float32)
    edge_index = jax.random.randint(k2, (2, E), 0, N, dtype=jnp.int32)
    # GatedGraphConv params: per-layer message weights W[L, C, C]
    W = jax.random.normal(k3, (L, C, C), dtype=jnp.float32) * 0.1
    # shared GRU cell params (kernel for input/message, recurrent kernel for state)
    kernel = jax.random.normal(k4, (C, 3 * C), dtype=jnp.float32) * 0.1
    recurrent_kernel = jax.random.normal(k5, (C, 3 * C), dtype=jnp.float32) * 0.1
    bias = jnp.zeros((3 * C,), dtype=jnp.float32)
    return {
        "x": x,
        "edge_index": edge_index,
        "W": W,
        "kernel": kernel,
        "recurrent_kernel": recurrent_kernel,
        "bias": bias,
    }


def _gru_cell(m, h, kernel, recurrent_kernel, bias):
    gi = m @ kernel + bias
    gh = h @ recurrent_kernel
    iz, ir, ih = jnp.split(gi, 3, axis=-1)
    hz, hr, hh = jnp.split(gh, 3, axis=-1)
    z = jax.nn.sigmoid(iz + hz)
    r = jax.nn.sigmoid(ir + hr)
    h_tilde = jnp.tanh(ih + r * hh)
    return (1.0 - z) * h + z * h_tilde


def reference(x, edge_index, W, kernel, recurrent_kernel, bias):
    # Gated Graph Conv (GGNN): h_0 = x (already channels wide);
    # per layer: m = A @ (h W_l) via edge scatter-add; h = GRUCell(m, h)
    src = edge_index[0]
    dst = edge_index[1]
    n = x.shape[0]
    c = x.shape[1]
    h = x
    n_layers = W.shape[0]
    for l in range(n_layers):
        msg = h @ W[l]                       # [N, C]
        gathered = jnp.take(msg, src, axis=0)  # [E, C] gather by source node
        agg = jnp.zeros((n, c), dtype=x.dtype).at[dst].add(gathered)  # scatter-add by dst
        h = _gru_cell(agg, h, kernel, recurrent_kernel, bias)
    return h

if __name__ == "__main__":
    import jax
    _d = setup_inputs()
    print(jax.jit(kernel)(*tuple(_d.values())))

</pallas_src>

<mosaic_0001>
#map = affine_map<(d0, d1) -> (0, 0)>
#map1 = affine_map<(d0, d1) -> (0, 0, 0)>
module attributes {stable_mosaic.version = 14 : i64} {
  func.func @_edge_scatter_body(%arg0: i32, %arg1: i32, %arg2: memref<100000x32xf32, #tpu.memory_space<hbm>>, %arg3: memref<2x12576x128xi32, #tpu.memory_space<hbm>>, %arg4: memref<12576x128xi32, #tpu.memory_space<hbm>>, %arg5: memref<3128x32xf32, #tpu.memory_space<hbm>>, %arg6: memref<100000x32xf32, #tpu.memory_space<hbm>>, %arg7: memref<2x3x128xi32, #tpu.memory_space<vmem>>, %arg8: memref<2x3x128xi32, #tpu.memory_space<vmem>>, %arg9: memref<2x384x32xf32, #tpu.memory_space<vmem>>, %arg10: memref<50048x32xf32, #tpu.memory_space<vmem_shared>>, %arg11: memref<!tpu.dma_semaphore, #tpu.memory_space<semaphore_mem>>, %arg12: memref<!tpu.dma_semaphore, #tpu.memory_space<semaphore_mem>>) attributes {dimension_semantics = [#tpu.dimension_semantics<core_parallel>, #tpu.dimension_semantics<subcore_parallel>], iteration_bounds = array<i64: 2, 16>, scalar_prefetch = 0 : i64, scratch_operands = 6 : i64, tpu.core_type = #tpu.core_type<sc_vector_subcore>, window_params = [{transform_indices = #map}, {transform_indices = #map1}, {transform_indices = #map}, {transform_indices = #map}, {transform_indices = #map}]} {
    %mul3A = arith.constant 3128 : i32
    %mul3A_0 = arith.muli %arg1, %mul3A : i32
    "tpu.region"() ({
      %run_scoped3A_69 = tpu.sem_alloc : memref<!tpu.dma_semaphore, #tpu.memory_space<semaphore_mem>>
      %dma_start3A_70 = arith.constant 0 : i32
      %dma_start3A_71 = tpu.memref_slice %arg10[%mul3A_0, %dma_start3A_70] : memref<50048x32xf32, #tpu.memory_space<vmem_shared>> -> memref<3128x32xf32, #tpu.memory_space<vmem_shared>>
      tpu.enqueue_dma source(%arg5 : memref<3128x32xf32, #tpu.memory_space<hbm>>) target(%dma_start3A_71 : memref<3128x32xf32, #tpu.memory_space<vmem_shared>>) target_semaphore(%run_scoped3A_69 : memref<!tpu.dma_semaphore, #tpu.memory_space<semaphore_mem>>)
      %dma_wait3A_72 = arith.constant 0 : i32
      %dma_wait3A_73 = tpu.memref_slice %arg10[%mul3A_0, %dma_wait3A_72] : memref<50048x32xf32, #tpu.memory_space<vmem_shared>> -> memref<3128x32xf32, #tpu.memory_space<vmem_shared>>
      tpu.wait_dma2 semaphore(%run_scoped3A_69 : memref<!tpu.dma_semaphore, #tpu.memory_space<semaphore_mem>>) src(%arg5 : memref<3128x32xf32, #tpu.memory_space<hbm>>) dst(%dma_wait3A_73 : memref<3128x32xf32, #tpu.memory_space<vmem_shared>>)
      tpu.yield
    }) : () -> ()
    %barrier3A = arith.constant 0 : index
    tpu.barrier barrier_id(%barrier3A)
    %mul3A_1 = arith.constant 786 : i32
    %mul3A_2 = arith.muli %arg1, %mul3A_1 : i32
    %add3A = arith.constant 0 : i32
    %add3A_3 = arith.addi %mul3A_2, %add3A : i32
    %run_scoped3A = arith.constant 0 : i32
    "tpu.region"() ({
      %run_scoped3A_69 = tpu.sem_alloc : memref<!tpu.dma_semaphore, #tpu.memory_space<semaphore_mem>>
      %dma_start3A_70 = arith.constant 0 : i32
      %dma_start3A_71 = arith.constant 0 : i32
      %dma_start3A_72 = tpu.memref_slice %arg7[%run_scoped3A, %dma_start3A_70, %dma_start3A_71] : memref<2x3x128xi32, #tpu.memory_space<vmem>> -> memref<1x3x128xi32, #tpu.memory_space<vmem>>
      %dma_start3A_73 = tpu.memref_squeeze %dma_start3A_72 : memref<1x3x128xi32, #tpu.memory_space<vmem>> -> memref<3x128xi32, #tpu.memory_space<vmem>>
      %dma_start3A_74 = arith.constant 0 : i32
      %dma_start3A_75 = tpu.memref_slice %arg3[%arg0, %add3A_3, %dma_start3A_74] : memref<2x12576x128xi32, #tpu.memory_space<hbm>> -> memref<1x3x128xi32, #tpu.memory_space<hbm>>
      %dma_start3A_76 = tpu.memref_squeeze %dma_start3A_75 : memref<1x3x128xi32, #tpu.memory_space<hbm>> -> memref<3x128xi32, #tpu.memory_space<hbm>>
      %dma_start3A_77 = arith.constant 0 : i32
      %dma_start3A_78 = arith.constant 0 : i32
      %dma_start3A_79 = tpu.memref_slice %arg7[%run_scoped3A, %dma_start3A_77, %dma_start3A_78] : memref<2x3x128xi32, #tpu.memory_space<vmem>> -> memref<1x3x128xi32, #tpu.memory_space<vmem>>
      %dma_start3A_80 = tpu.memref_squeeze %dma_start3A_79 : memref<1x3x128xi32, #tpu.memory_space<vmem>> -> memref<3x128xi32, #tpu.memory_space<vmem>>
      %dma_start3A_81 = arith.constant 0 : i32
      %dma_start3A_82 = tpu.memref_slice %arg3[%arg0, %add3A_3, %dma_start3A_81] : memref<2x12576x128xi32, #tpu.memory_space<hbm>> -> memref<1x3x128xi32, #tpu.memory_space<hbm>>
      %dma_start3A_83 = tpu.memref_squeeze %dma_start3A_82 : memref<1x3x128xi32, #tpu.memory_space<hbm>> -> memref<3x128xi32, #tpu.memory_space<hbm>>
      tpu.enqueue_dma source(%dma_start3A_83 : memref<3x128xi32, #tpu.memory_space<hbm>>) target(%dma_start3A_80 : memref<3x128xi32, #tpu.memory_space<vmem>>) target_semaphore(%run_scoped3A_69 : memref<!tpu.dma_semaphore, #tpu.memory_space<semaphore_mem>>)
      %dma_wait3A_84 = arith.constant 0 : i32
      %dma_wait3A_85 = arith.constant 0 : i32
      %dma_wait3A_86 = tpu.memref_slice %arg7[%run_scoped3A, %dma_wait3A_84, %dma_wait3A_85] : memref<2x3x128xi32, #tpu.memory_space<vmem>> -> memref<1x3x128xi32, #tpu.memory_space<vmem>>
      %dma_wait3A_87 = tpu.memref_squeeze %dma_wait3A_86 : memref<1x3x128xi32, #tpu.memory_space<vmem>> -> memref<3x128xi32, #tpu.memory_space<vmem>>
      %dma_wait3A_88 = arith.constant 0 : i32
      %dma_wait3A_89 = tpu.memref_slice %arg3[%arg0, %add3A_3, %dma_wait3A_88] : memref<2x12576x128xi32, #tpu.memory_space<hbm>> -> memref<1x3x128xi32, #tpu.memory_space<hbm>>
      %dma_wait3A_90 = tpu.memref_squeeze %dma_wait3A_89 : memref<1x3x128xi32, #tpu.memory_space<hbm>> -> memref<3x128xi32, #tpu.memory_space<hbm>>
      %dma_wait3A_91 = arith.constant 0 : i32
      %dma_wait3A_92 = arith.constant 0 : i32
      %dma_wait3A_93 = tpu.memref_slice %arg7[%run_scoped3A, %dma_wait3A_91, %dma_wait3A_92] : memref<2x3x128xi32, #tpu.memory_space<vmem>> -> memref<1x3x128xi32, #tpu.memory_space<vmem>>
      %dma_wait3A_94 = tpu.memref_squeeze %dma_wait3A_93 : memref<1x3x128xi32, #tpu.memory_space<vmem>> -> memref<3x128xi32, #tpu.memory_space<vmem>>
      %dma_wait3A_95 = arith.constant 0 : i32
      %dma_wait3A_96 = tpu.memref_slice %arg3[%arg0, %add3A_3, %dma_wait3A_95] : memref<2x12576x128xi32, #tpu.memory_space<hbm>> -> memref<1x3x128xi32, #tpu.memory_space<hbm>>
      %dma_wait3A_97 = tpu.memref_squeeze %dma_wait3A_96 : memref<1x3x128xi32, #tpu.memory_space<hbm>> -> memref<3x128xi32, #tpu.memory_space<hbm>>
      tpu.wait_dma2 semaphore(%run_scoped3A_69 : memref<!tpu.dma_semaphore, #tpu.memory_space<semaphore_mem>>) src(%dma_wait3A_97 : memref<3x128xi32, #tpu.memory_space<hbm>>) dst(%dma_wait3A_94 : memref<3x128xi32, #tpu.memory_space<vmem>>)
      tpu.yield
    }) : () -> ()
    %run_scoped3A_4 = arith.constant 0 : i32
    "tpu.region"() ({
      %run_scoped3A_69 = tpu.sem_alloc : memref<!tpu.dma_semaphore, #tpu.memory_space<semaphore_mem>>
      %dma_start3A_70 = arith.constant 0 : i32
      %dma_start3A_71 = arith.constant 0 : i32
      %dma_start3A_72 = tpu.memref_slice %arg8[%run_scoped3A_4, %dma_start3A_70, %dma_start3A_71] : memref<2x3x128xi32, #tpu.memory_space<vmem>> -> memref<1x3x128xi32, #tpu.memory_space<vmem>>
      %dma_start3A_73 = tpu.memref_squeeze %dma_start3A_72 : memref<1x3x128xi32, #tpu.memory_space<vmem>> -> memref<3x128xi32, #tpu.memory_space<vmem>>
      %dma_start3A_74 = arith.constant 0 : i32
      %dma_start3A_75 = tpu.memref_slice %arg4[%add3A_3, %dma_start3A_74] : memref<12576x128xi32, #tpu.memory_space<hbm>> -> memref<3x128xi32, #tpu.memory_space<hbm>>
      %dma_start3A_76 = arith.constant 0 : i32
      %dma_start3A_77 = arith.constant 0 : i32
      %dma_start3A_78 = tpu.memref_slice %arg8[%run_scoped3A_4, %dma_start3A_76, %dma_start3A_77] : memref<2x3x128xi32, #tpu.memory_space<vmem>> -> memref<1x3x128xi32, #tpu.memory_space<vmem>>
      %dma_start3A_79 = tpu.memref_squeeze %dma_start3A_78 : memref<1x3x128xi32, #tpu.memory_space<vmem>> -> memref<3x128xi32, #tpu.memory_space<vmem>>
      %dma_start3A_80 = arith.constant 0 : i32
      %dma_start3A_81 = tpu.memref_slice %arg4[%add3A_3, %dma_start3A_80] : memref<12576x128xi32, #tpu.memory_space<hbm>> -> memref<3x128xi32, #tpu.memory_space<hbm>>
      tpu.enqueue_dma source(%dma_start3A_81 : memref<3x128xi32, #tpu.memory_space<hbm>>) target(%dma_start3A_79 : memref<3x128xi32, #tpu.memory_space<vmem>>) target_semaphore(%run_scoped3A_69 : memref<!tpu.dma_semaphore, #tpu.memory_space<semaphore_mem>>)
      %dma_wait3A_82 = arith.constant 0 : i32
      %dma_wait3A_83 = arith.constant 0 : i32
      %dma_wait3A_84 = tpu.memref_slice %arg8[%run_scoped3A_4, %dma_wait3A_82, %dma_wait3A_83] : memref<2x3x128xi32, #tpu.memory_space<vmem>> -> memref<1x3x128xi32, #tpu.memory_space<vmem>>
      %dma_wait3A_85 = tpu.memref_squeeze %dma_wait3A_84 : memref<1x3x128xi32, #tpu.memory_space<vmem>> -> memref<3x128xi32, #tpu.memory_space<vmem>>
      %dma_wait3A_86 = arith.constant 0 : i32
      %dma_wait3A_87 = tpu.memref_slice %arg4[%add3A_3, %dma_wait3A_86] : memref<12576x128xi32, #tpu.memory_space<hbm>> -> memref<3x128xi32, #tpu.memory_space<hbm>>
      %dma_wait3A_88 = arith.constant 0 : i32
      %dma_wait3A_89 = arith.constant 0 : i32
      %dma_wait3A_90 = tpu.memref_slice %arg8[%run_scoped3A_4, %dma_wait3A_88, %dma_wait3A_89] : memref<2x3x128xi32, #tpu.memory_space<vmem>> -> memref<1x3x128xi32, #tpu.memory_space<vmem>>
      %dma_wait3A_91 = tpu.memref_squeeze %dma_wait3A_90 : memref<1x3x128xi32, #tpu.memory_space<vmem>> -> memref<3x128xi32, #tpu.memory_space<vmem>>
      %dma_wait3A_92 = arith.constant 0 : i32
      %dma_wait3A_93 = tpu.memref_slice %arg4[%add3A_3, %dma_wait3A_92] : memref<12576x128xi32, #tpu.memory_space<hbm>> -> memref<3x128xi32, #tpu.memory_space<hbm>>
      tpu.wait_dma2 semaphore(%run_scoped3A_69 : memref<!tpu.dma_semaphore, #tpu.memory_space<semaphore_mem>>) src(%dma_wait3A_93 : memref<3x128xi32, #tpu.memory_space<hbm>>) dst(%dma_wait3A_91 : memref<3x128xi32, #tpu.memory_space<vmem>>)
      tpu.yield
    }) : () -> ()
    %dma_start3A = arith.constant 0 : i32
    %dma_start3A_5 = arith.constant 0 : i32
    %dma_start3A_6 = arith.constant 0 : i32
    %dma_start3A_7 = arith.constant 0 : i32
    %dma_start3A_8 = arith.constant 0 : i32
    %dma_start3A_9 = tpu.memref_slice %arg9[%dma_start3A_6, %dma_start3A_7, %dma_start3A_8] : memref<2x384x32xf32, #tpu.memory_space<vmem>> -> memref<1x128x32xf32, #tpu.memory_space<vmem>>
    %dma_start3A_10 = tpu.memref_squeeze %dma_start3A_9 : memref<1x128x32xf32, #tpu.memory_space<vmem>> -> memref<128x32xf32, #tpu.memory_space<vmem>>
    %dma_start3A_11 = arith.constant 0 : i32
    %dma_start3A_12 = tpu.memref_slice %arg7[%dma_start3A, %dma_start3A_5, %dma_start3A_11] : memref<2x3x128xi32, #tpu.memory_space<vmem>> -> memref<1x1x128xi32, #tpu.memory_space<vmem>>
    %dma_start3A_13 = tpu.memref_squeeze %dma_start3A_12 : memref<1x1x128xi32, #tpu.memory_space<vmem>> -> memref<128xi32, #tpu.memory_space<vmem>>
    %dma_start3A_14 = arith.constant 0 : i32
    %dma_start3A_15 = arith.constant 0 : i32
    %dma_start3A_16 = tpu.memref_slice %arg2[%dma_start3A_14, %dma_start3A_15] : memref<100000x32xf32, #tpu.memory_space<hbm>> -> memref<100000x32xf32, #tpu.memory_space<hbm>>
    tpu.enqueue_indirect_dma source(%dma_start3A_16 : memref<100000x32xf32, #tpu.memory_space<hbm>>) target(%dma_start3A_10 : memref<128x32xf32, #tpu.memory_space<vmem>>) offsets(%dma_start3A_13 : memref<128xi32, #tpu.memory_space<vmem>>) semaphore(%arg11 : memref<!tpu.dma_semaphore, #tpu.memory_space<semaphore_mem>>)
    %dma_start3A_17 = arith.constant 0 : i32
    %dma_start3A_18 = arith.constant 1 : i32
    %dma_start3A_19 = arith.constant 0 : i32
    %dma_start3A_20 = arith.constant 128 : i32
    %dma_start3A_21 = arith.constant 0 : i32
    %dma_start3A_22 = tpu.memref_slice %arg9[%dma_start3A_19, %dma_start3A_20, %dma_start3A_21] : memref<2x384x32xf32, #tpu.memory_space<vmem>> -> memref<1x128x32xf32, #tpu.memory_space<vmem>>
    %dma_start3A_23 = tpu.memref_squeeze %dma_start3A_22 : memref<1x128x32xf32, #tpu.memory_space<vmem>> -> memref<128x32xf32, #tpu.memory_space<vmem>>
    %dma_start3A_24 = arith.constant 0 : i32
    %dma_start3A_25 = tpu.memref_slice %arg7[%dma_start3A_17, %dma_start3A_18, %dma_start3A_24] : memref<2x3x128xi32, #tpu.memory_space<vmem>> -> memref<1x1x128xi32, #tpu.memory_space<vmem>>
    %dma_start3A_26 = tpu.memref_squeeze %dma_start3A_25 : memref<1x1x128xi32, #tpu.memory_space<vmem>> -> memref<128xi32, #tpu.memory_space<vmem>>
    %dma_start3A_27 = arith.constant 0 : i32
    %dma_start3A_28 = arith.constant 0 : i32
    %dma_start3A_29 = tpu.memref_slice %arg2[%dma_start3A_27, %dma_start3A_28] : memref<100000x32xf32, #tpu.memory_space<hbm>> -> memref<100000x32xf32, #tpu.memory_space<hbm>>
    tpu.enqueue_indirect_dma source(%dma_start3A_29 : memref<100000x32xf32, #tpu.memory_space<hbm>>) target(%dma_start3A_23 : memref<128x32xf32, #tpu.memory_space<vmem>>) offsets(%dma_start3A_26 : memref<128xi32, #tpu.memory_space<vmem>>) semaphore(%arg11 : memref<!tpu.dma_semaphore, #tpu.memory_space<semaphore_mem>>)
    %dma_start3A_30 = arith.constant 0 : i32
    %dma_start3A_31 = arith.constant 2 : i32
    %dma_start3A_32 = arith.constant 0 : i32
    %dma_start3A_33 = arith.constant 256 : i32
    %dma_start3A_34 = arith.constant 0 : i32
    %dma_start3A_35 = tpu.memref_slice %arg9[%dma_start3A_32, %dma_start3A_33, %dma_start3A_34] : memref<2x384x32xf32, #tpu.memory_space<vmem>> -> memref<1x128x32xf32, #tpu.memory_space<vmem>>
    %dma_start3A_36 = tpu.memref_squeeze %dma_start3A_35 : memref<1x128x32xf32, #tpu.memory_space<vmem>> -> memref<128x32xf32, #tpu.memory_space<vmem>>
    %dma_start3A_37 = arith.constant 0 : i32
    %dma_start3A_38 = tpu.memref_slice %arg7[%dma_start3A_30, %dma_start3A_31, %dma_start3A_37] : memref<2x3x128xi32, #tpu.memory_space<vmem>> -> memref<1x1x128xi32, #tpu.memory_space<vmem>>
    %dma_start3A_39 = tpu.memref_squeeze %dma_start3A_38 : memref<1x1x128xi32, #tpu.memory_space<vmem>> -> memref<128xi32, #tpu.memory_space<vmem>>
    %dma_start3A_40 = arith.constant 0 : i32
    %dma_start3A_41 = arith.constant 0 : i32
    %dma_start3A_42 = tpu.memref_slice %arg2[%dma_start3A_40, %dma_start3A_41] : memref<100000x32xf32, #tpu.memory_space<hbm>> -> memref<100000x32xf32, #tpu.memory_space<hbm>>
    tpu.enqueue_indirect_dma source(%dma_start3A_42 : memref<100000x32xf32, #tpu.memory_space<hbm>>) target(%dma_start3A_36 : memref<128x32xf32, #tpu.memory_space<vmem>>) offsets(%dma_start3A_39 : memref<128xi32, #tpu.memory_space<vmem>>) semaphore(%arg11 : memref<!tpu.dma_semaphore, #tpu.memory_space<semaphore_mem>>)
    %scan3A = arith.constant 0 : i32
    %scan3A_43 = arith.constant 0 : i32
    %scan3A_44 = arith.constant 262 : i32
    %scan3A_45 = arith.addi %scan3A_43, %scan3A_44 : i32
    %scan3A_46 = arith.constant 1 : i32
    scf.for %scan3A_69 = %scan3A_43 to %scan3A_45 step %scan3A_46  : i32 {
      %jit3A = arith.constant 2 : i32
      %eq3A_70 = arith.constant 0 : i32
      %eq3A_71 = arith.cmpi eq, %jit3A, %eq3A_70 : i32
      %jit3A_72 = arith.constant 1 : i32
      %select_n3A = arith.select %eq3A_71, %jit3A_72, %jit3A : i32
      %rem3A = arith.remsi %scan3A_69, %select_n3A : i32
      %ne3A = arith.constant 0 : i32
      %ne3A_73 = arith.cmpi ne, %rem3A, %ne3A : i32
      %lt3A_74 = arith.constant 0 : i32
      %lt3A_75 = arith.cmpi slt, %rem3A, %lt3A_74 : i32
      %lt3A_76 = arith.constant 0 : i32
      %lt3A_77 = arith.cmpi slt, %select_n3A, %lt3A_76 : i32
      %ne3A_78 = arith.xori %lt3A_75, %lt3A_77 : i1
      %and3A = arith.andi %ne3A_78, %ne3A_73 : i1
      %add3A_79 = arith.addi %rem3A, %select_n3A : i32
      %select_n3A_80 = arith.select %and3A, %add3A_79, %rem3A : i32
      %sub3A = arith.constant 1 : i32
      %sub3A_81 = arith.subi %sub3A, %select_n3A_80 : i32
      %ge3A = arith.constant 1 : i32
      %ge3A_82 = arith.cmpi sge, %scan3A_69, %ge3A : i32
      %convert_element_type3A_83 = arith.extui %ge3A_82 : i1 to i32
      %cond3A_84 = arith.constant 0 : i32
      %cond3A_85 = arith.cmpi ne, %convert_element_type3A_83, %cond3A_84 : i32
      scf.if %cond3A_85 {
        %dma_wait3A_147 = arith.constant 0 : i32
        %dma_wait3A_148 = arith.constant 0 : i32
        %dma_wait3A_149 = tpu.memref_slice %arg9[%sub3A_81, %dma_wait3A_147, %dma_wait3A_148] : memref<2x384x32xf32, #tpu.memory_space<vmem>> -> memref<1x384x32xf32, #tpu.memory_space<vmem>>
        %dma_wait3A_150 = tpu.memref_squeeze %dma_wait3A_149 : memref<1x384x32xf32, #tpu.memory_space<vmem>> -> memref<384x32xf32, #tpu.memory_space<vmem>>
        %dma_wait3A_151 = arith.constant 0 : i32
        %dma_wait3A_152 = arith.constant 0 : i32
        %dma_wait3A_153 = tpu.memref_slice %arg10[%dma_wait3A_151, %dma_wait3A_152] : memref<50048x32xf32, #tpu.memory_space<vmem_shared>> -> memref<384x32xf32, #tpu.memory_space<vmem_shared>>
        %dma_wait3A_154 = arith.constant 0 : i32
        %dma_wait3A_155 = arith.constant 0 : i32
        %dma_wait3A_156 = tpu.memref_slice %arg10[%dma_wait3A_154, %dma_wait3A_155] : memref<50048x32xf32, #tpu.memory_space<vmem_shared>> -> memref<384x32xf32, #tpu.memory_space<vmem_shared>>
        %dma_wait3A_157 = arith.constant 0 : i32
        %dma_wait3A_158 = arith.constant 0 : i32
        %dma_wait3A_159 = tpu.memref_slice %arg9[%sub3A_81, %dma_wait3A_157, %dma_wait3A_158] : memref<2x384x32xf32, #tpu.memory_space<vmem>> -> memref<1x384x32xf32, #tpu.memory_space<vmem>>
        %dma_wait3A_160 = tpu.memref_squeeze %dma_wait3A_159 : memref<1x384x32xf32, #tpu.memory_space<vmem>> -> memref<384x32xf32, #tpu.memory_space<vmem>>
        tpu.wait_dma2 semaphore(%arg12 : memref<!tpu.dma_semaphore, #tpu.memory_space<semaphore_mem>>) src(%dma_wait3A_160 : memref<384x32xf32, #tpu.memory_space<vmem>>) dst(%dma_wait3A_156 : memref<384x32xf32, #tpu.memory_space<vmem_shared>>)
      } else {
      }
      %add3A_86 = arith.constant 1 : i32
      %add3A_87 = arith.addi %scan3A_69, %add3A_86 : i32
      %lt3A_88 = arith.constant 262 : i32
      %lt3A_89 = arith.cmpi slt, %add3A_87, %lt3A_88 : i32
      %convert_element_type3A_90 = arith.extui %lt3A_89 : i1 to i32
      %cond3A_91 = arith.constant 0 : i32
      %cond3A_92 = arith.cmpi ne, %convert_element_type3A_90, %cond3A_91 : i32
      scf.if %cond3A_92 {
        %add3A_147 = arith.constant 1 : i32
        %add3A_148 = arith.addi %scan3A_69, %add3A_147 : i32
        %mul3A_149 = arith.constant 3 : i32
        %mul3A_150 = arith.muli %add3A_148, %mul3A_149 : i32
        %add3A_151 = arith.addi %mul3A_2, %mul3A_150 : i32
        "tpu.region"() ({
          %run_scoped3A_152 = tpu.sem_alloc : memref<!tpu.dma_semaphore, #tpu.memory_space<semaphore_mem>>
          %dma_start3A_153 = arith.constant 0 : i32
          %dma_start3A_154 = arith.constant 0 : i32
          %dma_start3A_155 = tpu.memref_slice %arg7[%sub3A_81, %dma_start3A_153, %dma_start3A_154] : memref<2x3x128xi32, #tpu.memory_space<vmem>> -> memref<1x3x128xi32, #tpu.memory_space<vmem>>
          %dma_start3A_156 = tpu.memref_squeeze %dma_start3A_155 : memref<1x3x128xi32, #tpu.memory_space<vmem>> -> memref<3x128xi32, #tpu.memory_space<vmem>>
          %dma_start3A_157 = arith.constant 0 : i32
          %dma_start3A_158 = tpu.memref_slice %arg3[%arg0, %add3A_151, %dma_start3A_157] : memref<2x12576x128xi32, #tpu.memory_space<hbm>> -> memref<1x3x128xi32, #tpu.memory_space<hbm>>
          %dma_start3A_159 = tpu.memref_squeeze %dma_start3A_158 : memref<1x3x128xi32, #tpu.memory_space<hbm>> -> memref<3x128xi32, #tpu.memory_space<hbm>>
          %dma_start3A_160 = arith.constant 0 : i32
          %dma_start3A_161 = arith.constant 0 : i32
          %dma_start3A_162 = tpu.memref_slice %arg7[%sub3A_81, %dma_start3A_160, %dma_start3A_161] : memref<2x3x128xi32, #tpu.memory_space<vmem>> -> memref<1x3x128xi32, #tpu.memory_space<vmem>>
          %dma_start3A_163 = tpu.memref_squeeze %dma_start3A_162 : memref<1x3x128xi32, #tpu.memory_space<vmem>> -> memref<3x128xi32, #tpu.memory_space<vmem>>
          %dma_start3A_164 = arith.constant 0 : i32
          %dma_start3A_165 = tpu.memref_slice %arg3[%arg0, %add3A_151, %dma_start3A_164] : memref<2x12576x128xi32, #tpu.memory_space<hbm>> -> memref<1x3x128xi32, #tpu.memory_space<hbm>>
          %dma_start3A_166 = tpu.memref_squeeze %dma_start3A_165 : memref<1x3x128xi32, #tpu.memory_space<hbm>> -> memref<3x128xi32, #tpu.memory_space<hbm>>
          tpu.enqueue_dma source(%dma_start3A_166 : memref<3x128xi32, #tpu.memory_space<hbm>>) target(%dma_start3A_163 : memref<3x128xi32, #tpu.memory_space<vmem>>) target_semaphore(%run_scoped3A_152 : memref<!tpu.dma_semaphore, #tpu.memory_space<semaphore_mem>>)
          %dma_wait3A_167 = arith.constant 0 : i32
          %dma_wait3A_168 = arith.constant 0 : i32
          %dma_wait3A_169 = tpu.memref_slice %arg7[%sub3A_81, %dma_wait3A_167, %dma_wait3A_168] : memref<2x3x128xi32, #tpu.memory_space<vmem>> -> memref<1x3x128xi32, #tpu.memory_space<vmem>>
          %dma_wait3A_170 = tpu.memref_squeeze %dma_wait3A_169 : memref<1x3x128xi32, #tpu.memory_space<vmem>> -> memref<3x128xi32, #tpu.memory_space<vmem>>
          %dma_wait3A_171 = arith.constant 0 : i32
          %dma_wait3A_172 = tpu.memref_slice %arg3[%arg0, %add3A_151, %dma_wait3A_171] : memref<2x12576x128xi32, #tpu.memory_space<hbm>> -> memref<1x3x128xi32, #tpu.memory_space<hbm>>
          %dma_wait3A_173 = tpu.memref_squeeze %dma_wait3A_172 : memref<1x3x128xi32, #tpu.memory_space<hbm>> -> memref<3x128xi32, #tpu.memory_space<hbm>>
          %dma_wait3A_174 = arith.constant 0 : i32
          %dma_wait3A_175 = arith.constant 0 : i32
          %dma_wait3A_176 = tpu.memref_slice %arg7[%sub3A_81, %dma_wait3A_174, %dma_wait3A_175] : memref<2x3x128xi32, #tpu.memory_space<vmem>> -> memref<1x3x128xi32, #tpu.memory_space<vmem>>
          %dma_wait3A_177 = tpu.memref_squeeze %dma_wait3A_176 : memref<1x3x128xi32, #tpu.memory_space<vmem>> -> memref<3x128xi32, #tpu.memory_space<vmem>>
          %dma_wait3A_178 = arith.constant 0 : i32
          %dma_wait3A_179 = tpu.memref_slice %arg3[%arg0, %add3A_151, %dma_wait3A_178] : memref<2x12576x128xi32, #tpu.memory_space<hbm>> -> memref<1x3x128xi32, #tpu.memory_space<hbm>>
          %dma_wait3A_180 = tpu.memref_squeeze %dma_wait3A_179 : memref<1x3x128xi32, #tpu.memory_space<hbm>> -> memref<3x128xi32, #tpu.memory_space<hbm>>
          tpu.wait_dma2 semaphore(%run_scoped3A_152 : memref<!tpu.dma_semaphore, #tpu.memory_space<semaphore_mem>>) src(%dma_wait3A_180 : memref<3x128xi32, #tpu.memory_space<hbm>>) dst(%dma_wait3A_177 : memref<3x128xi32, #tpu.memory_space<vmem>>)
          tpu.yield
        }) : () -> ()
        "tpu.region"() ({
          %run_scoped3A_152 = tpu.sem_alloc : memref<!tpu.dma_semaphore, #tpu.memory_space<semaphore_mem>>
          %dma_start3A_153 = arith.constant 0 : i32
          %dma_start3A_154 = arith.constant 0 : i32
          %dma_start3A_155 = tpu.memref_slice %arg8[%sub3A_81, %dma_start3A_153, %dma_start3A_154] : memref<2x3x128xi32, #tpu.memory_space<vmem>> -> memref<1x3x128xi32, #tpu.memory_space<vmem>>
          %dma_start3A_156 = tpu.memref_squeeze %dma_start3A_155 : memref<1x3x128xi32, #tpu.memory_space<vmem>> -> memref<3x128xi32, #tpu.memory_space<vmem>>
          %dma_start3A_157 = arith.constant 0 : i32
          %dma_start3A_158 = tpu.memref_slice %arg4[%add3A_151, %dma_start3A_157] : memref<12576x128xi32, #tpu.memory_space<hbm>> -> memref<3x128xi32, #tpu.memory_space<hbm>>
          %dma_start3A_159 = arith.constant 0 : i32
          %dma_start3A_160 = arith.constant 0 : i32
          %dma_start3A_161 = tpu.memref_slice %arg8[%sub3A_81, %dma_start3A_159, %dma_start3A_160] : memref<2x3x128xi32, #tpu.memory_space<vmem>> -> memref<1x3x128xi32, #tpu.memory_space<vmem>>
          %dma_start3A_162 = tpu.memref_squeeze %dma_start3A_161 : memref<1x3x128xi32, #tpu.memory_space<vmem>> -> memref<3x128xi32, #tpu.memory_space<vmem>>
          %dma_start3A_163 = arith.constant 0 : i32
          %dma_start3A_164 = tpu.memref_slice %arg4[%add3A_151, %dma_start3A_163] : memref<12576x128xi32, #tpu.memory_space<hbm>> -> memref<3x128xi32, #tpu.memory_space<hbm>>
          tpu.enqueue_dma source(%dma_start3A_164 : memref<3x128xi32, #tpu.memory_space<hbm>>) target(%dma_start3A_162 : memref<3x128xi32, #tpu.memory_space<vmem>>) target_semaphore(%run_scoped3A_152 : memref<!tpu.dma_semaphore, #tpu.memory_space<semaphore_mem>>)
          %dma_wait3A_165 = arith.constant 0 : i32
          %dma_wait3A_166 = arith.constant 0 : i32
          %dma_wait3A_167 = tpu.memref_slice %arg8[%sub3A_81, %dma_wait3A_165, %dma_wait3A_166] : memref<2x3x128xi32, #tpu.memory_space<vmem>> -> memref<1x3x128xi32, #tpu.memory_space<vmem>>
          %dma_wait3A_168 = tpu.memref_squeeze %dma_wait3A_167 : memref<1x3x128xi32, #tpu.memory_space<vmem>> -> memref<3x128xi32, #tpu.memory_space<vmem>>
          %dma_wait3A_169 = arith.constant 0 : i32
          %dma_wait3A_170 = tpu.memref_slice %arg4[%add3A_151, %dma_wait3A_169] : memref<12576x128xi32, #tpu.memory_space<hbm>> -> memref<3x128xi32, #tpu.memory_space<hbm>>
          %dma_wait3A_171 = arith.constant 0 : i32
          %dma_wait3A_172 = arith.constant 0 : i32
          %dma_wait3A_173 = tpu.memref_slice %arg8[%sub3A_81, %dma_wait3A_171, %dma_wait3A_172] : memref<2x3x128xi32, #tpu.memory_space<vmem>> -> memref<1x3x128xi32, #tpu.memory_space<vmem>>
          %dma_wait3A_174 = tpu.memref_squeeze %dma_wait3A_173 : memref<1x3x128xi32, #tpu.memory_space<vmem>> -> memref<3x128xi32, #tpu.memory_space<vmem>>
          %dma_wait3A_175 = arith.constant 0 : i32
          %dma_wait3A_176 = tpu.memref_slice %arg4[%add3A_151, %dma_wait3A_175] : memref<12576x128xi32, #tpu.memory_space<hbm>> -> memref<3x128xi32, #tpu.memory_space<hbm>>
          tpu.wait_dma2 semaphore(%run_scoped3A_152 : memref<!tpu.dma_semaphore, #tpu.memory_space<semaphore_mem>>) src(%dma_wait3A_176 : memref<3x128xi32, #tpu.memory_space<hbm>>) dst(%dma_wait3A_174 : memref<3x128xi32, #tpu.memory_space<vmem>>)
          tpu.yield
        }) : () -> ()
      } else {
      }
      %dma_wait3A_93 = arith.constant 0 : i32
      %dma_wait3A_94 = arith.constant 0 : i32
      %dma_wait3A_95 = tpu.memref_slice %arg9[%select_n3A_80, %dma_wait3A_93, %dma_wait3A_94] : memref<2x384x32xf32, #tpu.memory_space<vmem>> -> memref<1x384x32xf32, #tpu.memory_space<vmem>>
      %dma_wait3A_96 = tpu.memref_squeeze %dma_wait3A_95 : memref<1x384x32xf32, #tpu.memory_space<vmem>> -> memref<384x32xf32, #tpu.memory_space<vmem>>
      %dma_wait3A_97 = arith.constant 0 : i32
      %dma_wait3A_98 = arith.constant 0 : i32
      %dma_wait3A_99 = tpu.memref_slice %arg2[%dma_wait3A_97, %dma_wait3A_98] : memref<100000x32xf32, #tpu.memory_space<hbm>> -> memref<384x32xf32, #tpu.memory_space<hbm>>
      %dma_wait3A_100 = arith.constant 0 : i32
      %dma_wait3A_101 = arith.constant 0 : i32
      %dma_wait3A_102 = tpu.memref_slice %arg9[%select_n3A_80, %dma_wait3A_100, %dma_wait3A_101] : memref<2x384x32xf32, #tpu.memory_space<vmem>> -> memref<1x384x32xf32, #tpu.memory_space<vmem>>
      %dma_wait3A_103 = tpu.memref_squeeze %dma_wait3A_102 : memref<1x384x32xf32, #tpu.memory_space<vmem>> -> memref<384x32xf32, #tpu.memory_space<vmem>>
      %dma_wait3A_104 = arith.constant 0 : i32
      %dma_wait3A_105 = arith.constant 0 : i32
      %dma_wait3A_106 = tpu.memref_slice %arg2[%dma_wait3A_104, %dma_wait3A_105] : memref<100000x32xf32, #tpu.memory_space<hbm>> -> memref<384x32xf32, #tpu.memory_space<hbm>>
      tpu.wait_dma2 semaphore(%arg11 : memref<!tpu.dma_semaphore, #tpu.memory_space<semaphore_mem>>) src(%dma_wait3A_106 : memref<384x32xf32, #tpu.memory_space<hbm>>) dst(%dma_wait3A_103 : memref<384x32xf32, #tpu.memory_space<vmem>>)
      %add3A_107 = arith.constant 1 : i32
      %add3A_108 = arith.addi %scan3A_69, %add3A_107 : i32
      %lt3A_109 = arith.constant 262 : i32
      %lt3A_110 = arith.cmpi slt, %add3A_108, %lt3A_109 : i32
      %convert_element_type3A_111 = arith.extui %lt3A_110 : i1 to i32
      %cond3A_112 = arith.constant 0 : i32
      %cond3A_113 = arith.cmpi ne, %convert_element_type3A_111, %cond3A_112 : i32
      scf.if %cond3A_113 {
        %dma_start3A_147 = arith.constant 0 : i32
        %dma_start3A_148 = arith.constant 0 : i32
        %dma_start3A_149 = arith.constant 0 : i32
        %dma_start3A_150 = tpu.memref_slice %arg9[%sub3A_81, %dma_start3A_148, %dma_start3A_149] : memref<2x384x32xf32, #tpu.memory_space<vmem>> -> memref<1x128x32xf32, #tpu.memory_space<vmem>>
        %dma_start3A_151 = tpu.memref_squeeze %dma_start3A_150 : memref<1x128x32xf32, #tpu.memory_space<vmem>> -> memref<128x32xf32, #tpu.memory_space<vmem>>
        %dma_start3A_152 = arith.constant 0 : i32
        %dma_start3A_153 = tpu.memref_slice %arg7[%sub3A_81, %dma_start3A_147, %dma_start3A_152] : memref<2x3x128xi32, #tpu.memory_space<vmem>> -> memref<1x1x128xi32, #tpu.memory_space<vmem>>
        %dma_start3A_154 = tpu.memref_squeeze %dma_start3A_153 : memref<1x1x128xi32, #tpu.memory_space<vmem>> -> memref<128xi32, #tpu.memory_space<vmem>>
        %dma_start3A_155 = arith.constant 0 : i32
        %dma_start3A_156 = arith.constant 0 : i32
        %dma_start3A_157 = tpu.memref_slice %arg2[%dma_start3A_155, %dma_start3A_156] : memref<100000x32xf32, #tpu.memory_space<hbm>> -> memref<100000x32xf32, #tpu.memory_space<hbm>>
        tpu.enqueue_indirect_dma source(%dma_start3A_157 : memref<100000x32xf32, #tpu.memory_space<hbm>>) target(%dma_start3A_151 : memref<128x32xf32, #tpu.memory_space<vmem>>) offsets(%dma_start3A_154 : memref<128xi32, #tpu.memory_space<vmem>>) semaphore(%arg11 : memref<!tpu.dma_semaphore, #tpu.memory_space<semaphore_mem>>)
        %dma_start3A_158 = arith.constant 1 : i32
        %dma_start3A_159 = arith.constant 128 : i32
        %dma_start3A_160 = arith.constant 0 : i32
        %dma_start3A_161 = tpu.memref_slice %arg9[%sub3A_81, %dma_start3A_159, %dma_start3A_160] : memref<2x384x32xf32, #tpu.memory_space<vmem>> -> memref<1x128x32xf32, #tpu.memory_space<vmem>>
        %dma_start3A_162 = tpu.memref_squeeze %dma_start3A_161 : memref<1x128x32xf32, #tpu.memory_space<vmem>> -> memref<128x32xf32, #tpu.memory_space<vmem>>
        %dma_start3A_163 = arith.constant 0 : i32
        %dma_start3A_164 = tpu.memref_slice %arg7[%sub3A_81, %dma_start3A_158, %dma_start3A_163] : memref<2x3x128xi32, #tpu.memory_space<vmem>> -> memref<1x1x128xi32, #tpu.memory_space<vmem>>
        %dma_start3A_165 = tpu.memref_squeeze %dma_start3A_164 : memref<1x1x128xi32, #tpu.memory_space<vmem>> -> memref<128xi32, #tpu.memory_space<vmem>>
        %dma_start3A_166 = arith.constant 0 : i32
        %dma_start3A_167 = arith.constant 0 : i32
        %dma_start3A_168 = tpu.memref_slice %arg2[%dma_start3A_166, %dma_start3A_167] : memref<100000x32xf32, #tpu.memory_space<hbm>> -> memref<100000x32xf32, #tpu.memory_space<hbm>>
        tpu.enqueue_indirect_dma source(%dma_start3A_168 : memref<100000x32xf32, #tpu.memory_space<hbm>>) target(%dma_start3A_162 : memref<128x32xf32, #tpu.memory_space<vmem>>) offsets(%dma_start3A_165 : memref<128xi32, #tpu.memory_space<vmem>>) semaphore(%arg11 : memref<!tpu.dma_semaphore, #tpu.memory_space<semaphore_mem>>)
        %dma_start3A_169 = arith.constant 2 : i32
        %dma_start3A_170 = arith.constant 256 : i32
        %dma_start3A_171 = arith.constant 0 : i32
        %dma_start3A_172 = tpu.memref_slice %arg9[%sub3A_81, %dma_start3A_170, %dma_start3A_171] : memref<2x384x32xf32, #tpu.memory_space<vmem>> -> memref<1x128x32xf32, #tpu.memory_space<vmem>>
        %dma_start3A_173 = tpu.memref_squeeze %dma_start3A_172 : memref<1x128x32xf32, #tpu.memory_space<vmem>> -> memref<128x32xf32, #tpu.memory_space<vmem>>
        %dma_start3A_174 = arith.constant 0 : i32
        %dma_start3A_175 = tpu.memref_slice %arg7[%sub3A_81, %dma_start3A_169, %dma_start3A_174] : memref<2x3x128xi32, #tpu.memory_space<vmem>> -> memref<1x1x128xi32, #tpu.memory_space<vmem>>
        %dma_start3A_176 = tpu.memref_squeeze %dma_start3A_175 : memref<1x1x128xi32, #tpu.memory_space<vmem>> -> memref<128xi32, #tpu.memory_space<vmem>>
        %dma_start3A_177 = arith.constant 0 : i32
        %dma_start3A_178 = arith.constant 0 : i32
        %dma_start3A_179 = tpu.memref_slice %arg2[%dma_start3A_177, %dma_start3A_178] : memref<100000x32xf32, #tpu.memory_space<hbm>> -> memref<100000x32xf32, #tpu.memory_space<hbm>>
        tpu.enqueue_indirect_dma source(%dma_start3A_179 : memref<100000x32xf32, #tpu.memory_space<hbm>>) target(%dma_start3A_173 : memref<128x32xf32, #tpu.memory_space<vmem>>) offsets(%dma_start3A_176 : memref<128xi32, #tpu.memory_space<vmem>>) semaphore(%arg11 : memref<!tpu.dma_semaphore, #tpu.memory_space<semaphore_mem>>)
      } else {
      }
      %dma_start3A_114 = arith.constant 0 : i32
      %dma_start3A_115 = arith.constant 0 : i32
      %dma_start3A_116 = arith.constant 0 : i32
      %dma_start3A_117 = tpu.memref_slice %arg9[%select_n3A_80, %dma_start3A_115, %dma_start3A_116] : memref<2x384x32xf32, #tpu.memory_space<vmem>> -> memref<1x128x32xf32, #tpu.memory_space<vmem>>
      %dma_start3A_118 = tpu.memref_squeeze %dma_start3A_117 : memref<1x128x32xf32, #tpu.memory_space<vmem>> -> memref<128x32xf32, #tpu.memory_space<vmem>>
      %dma_start3A_119 = arith.constant 0 : i32
      %dma_start3A_120 = tpu.memref_slice %arg8[%select_n3A_80, %dma_start3A_114, %dma_start3A_119] : memref<2x3x128xi32, #tpu.memory_space<vmem>> -> memref<1x1x128xi32, #tpu.memory_space<vmem>>
      %dma_start3A_121 = tpu.memref_squeeze %dma_start3A_120 : memref<1x1x128xi32, #tpu.memory_space<vmem>> -> memref<128xi32, #tpu.memory_space<vmem>>
      %dma_start3A_122 = arith.constant 0 : i32
      %dma_start3A_123 = arith.constant 0 : i32
      %dma_start3A_124 = tpu.memref_slice %arg10[%dma_start3A_122, %dma_start3A_123] : memref<50048x32xf32, #tpu.memory_space<vmem_shared>> -> memref<50048x32xf32, #tpu.memory_space<vmem_shared>>
      tpu.enqueue_indirect_dma source(%dma_start3A_118 : memref<128x32xf32, #tpu.memory_space<vmem>>) target(%dma_start3A_124 : memref<50048x32xf32, #tpu.memory_space<vmem_shared>>) offsets(%dma_start3A_121 : memref<128xi32, #tpu.memory_space<vmem>>) semaphore(%arg12 : memref<!tpu.dma_semaphore, #tpu.memory_space<semaphore_mem>>) {add = true}
      %dma_start3A_125 = arith.constant 1 : i32
      %dma_start3A_126 = arith.constant 128 : i32
      %dma_start3A_127 = arith.constant 0 : i32
      %dma_start3A_128 = tpu.memref_slice %arg9[%select_n3A_80, %dma_start3A_126, %dma_start3A_127] : memref<2x384x32xf32, #tpu.memory_space<vmem>> -> memref<1x128x32xf32, #tpu.memory_space<vmem>>
      %dma_start3A_129 = tpu.memref_squeeze %dma_start3A_128 : memref<1x128x32xf32, #tpu.memory_space<vmem>> -> memref<128x32xf32, #tpu.memory_space<vmem>>
      %dma_start3A_130 = arith.constant 0 : i32
      %dma_start3A_131 = tpu.memref_slice %arg8[%select_n3A_80, %dma_start3A_125, %dma_start3A_130] : memref<2x3x128xi32, #tpu.memory_space<vmem>> -> memref<1x1x128xi32, #tpu.memory_space<vmem>>
      %dma_start3A_132 = tpu.memref_squeeze %dma_start3A_131 : memref<1x1x128xi32, #tpu.memory_space<vmem>> -> memref<128xi32, #tpu.memory_space<vmem>>
      %dma_start3A_133 = arith.constant 0 : i32
      %dma_start3A_134 = arith.constant 0 : i32
      %dma_start3A_135 = tpu.memref_slice %arg10[%dma_start3A_133, %dma_start3A_134] : memref<50048x32xf32, #tpu.memory_space<vmem_shared>> -> memref<50048x32xf32, #tpu.memory_space<vmem_shared>>
      tpu.enqueue_indirect_dma source(%dma_start3A_129 : memref<128x32xf32, #tpu.memory_space<vmem>>) target(%dma_start3A_135 : memref<50048x32xf32, #tpu.memory_space<vmem_shared>>) offsets(%dma_start3A_132 : memref<128xi32, #tpu.memory_space<vmem>>) semaphore(%arg12 : memref<!tpu.dma_semaphore, #tpu.memory_space<semaphore_mem>>) {add = true}
      %dma_start3A_136 = arith.constant 2 : i32
      %dma_start3A_137 = arith.constant 256 : i32
      %dma_start3A_138 = arith.constant 0 : i32
      %dma_start3A_139 = tpu.memref_slice %arg9[%select_n3A_80, %dma_start3A_137, %dma_start3A_138] : memref<2x384x32xf32, #tpu.memory_space<vmem>> -> memref<1x128x32xf32, #tpu.memory_space<vmem>>
      %dma_start3A_140 = tpu.memref_squeeze %dma_start3A_139 : memref<1x128x32xf32, #tpu.memory_space<vmem>> -> memref<128x32xf32, #tpu.memory_space<vmem>>
      %dma_start3A_141 = arith.constant 0 : i32
      %dma_start3A_142 = tpu.memref_slice %arg8[%select_n3A_80, %dma_start3A_136, %dma_start3A_141] : memref<2x3x128xi32, #tpu.memory_space<vmem>> -> memref<1x1x128xi32, #tpu.memory_space<vmem>>
      %dma_start3A_143 = tpu.memref_squeeze %dma_start3A_142 : memref<1x1x128xi32, #tpu.memory_space<vmem>> -> memref<128xi32, #tpu.memory_space<vmem>>
      %dma_start3A_144 = arith.constant 0 : i32
      %dma_start3A_145 = arith.constant 0 : i32
      %dma_start3A_146 = tpu.memref_slice %arg10[%dma_start3A_144, %dma_start3A_145] : memref<50048x32xf32, #tpu.memory_space<vmem_shared>> -> memref<50048x32xf32, #tpu.memory_space<vmem_shared>>
      tpu.enqueue_indirect_dma source(%dma_start3A_140 : memref<128x32xf32, #tpu.memory_space<vmem>>) target(%dma_start3A_146 : memref<50048x32xf32, #tpu.memory_space<vmem_shared>>) offsets(%dma_start3A_143 : memref<128xi32, #tpu.memory_space<vmem>>) semaphore(%arg12 : memref<!tpu.dma_semaphore, #tpu.memory_space<semaphore_mem>>) {add = true}
    }
    %scan3A_47 = arith.constant 262 : i32
    %dma_wait3A = arith.constant 1 : i32
    %dma_wait3A_48 = arith.constant 0 : i32
    %dma_wait3A_49 = arith.constant 0 : i32
    %dma_wait3A_50 = tpu.memref_slice %arg9[%dma_wait3A, %dma_wait3A_48, %dma_wait3A_49] : memref<2x384x32xf32, #tpu.memory_space<vmem>> -> memref<1x384x32xf32, #tpu.memory_space<vmem>>
    %dma_wait3A_51 = tpu.memref_squeeze %dma_wait3A_50 : memref<1x384x32xf32, #tpu.memory_space<vmem>> -> memref<384x32xf32, #tpu.memory_space<vmem>>
    %dma_wait3A_52 = arith.constant 0 : i32
    %dma_wait3A_53 = arith.constant 0 : i32
    %dma_wait3A_54 = tpu.memref_slice %arg10[%dma_wait3A_52, %dma_wait3A_53] : memref<50048x32xf32, #tpu.memory_space<vmem_shared>> -> memref<384x32xf32, #tpu.memory_space<vmem_shared>>
    %dma_wait3A_55 = arith.constant 0 : i32
    %dma_wait3A_56 = arith.constant 0 : i32
    %dma_wait3A_57 = tpu.memref_slice %arg10[%dma_wait3A_55, %dma_wait3A_56] : memref<50048x32xf32, #tpu.memory_space<vmem_shared>> -> memref<384x32xf32, #tpu.memory_space<vmem_shared>>
    %dma_wait3A_58 = arith.constant 0 : i32
    %dma_wait3A_59 = arith.constant 0 : i32
    %dma_wait3A_60 = tpu.memref_slice %arg9[%dma_wait3A, %dma_wait3A_58, %dma_wait3A_59] : memref<2x384x32xf32, #tpu.memory_space<vmem>> -> memref<1x384x32xf32, #tpu.memory_space<vmem>>
    %dma_wait3A_61 = tpu.memref_squeeze %dma_wait3A_60 : memref<1x384x32xf32, #tpu.memory_space<vmem>> -> memref<384x32xf32, #tpu.memory_space<vmem>>
    tpu.wait_dma2 semaphore(%arg12 : memref<!tpu.dma_semaphore, #tpu.memory_space<semaphore_mem>>) src(%dma_wait3A_61 : memref<384x32xf32, #tpu.memory_space<vmem>>) dst(%dma_wait3A_57 : memref<384x32xf32, #tpu.memory_space<vmem_shared>>)
    %barrier3A_62 = arith.constant 0 : index
    tpu.barrier barrier_id(%barrier3A_62)
    %lt3A = arith.constant 15 : i32
    %lt3A_63 = arith.cmpi slt, %arg1, %lt3A : i32
    %convert_element_type3A = arith.extui %lt3A_63 : i1 to i32
    %cond3A = arith.constant 0 : i32
    %cond3A_64 = arith.cmpi ne, %convert_element_type3A, %cond3A : i32
    scf.if %cond3A_64 {
      %mul3A_69 = arith.constant 3128 : i32
      %mul3A_70 = arith.muli %arg1, %mul3A_69 : i32
      %mul3A_71 = arith.constant 50000 : i32
      %mul3A_72 = arith.muli %arg0, %mul3A_71 : i32
      %mul3A_73 = arith.constant 3128 : i32
      %mul3A_74 = arith.muli %arg1, %mul3A_73 : i32
      %add3A_75 = arith.addi %mul3A_72, %mul3A_74 : i32
      "tpu.region"() ({
        %run_scoped3A_76 = tpu.sem_alloc : memref<!tpu.dma_semaphore, #tpu.memory_space<semaphore_mem>>
        %dma_start3A_77 = arith.constant 0 : i32
        %dma_start3A_78 = tpu.memref_slice %arg6[%add3A_75, %dma_start3A_77] : memref<100000x32xf32, #tpu.memory_space<hbm>> -> memref<3128x32xf32, #tpu.memory_space<hbm>>
        %dma_start3A_79 = arith.constant 0 : i32
        %dma_start3A_80 = tpu.memref_slice %arg10[%mul3A_70, %dma_start3A_79] : memref<50048x32xf32, #tpu.memory_space<vmem_shared>> -> memref<3128x32xf32, #tpu.memory_space<vmem_shared>>
        tpu.enqueue_dma source(%dma_start3A_80 : memref<3128x32xf32, #tpu.memory_space<vmem_shared>>) target(%dma_start3A_78 : memref<3128x32xf32, #tpu.memory_space<hbm>>) target_semaphore(%run_scoped3A_76 : memref<!tpu.dma_semaphore, #tpu.memory_space<semaphore_mem>>)
        %dma_wait3A_81 = arith.constant 0 : i32
        %dma_wait3A_82 = tpu.memref_slice %arg6[%add3A_75, %dma_wait3A_81] : memref<100000x32xf32, #tpu.memory_space<hbm>> -> memref<3128x32xf32, #tpu.memory_space<hbm>>
        %dma_wait3A_83 = arith.constant 0 : i32
        %dma_wait3A_84 = tpu.memref_slice %arg10[%mul3A_70, %dma_wait3A_83] : memref<50048x32xf32, #tpu.memory_space<vmem_shared>> -> memref<3128x32xf32, #tpu.memory_space<vmem_shared>>
        tpu.wait_dma2 semaphore(%run_scoped3A_76 : memref<!tpu.dma_semaphore, #tpu.memory_space<semaphore_mem>>) src(%dma_wait3A_84 : memref<3128x32xf32, #tpu.memory_space<vmem_shared>>) dst(%dma_wait3A_82 : memref<3128x32xf32, #tpu.memory_space<hbm>>)
        tpu.yield
      }) : () -> ()
    } else {
    }
    %eq3A = arith.constant 15 : i32
    %eq3A_65 = arith.cmpi eq, %arg1, %eq3A : i32
    %convert_element_type3A_66 = arith.extui %eq3A_65 : i1 to i32
    %cond3A_67 = arith.constant 0 : i32
    %cond3A_68 = arith.cmpi ne, %convert_element_type3A_66, %cond3A_67 : i32
    scf.if %cond3A_68 {
      %mul3A_69 = arith.constant 50000 : i32
      %mul3A_70 = arith.muli %arg0, %mul3A_69 : i32
      %add3A_71 = arith.constant 46920 : i32
      %add3A_72 = arith.addi %mul3A_70, %add3A_71 : i32
      "tpu.region"() ({
        %run_scoped3A_73 = tpu.sem_alloc : memref<!tpu.dma_semaphore, #tpu.memory_space<semaphore_mem>>
        %dma_start3A_74 = arith.constant 0 : i32
        %dma_start3A_75 = tpu.memref_slice %arg6[%add3A_72, %dma_start3A_74] : memref<100000x32xf32, #tpu.memory_space<hbm>> -> memref<3080x32xf32, #tpu.memory_space<hbm>>
        %dma_start3A_76 = arith.constant 46920 : i32
        %dma_start3A_77 = arith.constant 0 : i32
        %dma_start3A_78 = tpu.memref_slice %arg10[%dma_start3A_76, %dma_start3A_77] : memref<50048x32xf32, #tpu.memory_space<vmem_shared>> -> memref<3080x32xf32, #tpu.memory_space<vmem_shared>>
        tpu.enqueue_dma source(%dma_start3A_78 : memref<3080x32xf32, #tpu.memory_space<vmem_shared>>) target(%dma_start3A_75 : memref<3080x32xf32, #tpu.memory_space<hbm>>) target_semaphore(%run_scoped3A_73 : memref<!tpu.dma_semaphore, #tpu.memory_space<semaphore_mem>>)
        %dma_wait3A_79 = arith.constant 0 : i32
        %dma_wait3A_80 = tpu.memref_slice %arg6[%add3A_72, %dma_wait3A_79] : memref<100000x32xf32, #tpu.memory_space<hbm>> -> memref<3080x32xf32, #tpu.memory_space<hbm>>
        %dma_wait3A_81 = arith.constant 46920 : i32
        %dma_wait3A_82 = arith.constant 0 : i32
        %dma_wait3A_83 = tpu.memref_slice %arg10[%dma_wait3A_81, %dma_wait3A_82] : memref<50048x32xf32, #tpu.memory_space<vmem_shared>> -> memref<3080x32xf32, #tpu.memory_space<vmem_shared>>
        tpu.wait_dma2 semaphore(%run_scoped3A_73 : memref<!tpu.dma_semaphore, #tpu.memory_space<semaphore_mem>>) src(%dma_wait3A_83 : memref<3080x32xf32, #tpu.memory_space<vmem_shared>>) dst(%dma_wait3A_80 : memref<3080x32xf32, #tpu.memory_space<hbm>>)
        tpu.yield
      }) : () -> ()
    } else {
    }
    return
  }
}

#map = affine_map<(d0, d1) -> (0, 0)>
#map1 = affine_map<(d0, d1) -> (0, 0, 0)>
module attributes {stable_mosaic.version = 14 : i64} {
  func.func @_edge_scatter_body(%arg0: i32, %arg1: i32, %arg2: memref<100000x32xf32, #tpu.memory_space<hbm>>, %arg3: memref<2x12576x128xi32, #tpu.memory_space<hbm>>, %arg4: memref<12576x128xi32, #tpu.memory_space<hbm>>, %arg5: memref<3128x32xf32, #tpu.memory_space<hbm>>, %arg6: memref<100000x32xf32, #tpu.memory_space<hbm>>, %arg7: memref<2x3x128xi32, #tpu.memory_space<vmem>>, %arg8: memref<2x3x128xi32, #tpu.memory_space<vmem>>, %arg9: memref<2x384x32xf32, #tpu.memory_space<vmem>>, %arg10: memref<50048x32xf32, #tpu.memory_space<vmem_shared>>, %arg11: memref<!tpu.dma_semaphore, #tpu.memory_space<semaphore_mem>>, %arg12: memref<!tpu.dma_semaphore, #tpu.memory_space<semaphore_mem>>) attributes {dimension_semantics = [#tpu.dimension_semantics<core_parallel>, #tpu.dimension_semantics<subcore_parallel>], iteration_bounds = array<i64: 2, 16>, scalar_prefetch = 0 : i64, scratch_operands = 6 : i64, tpu.core_type = #tpu.core_type<sc_vector_subcore>, window_params = [{transform_indices = #map}, {transform_indices = #map1}, {transform_indices = #map}, {transform_indices = #map}, {transform_indices = #map}]} {
    %mul3A = arith.constant 3128 : i32
    %mul3A_0 = arith.muli %arg1, %mul3A : i32
    "tpu.region"() ({
      %run_scoped3A_69 = tpu.sem_alloc : memref<!tpu.dma_semaphore, #tpu.memory_space<semaphore_mem>>
      %dma_start3A_70 = arith.constant 0 : i32
      %dma_start3A_71 = tpu.memref_slice %arg10[%mul3A_0, %dma_start3A_70] : memref<50048x32xf32, #tpu.memory_space<vmem_shared>> -> memref<3128x32xf32, #tpu.memory_space<vmem_shared>>
      tpu.enqueue_dma source(%arg5 : memref<3128x32xf32, #tpu.memory_space<hbm>>) target(%dma_start3A_71 : memref<3128x32xf32, #tpu.memory_space<vmem_shared>>) target_semaphore(%run_scoped3A_69 : memref<!tpu.dma_semaphore, #tpu.memory_space<semaphore_mem>>)
      %dma_wait3A_72 = arith.constant 0 : i32
      %dma_wait3A_73 = tpu.memref_slice %arg10[%mul3A_0, %dma_wait3A_72] : memref<50048x32xf32, #tpu.memory_space<vmem_shared>> -> memref<3128x32xf32, #tpu.memory_space<vmem_shared>>
      tpu.wait_dma2 semaphore(%run_scoped3A_69 : memref<!tpu.dma_semaphore, #tpu.memory_space<semaphore_mem>>) src(%arg5 : memref<3128x32xf32, #tpu.memory_space<hbm>>) dst(%dma_wait3A_73 : memref<3128x32xf32, #tpu.memory_space<vmem_shared>>)
      tpu.yield
    }) : () -> ()
    %barrier3A = arith.constant 0 : index
    tpu.barrier barrier_id(%barrier3A)
    %mul3A_1 = arith.constant 786 : i32
    %mul3A_2 = arith.muli %arg1, %mul3A_1 : i32
    %add3A = arith.constant 0 : i32
    %add3A_3 = arith.addi %mul3A_2, %add3A : i32
    %run_scoped3A = arith.constant 0 : i32
    "tpu.region"() ({
      %run_scoped3A_69 = tpu.sem_alloc : memref<!tpu.dma_semaphore, #tpu.memory_space<semaphore_mem>>
      %dma_start3A_70 = arith.constant 0 : i32
      %dma_start3A_71 = arith.constant 0 : i32
      %dma_start3A_72 = tpu.memref_slice %arg7[%run_scoped3A, %dma_start3A_70, %dma_start3A_71] : memref<2x3x128xi32, #tpu.memory_space<vmem>> -> memref<1x3x128xi32, #tpu.memory_space<vmem>>
      %dma_start3A_73 = tpu.memref_squeeze %dma_start3A_72 : memref<1x3x128xi32, #tpu.memory_space<vmem>> -> memref<3x128xi32, #tpu.memory_space<vmem>>
      %dma_start3A_74 = arith.constant 0 : i32
      %dma_start3A_75 = tpu.memref_slice %arg3[%arg0, %add3A_3, %dma_start3A_74] : memref<2x12576x128xi32, #tpu.memory_space<hbm>> -> memref<1x3x128xi32, #tpu.memory_space<hbm>>
      %dma_start3A_76 = tpu.memref_squeeze %dma_start3A_75 : memref<1x3x128xi32, #tpu.memory_space<hbm>> -> memref<3x128xi32, #tpu.memory_space<hbm>>
      %dma_start3A_77 = arith.constant 0 : i32
      %dma_start3A_78 = arith.constant 0 : i32
      %dma_start3A_79 = tpu.memref_slice %arg7[%run_scoped3A, %dma_start3A_77, %dma_start3A_78] : memref<2x3x128xi32, #tpu.memory_space<vmem>> -> memref<1x3x128xi32, #tpu.memory_space<vmem>>
      %dma_start3A_80 = tpu.memref_squeeze %dma_start3A_79 : memref<1x3x128xi32, #tpu.memory_space<vmem>> -> memref<3x128xi32, #tpu.memory_space<vmem>>
      %dma_start3A_81 = arith.constant 0 : i32
      %dma_start3A_82 = tpu.memref_slice %arg3[%arg0, %add3A_3, %dma_start3A_81] : memref<2x12576x128xi32, #tpu.memory_space<hbm>> -> memref<1x3x128xi32, #tpu.memory_space<hbm>>
      %dma_start3A_83 = tpu.memref_squeeze %dma_start3A_82 : memref<1x3x128xi32, #tpu.memory_space<hbm>> -> memref<3x128xi32, #tpu.memory_space<hbm>>
      tpu.enqueue_dma source(%dma_start3A_83 : memref<3x128xi32, #tpu.memory_space<hbm>>) target(%dma_start3A_80 : memref<3x128xi32, #tpu.memory_space<vmem>>) target_semaphore(%run_scoped3A_69 : memref<!tpu.dma_semaphore, #tpu.memory_space<semaphore_mem>>)
      %dma_wait3A_84 = arith.constant 0 : i32
      %dma_wait3A_85 = arith.constant 0 : i32
      %dma_wait3A_86 = tpu.memref_slice %arg7[%run_scoped3A, %dma_wait3A_84, %dma_wait3A_85] : memref<2x3x128xi32, #tpu.memory_space<vmem>> -> memref<1x3x128xi32, #tpu.memory_space<vmem>>
      %dma_wait3A_87 = tpu.memref_squeeze %dma_wait3A_86 : memref<1x3x128xi32, #tpu.memory_space<vmem>> -> memref<3x128xi32, #tpu.memory_space<vmem>>
      %dma_wait3A_88 = arith.constant 0 : i32
      %dma_wait3A_89 = tpu.memref_slice %arg3[%arg0, %add3A_3, %dma_wait3A_88] : memref<2x12576x128xi32, #tpu.memory_space<hbm>> -> memref<1x3x128xi32, #tpu.memory_space<hbm>>
      %dma_wait3A_90 = tpu.memref_squeeze %dma_wait3A_89 : memref<1x3x128xi32, #tpu.memory_space<hbm>> -> memref<3x128xi32, #tpu.memory_space<hbm>>
      %dma_wait3A_91 = arith.constant 0 : i32
      %dma_wait3A_92 = arith.constant 0 : i32
      %dma_wait3A_93 = tpu.memref_slice %arg7[%run_scoped3A, %dma_wait3A_91, %dma_wait3A_92] : memref<2x3x128xi32, #tpu.memory_space<vmem>> -> memref<1x3x128xi32, #tpu.memory_space<vmem>>
      %dma_wait3A_94 = tpu.memref_squeeze %dma_wait3A_93 : memref<1x3x128xi32, #tpu.memory_space<vmem>> -> memref<3x128xi32, #tpu.memory_space<vmem>>
      %dma_wait3A_95 = arith.constant 0 : i32
      %dma_wait3A_96 = tpu.memref_slice %arg3[%arg0, %add3A_3, %dma_wait3A_95] : memref<2x12576x128xi32, #tpu.memory_space<hbm>> -> memref<1x3x128xi32, #tpu.memory_space<hbm>>
      %dma_wait3A_97 = tpu.memref_squeeze %dma_wait3A_96 : memref<1x3x128xi32, #tpu.memory_space<hbm>> -> memref<3x128xi32, #tpu.memory_space<hbm>>
      tpu.wait_dma2 semaphore(%run_scoped3A_69 : memref<!tpu.dma_semaphore, #tpu.memory_space<semaphore_mem>>) src(%dma_wait3A_97 : memref<3x128xi32, #tpu.memory_space<hbm>>) dst(%dma_wait3A_94 : memref<3x128xi32, #tpu.memory_space<vmem>>)
      tpu.yield
    }) : () -> ()
    %run_scoped3A_4 = arith.constant 0 : i32
    "tpu.region"() ({
      %run_scoped3A_69 = tpu.sem_alloc : memref<!tpu.dma_semaphore, #tpu.memory_space<semaphore_mem>>
      %dma_start3A_70 = arith.constant 0 : i32
      %dma_start3A_71 = arith.constant 0 : i32
      %dma_start3A_72 = tpu.memref_slice %arg8[%run_scoped3A_4, %dma_start3A_70, %dma_start3A_71] : memref<2x3x128xi32, #tpu.memory_space<vmem>> -> memref<1x3x128xi32, #tpu.memory_space<vmem>>
      %dma_start3A_73 = tpu.memref_squeeze %dma_start3A_72 : memref<1x3x128xi32, #tpu.memory_space<vmem>> -> memref<3x128xi32, #tpu.memory_space<vmem>>
      %dma_start3A_74 = arith.constant 0 : i32
      %dma_start3A_75 = tpu.memref_slice %arg4[%add3A_3, %dma_start3A_74] : memref<12576x128xi32, #tpu.memory_space<hbm>> -> memref<3x128xi32, #tpu.memory_space<hbm>>
      %dma_start3A_76 = arith.constant 0 : i32
      %dma_start3A_77 = arith.constant 0 : i32
      %dma_start3A_78 = tpu.memref_slice %arg8[%run_scoped3A_4, %dma_start3A_76, %dma_start3A_77] : memref<2x3x128xi32, #tpu.memory_space<vmem>> -> memref<1x3x128xi32, #tpu.memory_space<vmem>>
      %dma_start3A_79 = tpu.memref_squeeze %dma_start3A_78 : memref<1x3x128xi32, #tpu.memory_space<vmem>> -> memref<3x128xi32, #tpu.memory_space<vmem>>
      %dma_start3A_80 = arith.constant 0 : i32
      %dma_start3A_81 = tpu.memref_slice %arg4[%add3A_3, %dma_start3A_80] : memref<12576x128xi32, #tpu.memory_space<hbm>> -> memref<3x128xi32, #tpu.memory_space<hbm>>
      tpu.enqueue_dma source(%dma_start3A_81 : memref<3x128xi32, #tpu.memory_space<hbm>>) target(%dma_start3A_79 : memref<3x128xi32, #tpu.memory_space<vmem>>) target_semaphore(%run_scoped3A_69 : memref<!tpu.dma_semaphore, #tpu.memory_space<semaphore_mem>>)
      %dma_wait3A_82 = arith.constant 0 : i32
      %dma_wait3A_83 = arith.constant 0 : i32
      %dma_wait3A_84 = tpu.memref_slice %arg8[%run_scoped3A_4, %dma_wait3A_82, %dma_wait3A_83] : memref<2x3x128xi32, #tpu.memory_space<vmem>> -> memref<1x3x128xi32, #tpu.memory_space<vmem>>
      %dma_wait3A_85 = tpu.memref_squeeze %dma_wait3A_84 : memref<1x3x128xi32, #tpu.memory_space<vmem>> -> memref<3x128xi32, #tpu.memory_space<vmem>>
      %dma_wait3A_86 = arith.constant 0 : i32
      %dma_wait3A_87 = tpu.memref_slice %arg4[%add3A_3, %dma_wait3A_86] : memref<12576x128xi32, #tpu.memory_space<hbm>> -> memref<3x128xi32, #tpu.memory_space<hbm>>
      %dma_wait3A_88 = arith.constant 0 : i32
      %dma_wait3A_89 = arith.constant 0 : i32
      %dma_wait3A_90 = tpu.memref_slice %arg8[%run_scoped3A_4, %dma_wait3A_88, %dma_wait3A_89] : memref<2x3x128xi32, #tpu.memory_space<vmem>> -> memref<1x3x128xi32, #tpu.memory_space<vmem>>
      %dma_wait3A_91 = tpu.memref_squeeze %dma_wait3A_90 : memref<1x3x128xi32, #tpu.memory_space<vmem>> -> memref<3x128xi32, #tpu.memory_space<vmem>>
      %dma_wait3A_92 = arith.constant 0 : i32
      %dma_wait3A_93 = tpu.memref_slice %arg4[%add3A_3, %dma_wait3A_92] : memref<12576x128xi32, #tpu.memory_space<hbm>> -> memref<3x128xi32, #tpu.memory_space<hbm>>
      tpu.wait_dma2 semaphore(%run_scoped3A_69 : memref<!tpu.dma_semaphore, #tpu.memory_space<semaphore_mem>>) src(%dma_wait3A_93 : memref<3x128xi32, #tpu.memory_space<hbm>>) dst(%dma_wait3A_91 : memref<3x128xi32, #tpu.memory_space<vmem>>)
      tpu.yield
    }) : () -> ()
    %dma_start3A = arith.constant 0 : i32
    %dma_start3A_5 = arith.constant 0 : i32
    %dma_start3A_6 = arith.constant 0 : i32
    %dma_start3A_7 = arith.constant 0 : i32
    %dma_start3A_8 = arith.constant 0 : i32
    %dma_start3A_9 = tpu.memref_slice %arg9[%dma_start3A_6, %dma_start3A_7, %dma_start3A_8] : memref<2x384x32xf32, #tpu.memory_space<vmem>> -> memref<1x128x32xf32, #tpu.memory_space<vmem>>
    %dma_start3A_10 = tpu.memref_squeeze %dma_start3A_9 : memref<1x128x32xf32, #tpu.memory_space<vmem>> -> memref<128x32xf32, #tpu.memory_space<vmem>>
    %dma_start3A_11 = arith.constant 0 : i32
    %dma_start3A_12 = tpu.memref_slice %arg7[%dma_start3A, %dma_start3A_5, %dma_start3A_11] : memref<2x3x128xi32, #tpu.memory_space<vmem>> -> memref<1x1x128xi32, #tpu.memory_space<vmem>>
    %dma_start3A_13 = tpu.memref_squeeze %dma_start3A_12 : memref<1x1x128xi32, #tpu.memory_space<vmem>> -> memref<128xi32, #tpu.memory_space<vmem>>
    %dma_start3A_14 = arith.constant 0 : i32
    %dma_start3A_15 = arith.constant 0 : i32
    %dma_start3A_16 = tpu.memref_slice %arg2[%dma_start3A_14, %dma_start3A_15] : memref<100000x32xf32, #tpu.memory_space<hbm>> -> memref<100000x32xf32, #tpu.memory_space<hbm>>
    tpu.enqueue_indirect_dma source(%dma_start3A_16 : memref<100000x32xf32, #tpu.memory_space<hbm>>) target(%dma_start3A_10 : memref<128x32xf32, #tpu.memory_space<vmem>>) offsets(%dma_start3A_13 : memref<128xi32, #tpu.memory_space<vmem>>) semaphore(%arg11 : memref<!tpu.dma_semaphore, #tpu.memory_space<semaphore_mem>>)
    %dma_start3A_17 = arith.constant 0 : i32
    %dma_start3A_18 = arith.constant 1 : i32
    %dma_start3A_19 = arith.constant 0 : i32
    %dma_start3A_20 = arith.constant 128 : i32
    %dma_start3A_21 = arith.constant 0 : i32
    %dma_start3A_22 = tpu.memref_slice %arg9[%dma_start3A_19, %dma_start3A_20, %dma_start3A_21] : memref<2x384x32xf32, #tpu.memory_space<vmem>> -> memref<1x128x32xf32, #tpu.memory_space<vmem>>
    %dma_start3A_23 = tpu.memref_squeeze %dma_start3A_22 : memref<1x128x32xf32, #tpu.memory_space<vmem>> -> memref<128x32xf32, #tpu.memory_space<vmem>>
    %dma_start3A_24 = arith.constant 0 : i32
    %dma_start3A_25 = tpu.memref_slice %arg7[%dma_start3A_17, %dma_start3A_18, %dma_start3A_24] : memref<2x3x128xi32, #tpu.memory_space<vmem>> -> memref<1x1x128xi32, #tpu.memory_space<vmem>>
    %dma_start3A_26 = tpu.memref_squeeze %dma_start3A_25 : memref<1x1x128xi32, #tpu.memory_space<vmem>> -> memref<128xi32, #tpu.memory_space<vmem>>
    %dma_start3A_27 = arith.constant 0 : i32
    %dma_start3A_28 = arith.constant 0 : i32
    %dma_start3A_29 = tpu.memref_slice %arg2[%dma_start3A_27, %dma_start3A_28] : memref<100000x32xf32, #tpu.memory_space<hbm>> -> memref<100000x32xf32, #tpu.memory_space<hbm>>
    tpu.enqueue_indirect_dma source(%dma_start3A_29 : memref<100000x32xf32, #tpu.memory_space<hbm>>) target(%dma_start3A_23 : memref<128x32xf32, #tpu.memory_space<vmem>>) offsets(%dma_start3A_26 : memref<128xi32, #tpu.memory_space<vmem>>) semaphore(%arg11 : memref<!tpu.dma_semaphore, #tpu.memory_space<semaphore_mem>>)
    %dma_start3A_30 = arith.constant 0 : i32
    %dma_start3A_31 = arith.constant 2 : i32
    %dma_start3A_32 = arith.constant 0 : i32
    %dma_start3A_33 = arith.constant 256 : i32
    %dma_start3A_34 = arith.constant 0 : i32
    %dma_start3A_35 = tpu.memref_slice %arg9[%dma_start3A_32, %dma_start3A_33, %dma_start3A_34] : memref<2x384x32xf32, #tpu.memory_space<vmem>> -> memref<1x128x32xf32, #tpu.memory_space<vmem>>
    %dma_start3A_36 = tpu.memref_squeeze %dma_start3A_35 : memref<1x128x32xf32, #tpu.memory_space<vmem>> -> memref<128x32xf32, #tpu.memory_space<vmem>>
    %dma_start3A_37 = arith.constant 0 : i32
    %dma_start3A_38 = tpu.memref_slice %arg7[%dma_start3A_30, %dma_start3A_31, %dma_start3A_37] : memref<2x3x128xi32, #tpu.memory_space<vmem>> -> memref<1x1x128xi32, #tpu.memory_space<vmem>>
    %dma_start3A_39 = tpu.memref_squeeze %dma_start3A_38 : memref<1x1x128xi32, #tpu.memory_space<vmem>> -> memref<128xi32, #tpu.memory_space<vmem>>
    %dma_start3A_40 = arith.constant 0 : i32
    %dma_start3A_41 = arith.constant 0 : i32
    %dma_start3A_42 = tpu.memref_slice %arg2[%dma_start3A_40, %dma_start3A_41] : memref<100000x32xf32, #tpu.memory_space<hbm>> -> memref<100000x32xf32, #tpu.memory_space<hbm>>
    tpu.enqueue_indirect_dma source(%dma_start3A_42 : memref<100000x32xf32, #tpu.memory_space<hbm>>) target(%dma_start3A_36 : memref<128x32xf32, #tpu.memory_space<vmem>>) offsets(%dma_start3A_39 : memref<128xi32, #tpu.memory_space<vmem>>) semaphore(%arg11 : memref<!tpu.dma_semaphore, #tpu.memory_space<semaphore_mem>>)
    %scan3A = arith.constant 0 : i32
    %scan3A_43 = arith.constant 0 : i32
    %scan3A_44 = arith.constant 262 : i32
    %scan3A_45 = arith.addi %scan3A_43, %scan3A_44 : i32
    %scan3A_46 = arith.constant 1 : i32
    scf.for %scan3A_69 = %scan3A_43 to %scan3A_45 step %scan3A_46  : i32 {
      %jit3A = arith.constant 2 : i32
      %eq3A_70 = arith.constant 0 : i32
      %eq3A_71 = arith.cmpi eq, %jit3A, %eq3A_70 : i32
      %jit3A_72 = arith.constant 1 : i32
      %select_n3A = arith.select %eq3A_71, %jit3A_72, %jit3A : i32
      %rem3A = arith.remsi %scan3A_69, %select_n3A : i32
      %ne3A = arith.constant 0 : i32
      %ne3A_73 = arith.cmpi ne, %rem3A, %ne3A : i32
      %lt3A_74 = arith.constant 0 : i32
      %lt3A_75 = arith.cmpi slt, %rem3A, %lt3A_74 : i32
      %lt3A_76 = arith.constant 0 : i32
      %lt3A_77 = arith.cmpi slt, %select_n3A, %lt3A_76 : i32
      %ne3A_78 = arith.xori %lt3A_75, %lt3A_77 : i1
      %and3A = arith.andi %ne3A_78, %ne3A_73 : i1
      %add3A_79 = arith.addi %rem3A, %select_n3A : i32
      %select_n3A_80 = arith.select %and3A, %add3A_79, %rem3A : i32
      %sub3A = arith.constant 1 : i32
      %sub3A_81 = arith.subi %sub3A, %select_n3A_80 : i32
      %ge3A = arith.constant 1 : i32
      %ge3A_82 = arith.cmpi sge, %scan3A_69, %ge3A : i32
      %convert_element_type3A_83 = arith.extui %ge3A_82 : i1 to i32
      %cond3A_84 = arith.constant 0 : i32
      %cond3A_85 = arith.cmpi ne, %convert_element_type3A_83, %cond3A_84 : i32
      scf.if %cond3A_85 {
        %dma_wait3A_147 = arith.constant 0 : i32
        %dma_wait3A_148 = arith.constant 0 : i32
        %dma_wait3A_149 = tpu.memref_slice %arg9[%sub3A_81, %dma_wait3A_147, %dma_wait3A_148] : memref<2x384x32xf32, #tpu.memory_space<vmem>> -> memref<1x384x32xf32, #tpu.memory_space<vmem>>
        %dma_wait3A_150 = tpu.memref_squeeze %dma_wait3A_149 : memref<1x384x32xf32, #tpu.memory_space<vmem>> -> memref<384x32xf32, #tpu.memory_space<vmem>>
        %dma_wait3A_151 = arith.constant 0 : i32
        %dma_wait3A_152 = arith.constant 0 : i32
        %dma_wait3A_153 = tpu.memref_slice %arg10[%dma_wait3A_151, %dma_wait3A_152] : memref<50048x32xf32, #tpu.memory_space<vmem_shared>> -> memref<384x32xf32, #tpu.memory_space<vmem_shared>>
        %dma_wait3A_154 = arith.constant 0 : i32
        %dma_wait3A_155 = arith.constant 0 : i32
        %dma_wait3A_156 = tpu.memref_slice %arg10[%dma_wait3A_154, %dma_wait3A_155] : memref<50048x32xf32, #tpu.memory_space<vmem_shared>> -> memref<384x32xf32, #tpu.memory_space<vmem_shared>>
        %dma_wait3A_157 = arith.constant 0 : i32
        %dma_wait3A_158 = arith.constant 0 : i32
        %dma_wait3A_159 = tpu.memref_slice %arg9[%sub3A_81, %dma_wait3A_157, %dma_wait3A_158] : memref<2x384x32xf32, #tpu.memory_space<vmem>> -> memref<1x384x32xf32, #tpu.memory_space<vmem>>
        %dma_wait3A_160 = tpu.memref_squeeze %dma_wait3A_159 : memref<1x384x32xf32, #tpu.memory_space<vmem>> -> memref<384x32xf32, #tpu.memory_space<vmem>>
        tpu.wait_dma2 semaphore(%arg12 : memref<!tpu.dma_semaphore, #tpu.memory_space<semaphore_mem>>) src(%dma_wait3A_160 : memref<384x32xf32, #tpu.memory_space<vmem>>) dst(%dma_wait3A_156 : memref<384x32xf32, #tpu.memory_space<vmem_shared>>)
      } else {
      }
      %add3A_86 = arith.constant 1 : i32
      %add3A_87 = arith.addi %scan3A_69, %add3A_86 : i32
      %lt3A_88 = arith.constant 262 : i32
      %lt3A_89 = arith.cmpi slt, %add3A_87, %lt3A_88 : i32
      %convert_element_type3A_90 = arith.extui %lt3A_89 : i1 to i32
      %cond3A_91 = arith.constant 0 : i32
      %cond3A_92 = arith.cmpi ne, %convert_element_type3A_90, %cond3A_91 : i32
      scf.if %cond3A_92 {
        %add3A_147 = arith.constant 1 : i32
        %add3A_148 = arith.addi %scan3A_69, %add3A_147 : i32
        %mul3A_149 = arith.constant 3 : i32
        %mul3A_150 = arith.muli %add3A_148, %mul3A_149 : i32
        %add3A_151 = arith.addi %mul3A_2, %mul3A_150 : i32
        "tpu.region"() ({
          %run_scoped3A_152 = tpu.sem_alloc : memref<!tpu.dma_semaphore, #tpu.memory_space<semaphore_mem>>
          %dma_start3A_153 = arith.constant 0 : i32
          %dma_start3A_154 = arith.constant 0 : i32
          %dma_start3A_155 = tpu.memref_slice %arg7[%sub3A_81, %dma_start3A_153, %dma_start3A_154] : memref<2x3x128xi32, #tpu.memory_space<vmem>> -> memref<1x3x128xi32, #tpu.memory_space<vmem>>
          %dma_start3A_156 = tpu.memref_squeeze %dma_start3A_155 : memref<1x3x128xi32, #tpu.memory_space<vmem>> -> memref<3x128xi32, #tpu.memory_space<vmem>>
          %dma_start3A_157 = arith.constant 0 : i32
          %dma_start3A_158 = tpu.memref_slice %arg3[%arg0, %add3A_151, %dma_start3A_157] : memref<2x12576x128xi32, #tpu.memory_space<hbm>> -> memref<1x3x128xi32, #tpu.memory_space<hbm>>
          %dma_start3A_159 = tpu.memref_squeeze %dma_start3A_158 : memref<1x3x128xi32, #tpu.memory_space<hbm>> -> memref<3x128xi32, #tpu.memory_space<hbm>>
          %dma_start3A_160 = arith.constant 0 : i32
          %dma_start3A_161 = arith.constant 0 : i32
          %dma_start3A_162 = tpu.memref_slice %arg7[%sub3A_81, %dma_start3A_160, %dma_start3A_161] : memref<2x3x128xi32, #tpu.memory_space<vmem>> -> memref<1x3x128xi32, #tpu.memory_space<vmem>>
          %dma_start3A_163 = tpu.memref_squeeze %dma_start3A_162 : memref<1x3x128xi32, #tpu.memory_space<vmem>> -> memref<3x128xi32, #tpu.memory_space<vmem>>
          %dma_start3A_164 = arith.constant 0 : i32
          %dma_start3A_165 = tpu.memref_slice %arg3[%arg0, %add3A_151, %dma_start3A_164] : memref<2x12576x128xi32, #tpu.memory_space<hbm>> -> memref<1x3x128xi32, #tpu.memory_space<hbm>>
          %dma_start3A_166 = tpu.memref_squeeze %dma_start3A_165 : memref<1x3x128xi32, #tpu.memory_space<hbm>> -> memref<3x128xi32, #tpu.memory_space<hbm>>
          tpu.enqueue_dma source(%dma_start3A_166 : memref<3x128xi32, #tpu.memory_space<hbm>>) target(%dma_start3A_163 : memref<3x128xi32, #tpu.memory_space<vmem>>) target_semaphore(%run_scoped3A_152 : memref<!tpu.dma_semaphore, #tpu.memory_space<semaphore_mem>>)
          %dma_wait3A_167 = arith.constant 0 : i32
          %dma_wait3A_168 = arith.constant 0 : i32
          %dma_wait3A_169 = tpu.memref_slice %arg7[%sub3A_81, %dma_wait3A_167, %dma_wait3A_168] : memref<2x3x128xi32, #tpu.memory_space<vmem>> -> memref<1x3x128xi32, #tpu.memory_space<vmem>>
          %dma_wait3A_170 = tpu.memref_squeeze %dma_wait3A_169 : memref<1x3x128xi32, #tpu.memory_space<vmem>> -> memref<3x128xi32, #tpu.memory_space<vmem>>
          %dma_wait3A_171 = arith.constant 0 : i32
          %dma_wait3A_172 = tpu.memref_slice %arg3[%arg0, %add3A_151, %dma_wait3A_171] : memref<2x12576x128xi32, #tpu.memory_space<hbm>> -> memref<1x3x128xi32, #tpu.memory_space<hbm>>
          %dma_wait3A_173 = tpu.memref_squeeze %dma_wait3A_172 : memref<1x3x128xi32, #tpu.memory_space<hbm>> -> memref<3x128xi32, #tpu.memory_space<hbm>>
          %dma_wait3A_174 = arith.constant 0 : i32
          %dma_wait3A_175 = arith.constant 0 : i32
          %dma_wait3A_176 = tpu.memref_slice %arg7[%sub3A_81, %dma_wait3A_174, %dma_wait3A_175] : memref<2x3x128xi32, #tpu.memory_space<vmem>> -> memref<1x3x128xi32, #tpu.memory_space<vmem>>
          %dma_wait3A_177 = tpu.memref_squeeze %dma_wait3A_176 : memref<1x3x128xi32, #tpu.memory_space<vmem>> -> memref<3x128xi32, #tpu.memory_space<vmem>>
          %dma_wait3A_178 = arith.constant 0 : i32
          %dma_wait3A_179 = tpu.memref_slice %arg3[%arg0, %add3A_151, %dma_wait3A_178] : memref<2x12576x128xi32, #tpu.memory_space<hbm>> -> memref<1x3x128xi32, #tpu.memory_space<hbm>>
          %dma_wait3A_180 = tpu.memref_squeeze %dma_wait3A_179 : memref<1x3x128xi32, #tpu.memory_space<hbm>> -> memref<3x128xi32, #tpu.memory_space<hbm>>
          tpu.wait_dma2 semaphore(%run_scoped3A_152 : memref<!tpu.dma_semaphore, #tpu.memory_space<semaphore_mem>>) src(%dma_wait3A_180 : memref<3x128xi32, #tpu.memory_space<hbm>>) dst(%dma_wait3A_177 : memref<3x128xi32, #tpu.memory_space<vmem>>)
          tpu.yield
        }) : () -> ()
        "tpu.region"() ({
          %run_scoped3A_152 = tpu.sem_alloc : memref<!tpu.dma_semaphore, #tpu.memory_space<semaphore_mem>>
          %dma_start3A_153 = arith.constant 0 : i32
          %dma_start3A_154 = arith.constant 0 : i32
          %dma_start3A_155 = tpu.memref_slice %arg8[%sub3A_81, %dma_start3A_153, %dma_start3A_154] : memref<2x3x128xi32, #tpu.memory_space<vmem>> -> memref<1x3x128xi32, #tpu.memory_space<vmem>>
          %dma_start3A_156 = tpu.memref_squeeze %dma_start3A_155 : memref<1x3x128xi32, #tpu.memory_space<vmem>> -> memref<3x128xi32, #tpu.memory_space<vmem>>
          %dma_start3A_157 = arith.constant 0 : i32
          %dma_start3A_158 = tpu.memref_slice %arg4[%add3A_151, %dma_start3A_157] : memref<12576x128xi32, #tpu.memory_space<hbm>> -> memref<3x128xi32, #tpu.memory_space<hbm>>
          %dma_start3A_159 = arith.constant 0 : i32
          %dma_start3A_160 = arith.constant 0 : i32
          %dma_start3A_161 = tpu.memref_slice %arg8[%sub3A_81, %dma_start3A_159, %dma_start3A_160] : memref<2x3x128xi32, #tpu.memory_space<vmem>> -> memref<1x3x128xi32, #tpu.memory_space<vmem>>
          %dma_start3A_162 = tpu.memref_squeeze %dma_start3A_161 : memref<1x3x128xi32, #tpu.memory_space<vmem>> -> memref<3x128xi32, #tpu.memory_space<vmem>>
          %dma_start3A_163 = arith.constant 0 : i32
          %dma_start3A_164 = tpu.memref_slice %arg4[%add3A_151, %dma_start3A_163] : memref<12576x128xi32, #tpu.memory_space<hbm>> -> memref<3x128xi32, #tpu.memory_space<hbm>>
          tpu.enqueue_dma source(%dma_start3A_164 : memref<3x128xi32, #tpu.memory_space<hbm>>) target(%dma_start3A_162 : memref<3x128xi32, #tpu.memory_space<vmem>>) target_semaphore(%run_scoped3A_152 : memref<!tpu.dma_semaphore, #tpu.memory_space<semaphore_mem>>)
          %dma_wait3A_165 = arith.constant 0 : i32
          %dma_wait3A_166 = arith.constant 0 : i32
          %dma_wait3A_167 = tpu.memref_slice %arg8[%sub3A_81, %dma_wait3A_165, %dma_wait3A_166] : memref<2x3x128xi32, #tpu.memory_space<vmem>> -> memref<1x3x128xi32, #tpu.memory_space<vmem>>
          %dma_wait3A_168 = tpu.memref_squeeze %dma_wait3A_167 : memref<1x3x128xi32, #tpu.memory_space<vmem>> -> memref<3x128xi32, #tpu.memory_space<vmem>>
          %dma_wait3A_169 = arith.constant 0 : i32
          %dma_wait3A_170 = tpu.memref_slice %arg4[%add3A_151, %dma_wait3A_169] : memref<12576x128xi32, #tpu.memory_space<hbm>> -> memref<3x128xi32, #tpu.memory_space<hbm>>
          %dma_wait3A_171 = arith.constant 0 : i32
          %dma_wait3A_172 = arith.constant 0 : i32
          %dma_wait3A_173 = tpu.memref_slice %arg8[%sub3A_81, %dma_wait3A_171, %dma_wait3A_172] : memref<2x3x128xi32, #tpu.memory_space<vmem>> -> memref<1x3x128xi32, #tpu.memory_space<vmem>>
          %dma_wait3A_174 = tpu.memref_squeeze %dma_wait3A_173 : memref<1x3x128xi32, #tpu.memory_space<vmem>> -> memref<3x128xi32, #tpu.memory_space<vmem>>
          %dma_wait3A_175 = arith.constant 0 : i32
          %dma_wait3A_176 = tpu.memref_slice %arg4[%add3A_151, %dma_wait3A_175] : memref<12576x128xi32, #tpu.memory_space<hbm>> -> memref<3x128xi32, #tpu.memory_space<hbm>>
          tpu.wait_dma2 semaphore(%run_scoped3A_152 : memref<!tpu.dma_semaphore, #tpu.memory_space<semaphore_mem>>) src(%dma_wait3A_176 : memref<3x128xi32, #tpu.memory_space<hbm>>) dst(%dma_wait3A_174 : memref<3x128xi32, #tpu.memory_space<vmem>>)
          tpu.yield
        }) : () -> ()
      } else {
      }
      %dma_wait3A_93 = arith.constant 0 : i32
      %dma_wait3A_94 = arith.constant 0 : i32
      %dma_wait3A_95 = tpu.memref_slice %arg9[%select_n3A_80, %dma_wait3A_93, %dma_wait3A_94] : memref<2x384x32xf32, #tpu.memory_space<vmem>> -> memref<1x384x32xf32, #tpu.memory_space<vmem>>
      %dma_wait3A_96 = tpu.memref_squeeze %dma_wait3A_95 : memref<1x384x32xf32, #tpu.memory_space<vmem>> -> memref<384x32xf32, #tpu.memory_space<vmem>>
      %dma_wait3A_97 = arith.constant 0 : i32
      %dma_wait3A_98 = arith.constant 0 : i32
      %dma_wait3A_99 = tpu.memref_slice %arg2[%dma_wait3A_97, %dma_wait3A_98] : memref<100000x32xf32, #tpu.memory_space<hbm>> -> memref<384x32xf32, #tpu.memory_space<hbm>>
      %dma_wait3A_100 = arith.constant 0 : i32
      %dma_wait3A_101 = arith.constant 0 : i32
      %dma_wait3A_102 = tpu.memref_slice %arg9[%select_n3A_80, %dma_wait3A_100, %dma_wait3A_101] : memref<2x384x32xf32, #tpu.memory_space<vmem>> -> memref<1x384x32xf32, #tpu.memory_space<vmem>>
      %dma_wait3A_103 = tpu.memref_squeeze %dma_wait3A_102 : memref<1x384x32xf32, #tpu.memory_space<vmem>> -> memref<384x32xf32, #tpu.memory_space<vmem>>
      %dma_wait3A_104 = arith.constant 0 : i32
      %dma_wait3A_105 = arith.constant 0 : i32
      %dma_wait3A_106 = tpu.memref_slice %arg2[%dma_wait3A_104, %dma_wait3A_105] : memref<100000x32xf32, #tpu.memory_space<hbm>> -> memref<384x32xf32, #tpu.memory_space<hbm>>
      tpu.wait_dma2 semaphore(%arg11 : memref<!tpu.dma_semaphore, #tpu.memory_space<semaphore_mem>>) src(%dma_wait3A_106 : memref<384x32xf32, #tpu.memory_space<hbm>>) dst(%dma_wait3A_103 : memref<384x32xf32, #tpu.memory_space<vmem>>)
      %add3A_107 = arith.constant 1 : i32
      %add3A_108 = arith.addi %scan3A_69, %add3A_107 : i32
      %lt3A_109 = arith.constant 262 : i32
      %lt3A_110 = arith.cmpi slt, %add3A_108, %lt3A_109 : i32
      %convert_element_type3A_111 = arith.extui %lt3A_110 : i1 to i32
      %cond3A_112 = arith.constant 0 : i32
      %cond3A_113 = arith.cmpi ne, %convert_element_type3A_111, %cond3A_112 : i32
      scf.if %cond3A_113 {
        %dma_start3A_147 = arith.constant 0 : i32
        %dma_start3A_148 = arith.constant 0 : i32
        %dma_start3A_149 = arith.constant 0 : i32
        %dma_start3A_150 = tpu.memref_slice %arg9[%sub3A_81, %dma_start3A_148, %dma_start3A_149] : memref<2x384x32xf32, #tpu.memory_space<vmem>> -> memref<1x128x32xf32, #tpu.memory_space<vmem>>
        %dma_start3A_151 = tpu.memref_squeeze %dma_start3A_150 : memref<1x128x32xf32, #tpu.memory_space<vmem>> -> memref<128x32xf32, #tpu.memory_space<vmem>>
        %dma_start3A_152 = arith.constant 0 : i32
        %dma_start3A_153 = tpu.memref_slice %arg7[%sub3A_81, %dma_start3A_147, %dma_start3A_152] : memref<2x3x128xi32, #tpu.memory_space<vmem>> -> memref<1x1x128xi32, #tpu.memory_space<vmem>>
        %dma_start3A_154 = tpu.memref_squeeze %dma_start3A_153 : memref<1x1x128xi32, #tpu.memory_space<vmem>> -> memref<128xi32, #tpu.memory_space<vmem>>
        %dma_start3A_155 = arith.constant 0 : i32
        %dma_start3A_156 = arith.constant 0 : i32
        %dma_start3A_157 = tpu.memref_slice %arg2[%dma_start3A_155, %dma_start3A_156] : memref<100000x32xf32, #tpu.memory_space<hbm>> -> memref<100000x32xf32, #tpu.memory_space<hbm>>
        tpu.enqueue_indirect_dma source(%dma_start3A_157 : memref<100000x32xf32, #tpu.memory_space<hbm>>) target(%dma_start3A_151 : memref<128x32xf32, #tpu.memory_space<vmem>>) offsets(%dma_start3A_154 : memref<128xi32, #tpu.memory_space<vmem>>) semaphore(%arg11 : memref<!tpu.dma_semaphore, #tpu.memory_space<semaphore_mem>>)
        %dma_start3A_158 = arith.constant 1 : i32
        %dma_start3A_159 = arith.constant 128 : i32
        %dma_start3A_160 = arith.constant 0 : i32
        %dma_start3A_161 = tpu.memref_slice %arg9[%sub3A_81, %dma_start3A_159, %dma_start3A_160] : memref<2x384x32xf32, #tpu.memory_space<vmem>> -> memref<1x128x32xf32, #tpu.memory_space<vmem>>
        %dma_start3A_162 = tpu.memref_squeeze %dma_start3A_161 : memref<1x128x32xf32, #tpu.memory_space<vmem>> -> memref<128x32xf32, #tpu.memory_space<vmem>>
        %dma_start3A_163 = arith.constant 0 : i32
        %dma_start3A_164 = tpu.memref_slice %arg7[%sub3A_81, %dma_start3A_158, %dma_start3A_163] : memref<2x3x128xi32, #tpu.memory_space<vmem>> -> memref<1x1x128xi32, #tpu.memory_space<vmem>>
        %dma_start3A_165 = tpu.memref_squeeze %dma_start3A_164 : memref<1x1x128xi32, #tpu.memory_space<vmem>> -> memref<128xi32, #tpu.memory_space<vmem>>
        %dma_start3A_166 = arith.constant 0 : i32
        %dma_start3A_167 = arith.constant 0 : i32
        %dma_start3A_168 = tpu.memref_slice %arg2[%dma_start3A_166, %dma_start3A_167] : memref<100000x32xf32, #tpu.memory_space<hbm>> -> memref<100000x32xf32, #tpu.memory_space<hbm>>
        tpu.enqueue_indirect_dma source(%dma_start3A_168 : memref<100000x32xf32, #tpu.memory_space<hbm>>) target(%dma_start3A_162 : memref<128x32xf32, #tpu.memory_space<vmem>>) offsets(%dma_start3A_165 : memref<128xi32, #tpu.memory_space<vmem>>) semaphore(%arg11 : memref<!tpu.dma_semaphore, #tpu.memory_space<semaphore_mem>>)
        %dma_start3A_169 = arith.constant 2 : i32
        %dma_start3A_170 = arith.constant 256 : i32
        %dma_start3A_171 = arith.constant 0 : i32
        %dma_start3A_172 = tpu.memref_slice %arg9[%sub3A_81, %dma_start3A_170, %dma_start3A_171] : memref<2x384x32xf32, #tpu.memory_space<vmem>> -> memref<1x128x32xf32, #tpu.memory_space<vmem>>
        %dma_start3A_173 = tpu.memref_squeeze %dma_start3A_172 : memref<1x128x32xf32, #tpu.memory_space<vmem>> -> memref<128x32xf32, #tpu.memory_space<vmem>>
        %dma_start3A_174 = arith.constant 0 : i32
        %dma_start3A_175 = tpu.memref_slice %arg7[%sub3A_81, %dma_start3A_169, %dma_start3A_174] : memref<2x3x128xi32, #tpu.memory_space<vmem>> -> memref<1x1x128xi32, #tpu.memory_space<vmem>>
        %dma_start3A_176 = tpu.memref_squeeze %dma_start3A_175 : memref<1x1x128xi32, #tpu.memory_space<vmem>> -> memref<128xi32, #tpu.memory_space<vmem>>
        %dma_start3A_177 = arith.constant 0 : i32
        %dma_start3A_178 = arith.constant 0 : i32
        %dma_start3A_179 = tpu.memref_slice %arg2[%dma_start3A_177, %dma_start3A_178] : memref<100000x32xf32, #tpu.memory_space<hbm>> -> memref<100000x32xf32, #tpu.memory_space<hbm>>
        tpu.enqueue_indirect_dma source(%dma_start3A_179 : memref<100000x32xf32, #tpu.memory_space<hbm>>) target(%dma_start3A_173 : memref<128x32xf32, #tpu.memory_space<vmem>>) offsets(%dma_start3A_176 : memref<128xi32, #tpu.memory_space<vmem>>) semaphore(%arg11 : memref<!tpu.dma_semaphore, #tpu.memory_space<semaphore_mem>>)
      } else {
      }
      %dma_start3A_114 = arith.constant 0 : i32
      %dma_start3A_115 = arith.constant 0 : i32
      %dma_start3A_116 = arith.constant 0 : i32
      %dma_start3A_117 = tpu.memref_slice %arg9[%select_n3A_80, %dma_start3A_115, %dma_start3A_116] : memref<2x384x32xf32, #tpu.memory_space<vmem>> -> memref<1x128x32xf32, #tpu.memory_space<vmem>>
      %dma_start3A_118 = tpu.memref_squeeze %dma_start3A_117 : memref<1x128x32xf32, #tpu.memory_space<vmem>> -> memref<128x32xf32, #tpu.memory_space<vmem>>
      %dma_start3A_119 = arith.constant 0 : i32
      %dma_start3A_120 = tpu.memref_slice %arg8[%select_n3A_80, %dma_start3A_114, %dma_start3A_119] : memref<2x3x128xi32, #tpu.memory_space<vmem>> -> memref<1x1x128xi32, #tpu.memory_space<vmem>>
      %dma_start3A_121 = tpu.memref_squeeze %dma_start3A_120 : memref<1x1x128xi32, #tpu.memory_space<vmem>> -> memref<128xi32, #tpu.memory_space<vmem>>
      %dma_start3A_122 = arith.constant 0 : i32
      %dma_start3A_123 = arith.constant 0 : i32
      %dma_start3A_124 = tpu.memref_slice %arg10[%dma_start3A_122, %dma_start3A_123] : memref<50048x32xf32, #tpu.memory_space<vmem_shared>> -> memref<50048x32xf32, #tpu.memory_space<vmem_shared>>
      tpu.enqueue_indirect_dma source(%dma_start3A_118 : memref<128x32xf32, #tpu.memory_space<vmem>>) target(%dma_start3A_124 : memref<50048x32xf32, #tpu.memory_space<vmem_shared>>) offsets(%dma_start3A_121 : memref<128xi32, #tpu.memory_space<vmem>>) semaphore(%arg12 : memref<!tpu.dma_semaphore, #tpu.memory_space<semaphore_mem>>) {add = true}
      %dma_start3A_125 = arith.constant 1 : i32
      %dma_start3A_126 = arith.constant 128 : i32
      %dma_start3A_127 = arith.constant 0 : i32
      %dma_start3A_128 = tpu.memref_slice %arg9[%select_n3A_80, %dma_start3A_126, %dma_start3A_127] : memref<2x384x32xf32, #tpu.memory_space<vmem>> -> memref<1x128x32xf32, #tpu.memory_space<vmem>>
      %dma_start3A_129 = tpu.memref_squeeze %dma_start3A_128 : memref<1x128x32xf32, #tpu.memory_space<vmem>> -> memref<128x32xf32, #tpu.memory_space<vmem>>
      %dma_start3A_130 = arith.constant 0 : i32
      %dma_start3A_131 = tpu.memref_slice %arg8[%select_n3A_80, %dma_start3A_125, %dma_start3A_130] : memref<2x3x128xi32, #tpu.memory_space<vmem>> -> memref<1x1x128xi32, #tpu.memory_space<vmem>>
      %dma_start3A_132 = tpu.memref_squeeze %dma_start3A_131 : memref<1x1x128xi32, #tpu.memory_space<vmem>> -> memref<128xi32, #tpu.memory_space<vmem>>
      %dma_start3A_133 = arith.constant 0 : i32
      %dma_start3A_134 = arith.constant 0 : i32
      %dma_start3A_135 = tpu.memref_slice %arg10[%dma_start3A_133, %dma_start3A_134] : memref<50048x32xf32, #tpu.memory_space<vmem_shared>> -> memref<50048x32xf32, #tpu.memory_space<vmem_shared>>
      tpu.enqueue_indirect_dma source(%dma_start3A_129 : memref<128x32xf32, #tpu.memory_space<vmem>>) target(%dma_start3A_135 : memref<50048x32xf32, #tpu.memory_space<vmem_shared>>) offsets(%dma_start3A_132 : memref<128xi32, #tpu.memory_space<vmem>>) semaphore(%arg12 : memref<!tpu.dma_semaphore, #tpu.memory_space<semaphore_mem>>) {add = true}
      %dma_start3A_136 = arith.constant 2 : i32
      %dma_start3A_137 = arith.constant 256 : i32
      %dma_start3A_138 = arith.constant 0 : i32
      %dma_start3A_139 = tpu.memref_slice %arg9[%select_n3A_80, %dma_start3A_137, %dma_start3A_138] : memref<2x384x32xf32, #tpu.memory_space<vmem>> -> memref<1x128x32xf32, #tpu.memory_space<vmem>>
      %dma_start3A_140 = tpu.memref_squeeze %dma_start3A_139 : memref<1x128x32xf32, #tpu.memory_space<vmem>> -> memref<128x32xf32, #tpu.memory_space<vmem>>
      %dma_start3A_141 = arith.constant 0 : i32
      %dma_start3A_142 = tpu.memref_slice %arg8[%select_n3A_80, %dma_start3A_136, %dma_start3A_141] : memref<2x3x128xi32, #tpu.memory_space<vmem>> -> memref<1x1x128xi32, #tpu.memory_space<vmem>>
      %dma_start3A_143 = tpu.memref_squeeze %dma_start3A_142 : memref<1x1x128xi32, #tpu.memory_space<vmem>> -> memref<128xi32, #tpu.memory_space<vmem>>
      %dma_start3A_144 = arith.constant 0 : i32
      %dma_start3A_145 = arith.constant 0 : i32
      %dma_start3A_146 = tpu.memref_slice %arg10[%dma_start3A_144, %dma_start3A_145] : memref<50048x32xf32, #tpu.memory_space<vmem_shared>> -> memref<50048x32xf32, #tpu.memory_space<vmem_shared>>
      tpu.enqueue_indirect_dma source(%dma_start3A_140 : memref<128x32xf32, #tpu.memory_space<vmem>>) target(%dma_start3A_146 : memref<50048x32xf32, #tpu.memory_space<vmem_shared>>) offsets(%dma_start3A_143 : memref<128xi32, #tpu.memory_space<vmem>>) semaphore(%arg12 : memref<!tpu.dma_semaphore, #tpu.memory_space<semaphore_mem>>) {add = true}
    }
    %scan3A_47 = arith.constant 262 : i32
    %dma_wait3A = arith.constant 1 : i32
    %dma_wait3A_48 = arith.constant 0 : i32
    %dma_wait3A_49 = arith.constant 0 : i32
    %dma_wait3A_50 = tpu.memref_slice %arg9[%dma_wait3A, %dma_wait3A_48, %dma_wait3A_49] : memref<2x384x32xf32, #tpu.memory_space<vmem>> -> memref<1x384x32xf32, #tpu.memory_space<vmem>>
    %dma_wait3A_51 = tpu.memref_squeeze %dma_wait3A_50 : memref<1x384x32xf32, #tpu.memory_space<vmem>> -> memref<384x32xf32, #tpu.memory_space<vmem>>
    %dma_wait3A_52 = arith.constant 0 : i32
    %dma_wait3A_53 = arith.constant 0 : i32
    %dma_wait3A_54 = tpu.memref_slice %arg10[%dma_wait3A_52, %dma_wait3A_53] : memref<50048x32xf32, #tpu.memory_space<vmem_shared>> -> memref<384x32xf32, #tpu.memory_space<vmem_shared>>
    %dma_wait3A_55 = arith.constant 0 : i32
    %dma_wait3A_56 = arith.constant 0 : i32
    %dma_wait3A_57 = tpu.memref_slice %arg10[%dma_wait3A_55, %dma_wait3A_56] : memref<50048x32xf32, #tpu.memory_space<vmem_shared>> -> memref<384x32xf32, #tpu.memory_space<vmem_shared>>
    %dma_wait3A_58 = arith.constant 0 : i32
    %dma_wait3A_59 = arith.constant 0 : i32
    %dma_wait3A_60 = tpu.memref_slice %arg9[%dma_wait3A, %dma_wait3A_58, %dma_wait3A_59] : memref<2x384x32xf32, #tpu.memory_space<vmem>> -> memref<1x384x32xf32, #tpu.memory_space<vmem>>
    %dma_wait3A_61 = tpu.memref_squeeze %dma_wait3A_60 : memref<1x384x32xf32, #tpu.memory_space<vmem>> -> memref<384x32xf32, #tpu.memory_space<vmem>>
    tpu.wait_dma2 semaphore(%arg12 : memref<!tpu.dma_semaphore, #tpu.memory_space<semaphore_mem>>) src(%dma_wait3A_61 : memref<384x32xf32, #tpu.memory_space<vmem>>) dst(%dma_wait3A_57 : memref<384x32xf32, #tpu.memory_space<vmem_shared>>)
    %barrier3A_62 = arith.constant 0 : index
    tpu.barrier barrier_id(%barrier3A_62)
    %lt3A = arith.constant 15 : i32
    %lt3A_63 = arith.cmpi slt, %arg1, %lt3A : i32
    %convert_element_type3A = arith.extui %lt3A_63 : i1 to i32
    %cond3A = arith.constant 0 : i32
    %cond3A_64 = arith.cmpi ne, %convert_element_type3A, %cond3A : i32
    scf.if %cond3A_64 {
      %mul3A_69 = arith.constant 3128 : i32
      %mul3A_70 = arith.muli %arg1, %mul3A_69 : i32
      %mul3A_71 = arith.constant 50000 : i32
      %mul3A_72 = arith.muli %arg0, %mul3A_71 : i32
      %mul3A_73 = arith.constant 3128 : i32
      %mul3A_74 = arith.muli %arg1, %mul3A_73 : i32
      %add3A_75 = arith.addi %mul3A_72, %mul3A_74 : i32
      "tpu.region"() ({
        %run_scoped3A_76 = tpu.sem_alloc : memref<!tpu.dma_semaphore, #tpu.memory_space<semaphore_mem>>
        %dma_start3A_77 = arith.constant 0 : i32
        %dma_start3A_78 = tpu.memref_slice %arg6[%add3A_75, %dma_start3A_77] : memref<100000x32xf32, #tpu.memory_space<hbm>> -> memref<3128x32xf32, #tpu.memory_space<hbm>>
        %dma_start3A_79 = arith.constant 0 : i32
        %dma_start3A_80 = tpu.memref_slice %arg10[%mul3A_70, %dma_start3A_79] : memref<50048x32xf32, #tpu.memory_space<vmem_shared>> -> memref<3128x32xf32, #tpu.memory_space<vmem_shared>>
        tpu.enqueue_dma source(%dma_start3A_80 : memref<3128x32xf32, #tpu.memory_space<vmem_shared>>) target(%dma_start3A_78 : memref<3128x32xf32, #tpu.memory_space<hbm>>) target_semaphore(%run_scoped3A_76 : memref<!tpu.dma_semaphore, #tpu.memory_space<semaphore_mem>>)
        %dma_wait3A_81 = arith.constant 0 : i32
        %dma_wait3A_82 = tpu.memref_slice %arg6[%add3A_75, %dma_wait3A_81] : memref<100000x32xf32, #tpu.memory_space<hbm>> -> memref<3128x32xf32, #tpu.memory_space<hbm>>
        %dma_wait3A_83 = arith.constant 0 : i32
        %dma_wait3A_84 = tpu.memref_slice %arg10[%mul3A_70, %dma_wait3A_83] : memref<50048x32xf32, #tpu.memory_space<vmem_shared>> -> memref<3128x32xf32, #tpu.memory_space<vmem_shared>>
        tpu.wait_dma2 semaphore(%run_scoped3A_76 : memref<!tpu.dma_semaphore, #tpu.memory_space<semaphore_mem>>) src(%dma_wait3A_84 : memref<3128x32xf32, #tpu.memory_space<vmem_shared>>) dst(%dma_wait3A_82 : memref<3128x32xf32, #tpu.memory_space<hbm>>)
        tpu.yield
      }) : () -> ()
    } else {
    }
    %eq3A = arith.constant 15 : i32
    %eq3A_65 = arith.cmpi eq, %arg1, %eq3A : i32
    %convert_element_type3A_66 = arith.extui %eq3A_65 : i1 to i32
    %cond3A_67 = arith.constant 0 : i32
    %cond3A_68 = arith.cmpi ne, %convert_element_type3A_66, %cond3A_67 : i32
    scf.if %cond3A_68 {
      %mul3A_69 = arith.constant 50000 : i32
      %mul3A_70 = arith.muli %arg0, %mul3A_69 : i32
      %add3A_71 = arith.constant 46920 : i32
      %add3A_72 = arith.addi %mul3A_70, %add3A_71 : i32
      "tpu.region"() ({
        %run_scoped3A_73 = tpu.sem_alloc : memref<!tpu.dma_semaphore, #tpu.memory_space<semaphore_mem>>
        %dma_start3A_74 = arith.constant 0 : i32
        %dma_start3A_75 = tpu.memref_slice %arg6[%add3A_72, %dma_start3A_74] : memref<100000x32xf32, #tpu.memory_space<hbm>> -> memref<3080x32xf32, #tpu.memory_space<hbm>>
        %dma_start3A_76 = arith.constant 46920 : i32
        %dma_start3A_77 = arith.constant 0 : i32
        %dma_start3A_78 = tpu.memref_slice %arg10[%dma_start3A_76, %dma_start3A_77] : memref<50048x32xf32, #tpu.memory_space<vmem_shared>> -> memref<3080x32xf32, #tpu.memory_space<vmem_shared>>
        tpu.enqueue_dma source(%dma_start3A_78 : memref<3080x32xf32, #tpu.memory_space<vmem_shared>>) target(%dma_start3A_75 : memref<3080x32xf32, #tpu.memory_space<hbm>>) target_semaphore(%run_scoped3A_73 : memref<!tpu.dma_semaphore, #tpu.memory_space<semaphore_mem>>)
        %dma_wait3A_79 = arith.constant 0 : i32
        %dma_wait3A_80 = tpu.memref_slice %arg6[%add3A_72, %dma_wait3A_79] : memref<100000x32xf32, #tpu.memory_space<hbm>> -> memref<3080x32xf32, #tpu.memory_space<hbm>>
        %dma_wait3A_81 = arith.constant 46920 : i32
        %dma_wait3A_82 = arith.constant 0 : i32
        %dma_wait3A_83 = tpu.memref_slice %arg10[%dma_wait3A_81, %dma_wait3A_82] : memref<50048x32xf32, #tpu.memory_space<vmem_shared>> -> memref<3080x32xf32, #tpu.memory_space<vmem_shared>>
        tpu.wait_dma2 semaphore(%run_scoped3A_73 : memref<!tpu.dma_semaphore, #tpu.memory_space<semaphore_mem>>) src(%dma_wait3A_83 : memref<3080x32xf32, #tpu.memory_space<vmem_shared>>) dst(%dma_wait3A_80 : memref<3080x32xf32, #tpu.memory_space<hbm>>)
        tpu.yield
      }) : () -> ()
    } else {
    }
    return
  }
}

#map = affine_map<(d0, d1) -> (0, 0)>
#map1 = affine_map<(d0, d1) -> (0, 0, 0)>
module attributes {stable_mosaic.version = 14 : i64} {
  func.func @_edge_scatter_body(%arg0: i32, %arg1: i32, %arg2: memref<100000x32xf32, #tpu.memory_space<hbm>>, %arg3: memref<2x12576x128xi32, #tpu.memory_space<hbm>>, %arg4: memref<12576x128xi32, #tpu.memory_space<hbm>>, %arg5: memref<3128x32xf32, #tpu.memory_space<hbm>>, %arg6: memref<100000x32xf32, #tpu.memory_space<hbm>>, %arg7: memref<2x3x128xi32, #tpu.memory_space<vmem>>, %arg8: memref<2x3x128xi32, #tpu.memory_space<vmem>>, %arg9: memref<2x384x32xf32, #tpu.memory_space<vmem>>, %arg10: memref<50048x32xf32, #tpu.memory_space<vmem_shared>>, %arg11: memref<!tpu.dma_semaphore, #tpu.memory_space<semaphore_mem>>, %arg12: memref<!tpu.dma_semaphore, #tpu.memory_space<semaphore_mem>>) attributes {dimension_semantics = [#tpu.dimension_semantics<core_parallel>, #tpu.dimension_semantics<subcore_parallel>], iteration_bounds = array<i64: 2, 16>, scalar_prefetch = 0 : i64, scratch_operands = 6 : i64, tpu.core_type = #tpu.core_type<sc_vector_subcore>, window_params = [{transform_indices = #map}, {transform_indices = #map1}, {transform_indices = #map}, {transform_indices = #map}, {transform_indices = #map}]} {
    %mul3A = arith.constant 3128 : i32
    %mul3A_0 = arith.muli %arg1, %mul3A : i32
    "tpu.region"() ({
      %run_scoped3A_69 = tpu.sem_alloc : memref<!tpu.dma_semaphore, #tpu.memory_space<semaphore_mem>>
      %dma_start3A_70 = arith.constant 0 : i32
      %dma_start3A_71 = tpu.memref_slice %arg10[%mul3A_0, %dma_start3A_70] : memref<50048x32xf32, #tpu.memory_space<vmem_shared>> -> memref<3128x32xf32, #tpu.memory_space<vmem_shared>>
      tpu.enqueue_dma source(%arg5 : memref<3128x32xf32, #tpu.memory_space<hbm>>) target(%dma_start3A_71 : memref<3128x32xf32, #tpu.memory_space<vmem_shared>>) target_semaphore(%run_scoped3A_69 : memref<!tpu.dma_semaphore, #tpu.memory_space<semaphore_mem>>)
      %dma_wait3A_72 = arith.constant 0 : i32
      %dma_wait3A_73 = tpu.memref_slice %arg10[%mul3A_0, %dma_wait3A_72] : memref<50048x32xf32, #tpu.memory_space<vmem_shared>> -> memref<3128x32xf32, #tpu.memory_space<vmem_shared>>
      tpu.wait_dma2 semaphore(%run_scoped3A_69 : memref<!tpu.dma_semaphore, #tpu.memory_space<semaphore_mem>>) src(%arg5 : memref<3128x32xf32, #tpu.memory_space<hbm>>) dst(%dma_wait3A_73 : memref<3128x32xf32, #tpu.memory_space<vmem_shared>>)
      tpu.yield
    }) : () -> ()
    %barrier3A = arith.constant 0 : index
    tpu.barrier barrier_id(%barrier3A)
    %mul3A_1 = arith.constant 786 : i32
    %mul3A_2 = arith.muli %arg1, %mul3A_1 : i32
    %add3A = arith.constant 0 : i32
    %add3A_3 = arith.addi %mul3A_2, %add3A : i32
    %run_scoped3A = arith.constant 0 : i32
    "tpu.region"() ({
      %run_scoped3A_69 = tpu.sem_alloc : memref<!tpu.dma_semaphore, #tpu.memory_space<semaphore_mem>>
      %dma_start3A_70 = arith.constant 0 : i32
      %dma_start3A_71 = arith.constant 0 : i32
      %dma_start3A_72 = tpu.memref_slice %arg7[%run_scoped3A, %dma_start3A_70, %dma_start3A_71] : memref<2x3x128xi32, #tpu.memory_space<vmem>> -> memref<1x3x128xi32, #tpu.memory_space<vmem>>
      %dma_start3A_73 = tpu.memref_squeeze %dma_start3A_72 : memref<1x3x128xi32, #tpu.memory_space<vmem>> -> memref<3x128xi32, #tpu.memory_space<vmem>>
      %dma_start3A_74 = arith.constant 0 : i32
      %dma_start3A_75 = tpu.memref_slice %arg3[%arg0, %add3A_3, %dma_start3A_74] : memref<2x12576x128xi32, #tpu.memory_space<hbm>> -> memref<1x3x128xi32, #tpu.memory_space<hbm>>
      %dma_start3A_76 = tpu.memref_squeeze %dma_start3A_75 : memref<1x3x128xi32, #tpu.memory_space<hbm>> -> memref<3x128xi32, #tpu.memory_space<hbm>>
      %dma_start3A_77 = arith.constant 0 : i32
      %dma_start3A_78 = arith.constant 0 : i32
      %dma_start3A_79 = tpu.memref_slice %arg7[%run_scoped3A, %dma_start3A_77, %dma_start3A_78] : memref<2x3x128xi32, #tpu.memory_space<vmem>> -> memref<1x3x128xi32, #tpu.memory_space<vmem>>
      %dma_start3A_80 = tpu.memref_squeeze %dma_start3A_79 : memref<1x3x128xi32, #tpu.memory_space<vmem>> -> memref<3x128xi32, #tpu.memory_space<vmem>>
      %dma_start3A_81 = arith.constant 0 : i32
      %dma_start3A_82 = tpu.memref_slice %arg3[%arg0, %add3A_3, %dma_start3A_81] : memref<2x12576x128xi32, #tpu.memory_space<hbm>> -> memref<1x3x128xi32, #tpu.memory_space<hbm>>
      %dma_start3A_83 = tpu.memref_squeeze %dma_start3A_82 : memref<1x3x128xi32, #tpu.memory_space<hbm>> -> memref<3x128xi32, #tpu.memory_space<hbm>>
      tpu.enqueue_dma source(%dma_start3A_83 : memref<3x128xi32, #tpu.memory_space<hbm>>) target(%dma_start3A_80 : memref<3x128xi32, #tpu.memory_space<vmem>>) target_semaphore(%run_scoped3A_69 : memref<!tpu.dma_semaphore, #tpu.memory_space<semaphore_mem>>)
      %dma_wait3A_84 = arith.constant 0 : i32
      %dma_wait3A_85 = arith.constant 0 : i32
      %dma_wait3A_86 = tpu.memref_slice %arg7[%run_scoped3A, %dma_wait3A_84, %dma_wait3A_85] : memref<2x3x128xi32, #tpu.memory_space<vmem>> -> memref<1x3x128xi32, #tpu.memory_space<vmem>>
      %dma_wait3A_87 = tpu.memref_squeeze %dma_wait3A_86 : memref<1x3x128xi32, #tpu.memory_space<vmem>> -> memref<3x128xi32, #tpu.memory_space<vmem>>
      %dma_wait3A_88 = arith.constant 0 : i32
      %dma_wait3A_89 = tpu.memref_slice %arg3[%arg0, %add3A_3, %dma_wait3A_88] : memref<2x12576x128xi32, #tpu.memory_space<hbm>> -> memref<1x3x128xi32, #tpu.memory_space<hbm>>
      %dma_wait3A_90 = tpu.memref_squeeze %dma_wait3A_89 : memref<1x3x128xi32, #tpu.memory_space<hbm>> -> memref<3x128xi32, #tpu.memory_space<hbm>>
      %dma_wait3A_91 = arith.constant 0 : i32
      %dma_wait3A_92 = arith.constant 0 : i32
      %dma_wait3A_93 = tpu.memref_slice %arg7[%run_scoped3A, %dma_wait3A_91, %dma_wait3A_92] : memref<2x3x128xi32, #tpu.memory_space<vmem>> -> memref<1x3x128xi32, #tpu.memory_space<vmem>>
      %dma_wait3A_94 = tpu.memref_squeeze %dma_wait3A_93 : memref<1x3x128xi32, #tpu.memory_space<vmem>> -> memref<3x128xi32, #tpu.memory_space<vmem>>
      %dma_wait3A_95 = arith.constant 0 : i32
      %dma_wait3A_96 = tpu.memref_slice %arg3[%arg0, %add3A_3, %dma_wait3A_95] : memref<2x12576x128xi32, #tpu.memory_space<hbm>> -> memref<1x3x128xi32, #tpu.memory_space<hbm>>
      %dma_wait3A_97 = tpu.memref_squeeze %dma_wait3A_96 : memref<1x3x128xi32, #tpu.memory_space<hbm>> -> memref<3x128xi32, #tpu.memory_space<hbm>>
      tpu.wait_dma2 semaphore(%run_scoped3A_69 : memref<!tpu.dma_semaphore, #tpu.memory_space<semaphore_mem>>) src(%dma_wait3A_97 : memref<3x128xi32, #tpu.memory_space<hbm>>) dst(%dma_wait3A_94 : memref<3x128xi32, #tpu.memory_space<vmem>>)
      tpu.yield
    }) : () -> ()
    %run_scoped3A_4 = arith.constant 0 : i32
    "tpu.region"() ({
      %run_scoped3A_69 = tpu.sem_alloc : memref<!tpu.dma_semaphore, #tpu.memory_space<semaphore_mem>>
      %dma_start3A_70 = arith.constant 0 : i32
      %dma_start3A_71 = arith.constant 0 : i32
      %dma_start3A_72 = tpu.memref_slice %arg8[%run_scoped3A_4, %dma_start3A_70, %dma_start3A_71] : memref<2x3x128xi32, #tpu.memory_space<vmem>> -> memref<1x3x128xi32, #tpu.memory_space<vmem>>
      %dma_start3A_73 = tpu.memref_squeeze %dma_start3A_72 : memref<1x3x128xi32, #tpu.memory_space<vmem>> -> memref<3x128xi32, #tpu.memory_space<vmem>>
      %dma_start3A_74 = arith.constant 0 : i32
      %dma_start3A_75 = tpu.memref_slice %arg4[%add3A_3, %dma_start3A_74] : memref<12576x128xi32, #tpu.memory_space<hbm>> -> memref<3x128xi32, #tpu.memory_space<hbm>>
      %dma_start3A_76 = arith.constant 0 : i32
      %dma_start3A_77 = arith.constant 0 : i32
      %dma_start3A_78 = tpu.memref_slice %arg8[%run_scoped3A_4, %dma_start3A_76, %dma_start3A_77] : memref<2x3x128xi32, #tpu.memory_space<vmem>> -> memref<1x3x128xi32, #tpu.memory_space<vmem>>
      %dma_start3A_79 = tpu.memref_squeeze %dma_start3A_78 : memref<1x3x128xi32, #tpu.memory_space<vmem>> -> memref<3x128xi32, #tpu.memory_space<vmem>>
      %dma_start3A_80 = arith.constant 0 : i32
      %dma_start3A_81 = tpu.memref_slice %arg4[%add3A_3, %dma_start3A_80] : memref<12576x128xi32, #tpu.memory_space<hbm>> -> memref<3x128xi32, #tpu.memory_space<hbm>>
      tpu.enqueue_dma source(%dma_start3A_81 : memref<3x128xi32, #tpu.memory_space<hbm>>) target(%dma_start3A_79 : memref<3x128xi32, #tpu.memory_space<vmem>>) target_semaphore(%run_scoped3A_69 : memref<!tpu.dma_semaphore, #tpu.memory_space<semaphore_mem>>)
      %dma_wait3A_82 = arith.constant 0 : i32
      %dma_wait3A_83 = arith.constant 0 : i32
      %dma_wait3A_84 = tpu.memref_slice %arg8[%run_scoped3A_4, %dma_wait3A_82, %dma_wait3A_83] : memref<2x3x128xi32, #tpu.memory_space<vmem>> -> memref<1x3x128xi32, #tpu.memory_space<vmem>>
      %dma_wait3A_85 = tpu.memref_squeeze %dma_wait3A_84 : memref<1x3x128xi32, #tpu.memory_space<vmem>> -> memref<3x128xi32, #tpu.memory_space<vmem>>
      %dma_wait3A_86 = arith.constant 0 : i32
      %dma_wait3A_87 = tpu.memref_slice %arg4[%add3A_3, %dma_wait3A_86] : memref<12576x128xi32, #tpu.memory_space<hbm>> -> memref<3x128xi32, #tpu.memory_space<hbm>>
      %dma_wait3A_88 = arith.constant 0 : i32
      %dma_wait3A_89 = arith.constant 0 : i32
      %dma_wait3A_90 = tpu.memref_slice %arg8[%run_scoped3A_4, %dma_wait3A_88, %dma_wait3A_89] : memref<2x3x128xi32, #tpu.memory_space<vmem>> -> memref<1x3x128xi32, #tpu.memory_space<vmem>>
      %dma_wait3A_91 = tpu.memref_squeeze %dma_wait3A_90 : memref<1x3x128xi32, #tpu.memory_space<vmem>> -> memref<3x128xi32, #tpu.memory_space<vmem>>
      %dma_wait3A_92 = arith.constant 0 : i32
      %dma_wait3A_93 = tpu.memref_slice %arg4[%add3A_3, %dma_wait3A_92] : memref<12576x128xi32, #tpu.memory_space<hbm>> -> memref<3x128xi32, #tpu.memory_space<hbm>>
      tpu.wait_dma2 semaphore(%run_scoped3A_69 : memref<!tpu.dma_semaphore, #tpu.memory_space<semaphore_mem>>) src(%dma_wait3A_93 : memref<3x128xi32, #tpu.memory_space<hbm>>) dst(%dma_wait3A_91 : memref<3x128xi32, #tpu.memory_space<vmem>>)
      tpu.yield
    }) : () -> ()
    %dma_start3A = arith.constant 0 : i32
    %dma_start3A_5 = arith.constant 0 : i32
    %dma_start3A_6 = arith.constant 0 : i32
    %dma_start3A_7 = arith.constant 0 : i32
    %dma_start3A_8 = arith.constant 0 : i32
    %dma_start3A_9 = tpu.memref_slice %arg9[%dma_start3A_6, %dma_start3A_7, %dma_start3A_8] : memref<2x384x32xf32, #tpu.memory_space<vmem>> -> memref<1x128x32xf32, #tpu.memory_space<vmem>>
    %dma_start3A_10 = tpu.memref_squeeze %dma_start3A_9 : memref<1x128x32xf32, #tpu.memory_space<vmem>> -> memref<128x32xf32, #tpu.memory_space<vmem>>
    %dma_start3A_11 = arith.constant 0 : i32
    %dma_start3A_12 = tpu.memref_slice %arg7[%dma_start3A, %dma_start3A_5, %dma_start3A_11] : memref<2x3x128xi32, #tpu.memory_space<vmem>> -> memref<1x1x128xi32, #tpu.memory_space<vmem>>
    %dma_start3A_13 = tpu.memref_squeeze %dma_start3A_12 : memref<1x1x128xi32, #tpu.memory_space<vmem>> -> memref<128xi32, #tpu.memory_space<vmem>>
    %dma_start3A_14 = arith.constant 0 : i32
    %dma_start3A_15 = arith.constant 0 : i32
    %dma_start3A_16 = tpu.memref_slice %arg2[%dma_start3A_14, %dma_start3A_15] : memref<100000x32xf32, #tpu.memory_space<hbm>> -> memref<100000x32xf32, #tpu.memory_space<hbm>>
    tpu.enqueue_indirect_dma source(%dma_start3A_16 : memref<100000x32xf32, #tpu.memory_space<hbm>>) target(%dma_start3A_10 : memref<128x32xf32, #tpu.memory_space<vmem>>) offsets(%dma_start3A_13 : memref<128xi32, #tpu.memory_space<vmem>>) semaphore(%arg11 : memref<!tpu.dma_semaphore, #tpu.memory_space<semaphore_mem>>)
    %dma_start3A_17 = arith.constant 0 : i32
    %dma_start3A_18 = arith.constant 1 : i32
    %dma_start3A_19 = arith.constant 0 : i32
    %dma_start3A_20 = arith.constant 128 : i32
    %dma_start3A_21 = arith.constant 0 : i32
    %dma_start3A_22 = tpu.memref_slice %arg9[%dma_start3A_19, %dma_start3A_20, %dma_start3A_21] : memref<2x384x32xf32, #tpu.memory_space<vmem>> -> memref<1x128x32xf32, #tpu.memory_space<vmem>>
    %dma_start3A_23 = tpu.memref_squeeze %dma_start3A_22 : memref<1x128x32xf32, #tpu.memory_space<vmem>> -> memref<128x32xf32, #tpu.memory_space<vmem>>
    %dma_start3A_24 = arith.constant 0 : i32
    %dma_start3A_25 = tpu.memref_slice %arg7[%dma_start3A_17, %dma_start3A_18, %dma_start3A_24] : memref<2x3x128xi32, #tpu.memory_space<vmem>> -> memref<1x1x128xi32, #tpu.memory_space<vmem>>
    %dma_start3A_26 = tpu.memref_squeeze %dma_start3A_25 : memref<1x1x128xi32, #tpu.memory_space<vmem>> -> memref<128xi32, #tpu.memory_space<vmem>>
    %dma_start3A_27 = arith.constant 0 : i32
    %dma_start3A_28 = arith.constant 0 : i32
    %dma_start3A_29 = tpu.memref_slice %arg2[%dma_start3A_27, %dma_start3A_28] : memref<100000x32xf32, #tpu.memory_space<hbm>> -> memref<100000x32xf32, #tpu.memory_space<hbm>>
    tpu.enqueue_indirect_dma source(%dma_start3A_29 : memref<100000x32xf32, #tpu.memory_space<hbm>>) target(%dma_start3A_23 : memref<128x32xf32, #tpu.memory_space<vmem>>) offsets(%dma_start3A_26 : memref<128xi32, #tpu.memory_space<vmem>>) semaphore(%arg11 : memref<!tpu.dma_semaphore, #tpu.memory_space<semaphore_mem>>)
    %dma_start3A_30 = arith.constant 0 : i32
    %dma_start3A_31 = arith.constant 2 : i32
    %dma_start3A_32 = arith.constant 0 : i32
    %dma_start3A_33 = arith.constant 256 : i32
    %dma_start3A_34 = arith.constant 0 : i32
    %dma_start3A_35 = tpu.memref_slice %arg9[%dma_start3A_32, %dma_start3A_33, %dma_start3A_34] : memref<2x384x32xf32, #tpu.memory_space<vmem>> -> memref<1x128x32xf32, #tpu.memory_space<vmem>>
    %dma_start3A_36 = tpu.memref_squeeze %dma_start3A_35 : memref<1x128x32xf32, #tpu.memory_space<vmem>> -> memref<128x32xf32, #tpu.memory_space<vmem>>
    %dma_start3A_37 = arith.constant 0 : i32
    %dma_start3A_38 = tpu.memref_slice %arg7[%dma_start3A_30, %dma_start3A_31, %dma_start3A_37] : memref<2x3x128xi32, #tpu.memory_space<vmem>> -> memref<1x1x128xi32, #tpu.memory_space<vmem>>
    %dma_start3A_39 = tpu.memref_squeeze %dma_start3A_38 : memref<1x1x128xi32, #tpu.memory_space<vmem>> -> memref<128xi32, #tpu.memory_space<vmem>>
    %dma_start3A_40 = arith.constant 0 : i32
    %dma_start3A_41 = arith.constant 0 : i32
    %dma_start3A_42 = tpu.memref_slice %arg2[%dma_start3A_40, %dma_start3A_41] : memref<100000x32xf32, #tpu.memory_space<hbm>> -> memref<100000x32xf32, #tpu.memory_space<hbm>>
    tpu.enqueue_indirect_dma source(%dma_start3A_42 : memref<100000x32xf32, #tpu.memory_space<hbm>>) target(%dma_start3A_36 : memref<128x32xf32, #tpu.memory_space<vmem>>) offsets(%dma_start3A_39 : memref<128xi32, #tpu.memory_space<vmem>>) semaphore(%arg11 : memref<!tpu.dma_semaphore, #tpu.memory_space<semaphore_mem>>)
    %scan3A = arith.constant 0 : i32
    %scan3A_43 = arith.constant 0 : i32
    %scan3A_44 = arith.constant 262 : i32
    %scan3A_45 = arith.addi %scan3A_43, %scan3A_44 : i32
    %scan3A_46 = arith.constant 1 : i32
    scf.for %scan3A_69 = %scan3A_43 to %scan3A_45 step %scan3A_46  : i32 {
      %jit3A = arith.constant 2 : i32
      %eq3A_70 = arith.constant 0 : i32
      %eq3A_71 = arith.cmpi eq, %jit3A, %eq3A_70 : i32
      %jit3A_72 = arith.constant 1 : i32
      %select_n3A = arith.select %eq3A_71, %jit3A_72, %jit3A : i32
      %rem3A = arith.remsi %scan3A_69, %select_n3A : i32
      %ne3A = arith.constant 0 : i32
      %ne3A_73 = arith.cmpi ne, %rem3A, %ne3A : i32
      %lt3A_74 = arith.constant 0 : i32
      %lt3A_75 = arith.cmpi slt, %rem3A, %lt3A_74 : i32
      %lt3A_76 = arith.constant 0 : i32
      %lt3A_77 = arith.cmpi slt, %select_n3A, %lt3A_76 : i32
      %ne3A_78 = arith.xori %lt3A_75, %lt3A_77 : i1
      %and3A = arith.andi %ne3A_78, %ne3A_73 : i1
      %add3A_79 = arith.addi %rem3A, %select_n3A : i32
      %select_n3A_80 = arith.select %and3A, %add3A_79, %rem3A : i32
      %sub3A = arith.constant 1 : i32
      %sub3A_81 = arith.subi %sub3A, %select_n3A_80 : i32
      %ge3A = arith.constant 1 : i32
      %ge3A_82 = arith.cmpi sge, %scan3A_69, %ge3A : i32
      %convert_element_type3A_83 = arith.extui %ge3A_82 : i1 to i32
      %cond3A_84 = arith.constant 0 : i32
      %cond3A_85 = arith.cmpi ne, %convert_element_type3A_83, %cond3A_84 : i32
      scf.if %cond3A_85 {
        %dma_wait3A_147 = arith.constant 0 : i32
        %dma_wait3A_148 = arith.constant 0 : i32
        %dma_wait3A_149 = tpu.memref_slice %arg9[%sub3A_81, %dma_wait3A_147, %dma_wait3A_148] : memref<2x384x32xf32, #tpu.memory_space<vmem>> -> memref<1x384x32xf32, #tpu.memory_space<vmem>>
        %dma_wait3A_150 = tpu.memref_squeeze %dma_wait3A_149 : memref<1x384x32xf32, #tpu.memory_space<vmem>> -> memref<384x32xf32, #tpu.memory_space<vmem>>
        %dma_wait3A_151 = arith.constant 0 : i32
        %dma_wait3A_152 = arith.constant 0 : i32
        %dma_wait3A_153 = tpu.memref_slice %arg10[%dma_wait3A_151, %dma_wait3A_152] : memref<50048x32xf32, #tpu.memory_space<vmem_shared>> -> memref<384x32xf32, #tpu.memory_space<vmem_shared>>
        %dma_wait3A_154 = arith.constant 0 : i32
        %dma_wait3A_155 = arith.constant 0 : i32
        %dma_wait3A_156 = tpu.memref_slice %arg10[%dma_wait3A_154, %dma_wait3A_155] : memref<50048x32xf32, #tpu.memory_space<vmem_shared>> -> memref<384x32xf32, #tpu.memory_space<vmem_shared>>
        %dma_wait3A_157 = arith.constant 0 : i32
        %dma_wait3A_158 = arith.constant 0 : i32
        %dma_wait3A_159 = tpu.memref_slice %arg9[%sub3A_81, %dma_wait3A_157, %dma_wait3A_158] : memref<2x384x32xf32, #tpu.memory_space<vmem>> -> memref<1x384x32xf32, #tpu.memory_space<vmem>>
        %dma_wait3A_160 = tpu.memref_squeeze %dma_wait3A_159 : memref<1x384x32xf32, #tpu.memory_space<vmem>> -> memref<384x32xf32, #tpu.memory_space<vmem>>
        tpu.wait_dma2 semaphore(%arg12 : memref<!tpu.dma_semaphore, #tpu.memory_space<semaphore_mem>>) src(%dma_wait3A_160 : memref<384x32xf32, #tpu.memory_space<vmem>>) dst(%dma_wait3A_156 : memref<384x32xf32, #tpu.memory_space<vmem_shared>>)
      } else {
      }
      %add3A_86 = arith.constant 1 : i32
      %add3A_87 = arith.addi %scan3A_69, %add3A_86 : i32
      %lt3A_88 = arith.constant 262 : i32
      %lt3A_89 = arith.cmpi slt, %add3A_87, %lt3A_88 : i32
      %convert_element_type3A_90 = arith.extui %lt3A_89 : i1 to i32
      %cond3A_91 = arith.constant 0 : i32
      %cond3A_92 = arith.cmpi ne, %convert_element_type3A_90, %cond3A_91 : i32
      scf.if %cond3A_92 {
        %add3A_147 = arith.constant 1 : i32
        %add3A_148 = arith.addi %scan3A_69, %add3A_147 : i32
        %mul3A_149 = arith.constant 3 : i32
        %mul3A_150 = arith.muli %add3A_148, %mul3A_149 : i32
        %add3A_151 = arith.addi %mul3A_2, %mul3A_150 : i32
        "tpu.region"() ({
          %run_scoped3A_152 = tpu.sem_alloc : memref<!tpu.dma_semaphore, #tpu.memory_space<semaphore_mem>>
          %dma_start3A_153 = arith.constant 0 : i32
          %dma_start3A_154 = arith.constant 0 : i32
          %dma_start3A_155 = tpu.memref_slice %arg7[%sub3A_81, %dma_start3A_153, %dma_start3A_154] : memref<2x3x128xi32, #tpu.memory_space<vmem>> -> memref<1x3x128xi32, #tpu.memory_space<vmem>>
          %dma_start3A_156 = tpu.memref_squeeze %dma_start3A_155 : memref<1x3x128xi32, #tpu.memory_space<vmem>> -> memref<3x128xi32, #tpu.memory_space<vmem>>
          %dma_start3A_157 = arith.constant 0 : i32
          %dma_start3A_158 = tpu.memref_slice %arg3[%arg0, %add3A_151, %dma_start3A_157] : memref<2x12576x128xi32, #tpu.memory_space<hbm>> -> memref<1x3x128xi32, #tpu.memory_space<hbm>>
          %dma_start3A_159 = tpu.memref_squeeze %dma_start3A_158 : memref<1x3x128xi32, #tpu.memory_space<hbm>> -> memref<3x128xi32, #tpu.memory_space<hbm>>
          %dma_start3A_160 = arith.constant 0 : i32
          %dma_start3A_161 = arith.constant 0 : i32
          %dma_start3A_162 = tpu.memref_slice %arg7[%sub3A_81, %dma_start3A_160, %dma_start3A_161] : memref<2x3x128xi32, #tpu.memory_space<vmem>> -> memref<1x3x128xi32, #tpu.memory_space<vmem>>
          %dma_start3A_163 = tpu.memref_squeeze %dma_start3A_162 : memref<1x3x128xi32, #tpu.memory_space<vmem>> -> memref<3x128xi32, #tpu.memory_space<vmem>>
          %dma_start3A_164 = arith.constant 0 : i32
          %dma_start3A_165 = tpu.memref_slice %arg3[%arg0, %add3A_151, %dma_start3A_164] : memref<2x12576x128xi32, #tpu.memory_space<hbm>> -> memref<1x3x128xi32, #tpu.memory_space<hbm>>
          %dma_start3A_166 = tpu.memref_squeeze %dma_start3A_165 : memref<1x3x128xi32, #tpu.memory_space<hbm>> -> memref<3x128xi32, #tpu.memory_space<hbm>>
          tpu.enqueue_dma source(%dma_start3A_166 : memref<3x128xi32, #tpu.memory_space<hbm>>) target(%dma_start3A_163 : memref<3x128xi32, #tpu.memory_space<vmem>>) target_semaphore(%run_scoped3A_152 : memref<!tpu.dma_semaphore, #tpu.memory_space<semaphore_mem>>)
          %dma_wait3A_167 = arith.constant 0 : i32
          %dma_wait3A_168 = arith.constant 0 : i32
          %dma_wait3A_169 = tpu.memref_slice %arg7[%sub3A_81, %dma_wait3A_167, %dma_wait3A_168] : memref<2x3x128xi32, #tpu.memory_space<vmem>> -> memref<1x3x128xi32, #tpu.memory_space<vmem>>
          %dma_wait3A_170 = tpu.memref_squeeze %dma_wait3A_169 : memref<1x3x128xi32, #tpu.memory_space<vmem>> -> memref<3x128xi32, #tpu.memory_space<vmem>>
          %dma_wait3A_171 = arith.constant 0 : i32
          %dma_wait3A_172 = tpu.memref_slice %arg3[%arg0, %add3A_151, %dma_wait3A_171] : memref<2x12576x128xi32, #tpu.memory_space<hbm>> -> memref<1x3x128xi32, #tpu.memory_space<hbm>>
          %dma_wait3A_173 = tpu.memref_squeeze %dma_wait3A_172 : memref<1x3x128xi32, #tpu.memory_space<hbm>> -> memref<3x128xi32, #tpu.memory_space<hbm>>
          %dma_wait3A_174 = arith.constant 0 : i32
          %dma_wait3A_175 = arith.constant 0 : i32
          %dma_wait3A_176 = tpu.memref_slice %arg7[%sub3A_81, %dma_wait3A_174, %dma_wait3A_175] : memref<2x3x128xi32, #tpu.memory_space<vmem>> -> memref<1x3x128xi32, #tpu.memory_space<vmem>>
          %dma_wait3A_177 = tpu.memref_squeeze %dma_wait3A_176 : memref<1x3x128xi32, #tpu.memory_space<vmem>> -> memref<3x128xi32, #tpu.memory_space<vmem>>
          %dma_wait3A_178 = arith.constant 0 : i32
          %dma_wait3A_179 = tpu.memref_slice %arg3[%arg0, %add3A_151, %dma_wait3A_178] : memref<2x12576x128xi32, #tpu.memory_space<hbm>> -> memref<1x3x128xi32, #tpu.memory_space<hbm>>
          %dma_wait3A_180 = tpu.memref_squeeze %dma_wait3A_179 : memref<1x3x128xi32, #tpu.memory_space<hbm>> -> memref<3x128xi32, #tpu.memory_space<hbm>>
          tpu.wait_dma2 semaphore(%run_scoped3A_152 : memref<!tpu.dma_semaphore, #tpu.memory_space<semaphore_mem>>) src(%dma_wait3A_180 : memref<3x128xi32, #tpu.memory_space<hbm>>) dst(%dma_wait3A_177 : memref<3x128xi32, #tpu.memory_space<vmem>>)
          tpu.yield
        }) : () -> ()
        "tpu.region"() ({
          %run_scoped3A_152 = tpu.sem_alloc : memref<!tpu.dma_semaphore, #tpu.memory_space<semaphore_mem>>
          %dma_start3A_153 = arith.constant 0 : i32
          %dma_start3A_154 = arith.constant 0 : i32
          %dma_start3A_155 = tpu.memref_slice %arg8[%sub3A_81, %dma_start3A_153, %dma_start3A_154] : memref<2x3x128xi32, #tpu.memory_space<vmem>> -> memref<1x3x128xi32, #tpu.memory_space<vmem>>
          %dma_start3A_156 = tpu.memref_squeeze %dma_start3A_155 : memref<1x3x128xi32, #tpu.memory_space<vmem>> -> memref<3x128xi32, #tpu.memory_space<vmem>>
          %dma_start3A_157 = arith.constant 0 : i32
          %dma_start3A_158 = tpu.memref_slice %arg4[%add3A_151, %dma_start3A_157] : memref<12576x128xi32, #tpu.memory_space<hbm>> -> memref<3x128xi32, #tpu.memory_space<hbm>>
          %dma_start3A_159 = arith.constant 0 : i32
          %dma_start3A_160 = arith.constant 0 : i32
          %dma_start3A_161 = tpu.memref_slice %arg8[%sub3A_81, %dma_start3A_159, %dma_start3A_160] : memref<2x3x128xi32, #tpu.memory_space<vmem>> -> memref<1x3x128xi32, #tpu.memory_space<vmem>>
          %dma_start3A_162 = tpu.memref_squeeze %dma_start3A_161 : memref<1x3x128xi32, #tpu.memory_space<vmem>> -> memref<3x128xi32, #tpu.memory_space<vmem>>
          %dma_start3A_163 = arith.constant 0 : i32
          %dma_start3A_164 = tpu.memref_slice %arg4[%add3A_151, %dma_start3A_163] : memref<12576x128xi32, #tpu.memory_space<hbm>> -> memref<3x128xi32, #tpu.memory_space<hbm>>
          tpu.enqueue_dma source(%dma_start3A_164 : memref<3x128xi32, #tpu.memory_space<hbm>>) target(%dma_start3A_162 : memref<3x128xi32, #tpu.memory_space<vmem>>) target_semaphore(%run_scoped3A_152 : memref<!tpu.dma_semaphore, #tpu.memory_space<semaphore_mem>>)
          %dma_wait3A_165 = arith.constant 0 : i32
          %dma_wait3A_166 = arith.constant 0 : i32
          %dma_wait3A_167 = tpu.memref_slice %arg8[%sub3A_81, %dma_wait3A_165, %dma_wait3A_166] : memref<2x3x128xi32, #tpu.memory_space<vmem>> -> memref<1x3x128xi32, #tpu.memory_space<vmem>>
          %dma_wait3A_168 = tpu.memref_squeeze %dma_wait3A_167 : memref<1x3x128xi32, #tpu.memory_space<vmem>> -> memref<3x128xi32, #tpu.memory_space<vmem>>
          %dma_wait3A_169 = arith.constant 0 : i32
          %dma_wait3A_170 = tpu.memref_slice %arg4[%add3A_151, %dma_wait3A_169] : memref<12576x128xi32, #tpu.memory_space<hbm>> -> memref<3x128xi32, #tpu.memory_space<hbm>>
          %dma_wait3A_171 = arith.constant 0 : i32
          %dma_wait3A_172 = arith.constant 0 : i32
          %dma_wait3A_173 = tpu.memref_slice %arg8[%sub3A_81, %dma_wait3A_171, %dma_wait3A_172] : memref<2x3x128xi32, #tpu.memory_space<vmem>> -> memref<1x3x128xi32, #tpu.memory_space<vmem>>
          %dma_wait3A_174 = tpu.memref_squeeze %dma_wait3A_173 : memref<1x3x128xi32, #tpu.memory_space<vmem>> -> memref<3x128xi32, #tpu.memory_space<vmem>>
          %dma_wait3A_175 = arith.constant 0 : i32
          %dma_wait3A_176 = tpu.memref_slice %arg4[%add3A_151, %dma_wait3A_175] : memref<12576x128xi32, #tpu.memory_space<hbm>> -> memref<3x128xi32, #tpu.memory_space<hbm>>
          tpu.wait_dma2 semaphore(%run_scoped3A_152 : memref<!tpu.dma_semaphore, #tpu.memory_space<semaphore_mem>>) src(%dma_wait3A_176 : memref<3x128xi32, #tpu.memory_space<hbm>>) dst(%dma_wait3A_174 : memref<3x128xi32, #tpu.memory_space<vmem>>)
          tpu.yield
        }) : () -> ()
      } else {
      }
      %dma_wait3A_93 = arith.constant 0 : i32
      %dma_wait3A_94 = arith.constant 0 : i32
      %dma_wait3A_95 = tpu.memref_slice %arg9[%select_n3A_80, %dma_wait3A_93, %dma_wait3A_94] : memref<2x384x32xf32, #tpu.memory_space<vmem>> -> memref<1x384x32xf32, #tpu.memory_space<vmem>>
      %dma_wait3A_96 = tpu.memref_squeeze %dma_wait3A_95 : memref<1x384x32xf32, #tpu.memory_space<vmem>> -> memref<384x32xf32, #tpu.memory_space<vmem>>
      %dma_wait3A_97 = arith.constant 0 : i32
      %dma_wait3A_98 = arith.constant 0 : i32
      %dma_wait3A_99 = tpu.memref_slice %arg2[%dma_wait3A_97, %dma_wait3A_98] : memref<100000x32xf32, #tpu.memory_space<hbm>> -> memref<384x32xf32, #tpu.memory_space<hbm>>
      %dma_wait3A_100 = arith.constant 0 : i32
      %dma_wait3A_101 = arith.constant 0 : i32
      %dma_wait3A_102 = tpu.memref_slice %arg9[%select_n3A_80, %dma_wait3A_100, %dma_wait3A_101] : memref<2x384x32xf32, #tpu.memory_space<vmem>> -> memref<1x384x32xf32, #tpu.memory_space<vmem>>
      %dma_wait3A_103 = tpu.memref_squeeze %dma_wait3A_102 : memref<1x384x32xf32, #tpu.memory_space<vmem>> -> memref<384x32xf32, #tpu.memory_space<vmem>>
      %dma_wait3A_104 = arith.constant 0 : i32
      %dma_wait3A_105 = arith.constant 0 : i32
      %dma_wait3A_106 = tpu.memref_slice %arg2[%dma_wait3A_104, %dma_wait3A_105] : memref<100000x32xf32, #tpu.memory_space<hbm>> -> memref<384x32xf32, #tpu.memory_space<hbm>>
      tpu.wait_dma2 semaphore(%arg11 : memref<!tpu.dma_semaphore, #tpu.memory_space<semaphore_mem>>) src(%dma_wait3A_106 : memref<384x32xf32, #tpu.memory_space<hbm>>) dst(%dma_wait3A_103 : memref<384x32xf32, #tpu.memory_space<vmem>>)
      %add3A_107 = arith.constant 1 : i32
      %add3A_108 = arith.addi %scan3A_69, %add3A_107 : i32
      %lt3A_109 = arith.constant 262 : i32
      %lt3A_110 = arith.cmpi slt, %add3A_108, %lt3A_109 : i32
      %convert_element_type3A_111 = arith.extui %lt3A_110 : i1 to i32
      %cond3A_112 = arith.constant 0 : i32
      %cond3A_113 = arith.cmpi ne, %convert_element_type3A_111, %cond3A_112 : i32
      scf.if %cond3A_113 {
        %dma_start3A_147 = arith.constant 0 : i32
        %dma_start3A_148 = arith.constant 0 : i32
        %dma_start3A_149 = arith.constant 0 : i32
        %dma_start3A_150 = tpu.memref_slice %arg9[%sub3A_81, %dma_start3A_148, %dma_start3A_149] : memref<2x384x32xf32, #tpu.memory_space<vmem>> -> memref<1x128x32xf32, #tpu.memory_space<vmem>>
        %dma_start3A_151 = tpu.memref_squeeze %dma_start3A_150 : memref<1x128x32xf32, #tpu.memory_space<vmem>> -> memref<128x32xf32, #tpu.memory_space<vmem>>
        %dma_start3A_152 = arith.constant 0 : i32
        %dma_start3A_153 = tpu.memref_slice %arg7[%sub3A_81, %dma_start3A_147, %dma_start3A_152] : memref<2x3x128xi32, #tpu.memory_space<vmem>> -> memref<1x1x128xi32, #tpu.memory_space<vmem>>
        %dma_start3A_154 = tpu.memref_squeeze %dma_start3A_153 : memref<1x1x128xi32, #tpu.memory_space<vmem>> -> memref<128xi32, #tpu.memory_space<vmem>>
        %dma_start3A_155 = arith.constant 0 : i32
        %dma_start3A_156 = arith.constant 0 : i32
        %dma_start3A_157 = tpu.memref_slice %arg2[%dma_start3A_155, %dma_start3A_156] : memref<100000x32xf32, #tpu.memory_space<hbm>> -> memref<100000x32xf32, #tpu.memory_space<hbm>>
        tpu.enqueue_indirect_dma source(%dma_start3A_157 : memref<100000x32xf32, #tpu.memory_space<hbm>>) target(%dma_start3A_151 : memref<128x32xf32, #tpu.memory_space<vmem>>) offsets(%dma_start3A_154 : memref<128xi32, #tpu.memory_space<vmem>>) semaphore(%arg11 : memref<!tpu.dma_semaphore, #tpu.memory_space<semaphore_mem>>)
        %dma_start3A_158 = arith.constant 1 : i32
        %dma_start3A_159 = arith.constant 128 : i32
        %dma_start3A_160 = arith.constant 0 : i32
        %dma_start3A_161 = tpu.memref_slice %arg9[%sub3A_81, %dma_start3A_159, %dma_start3A_160] : memref<2x384x32xf32, #tpu.memory_space<vmem>> -> memref<1x128x32xf32, #tpu.memory_space<vmem>>
        %dma_start3A_162 = tpu.memref_squeeze %dma_start3A_161 : memref<1x128x32xf32, #tpu.memory_space<vmem>> -> memref<128x32xf32, #tpu.memory_space<vmem>>
        %dma_start3A_163 = arith.constant 0 : i32
        %dma_start3A_164 = tpu.memref_slice %arg7[%sub3A_81, %dma_start3A_158, %dma_start3A_163] : memref<2x3x128xi32, #tpu.memory_space<vmem>> -> memref<1x1x128xi32, #tpu.memory_space<vmem>>
        %dma_start3A_165 = tpu.memref_squeeze %dma_start3A_164 : memref<1x1x128xi32, #tpu.memory_space<vmem>> -> memref<128xi32, #tpu.memory_space<vmem>>
        %dma_start3A_166 = arith.constant 0 : i32
        %dma_start3A_167 = arith.constant 0 : i32
        %dma_start3A_168 = tpu.memref_slice %arg2[%dma_start3A_166, %dma_start3A_167] : memref<100000x32xf32, #tpu.memory_space<hbm>> -> memref<100000x32xf32, #tpu.memory_space<hbm>>
        tpu.enqueue_indirect_dma source(%dma_start3A_168 : memref<100000x32xf32, #tpu.memory_space<hbm>>) target(%dma_start3A_162 : memref<128x32xf32, #tpu.memory_space<vmem>>) offsets(%dma_start3A_165 : memref<128xi32, #tpu.memory_space<vmem>>) semaphore(%arg11 : memref<!tpu.dma_semaphore, #tpu.memory_space<semaphore_mem>>)
        %dma_start3A_169 = arith.constant 2 : i32
        %dma_start3A_170 = arith.constant 256 : i32
        %dma_start3A_171 = arith.constant 0 : i32
        %dma_start3A_172 = tpu.memref_slice %arg9[%sub3A_81, %dma_start3A_170, %dma_start3A_171] : memref<2x384x32xf32, #tpu.memory_space<vmem>> -> memref<1x128x32xf32, #tpu.memory_space<vmem>>
        %dma_start3A_173 = tpu.memref_squeeze %dma_start3A_172 : memref<1x128x32xf32, #tpu.memory_space<vmem>> -> memref<128x32xf32, #tpu.memory_space<vmem>>
        %dma_start3A_174 = arith.constant 0 : i32
        %dma_start3A_175 = tpu.memref_slice %arg7[%sub3A_81, %dma_start3A_169, %dma_start3A_174] : memref<2x3x128xi32, #tpu.memory_space<vmem>> -> memref<1x1x128xi32, #tpu.memory_space<vmem>>
        %dma_start3A_176 = tpu.memref_squeeze %dma_start3A_175 : memref<1x1x128xi32, #tpu.memory_space<vmem>> -> memref<128xi32, #tpu.memory_space<vmem>>
        %dma_start3A_177 = arith.constant 0 : i32
        %dma_start3A_178 = arith.constant 0 : i32
        %dma_start3A_179 = tpu.memref_slice %arg2[%dma_start3A_177, %dma_start3A_178] : memref<100000x32xf32, #tpu.memory_space<hbm>> -> memref<100000x32xf32, #tpu.memory_space<hbm>>
        tpu.enqueue_indirect_dma source(%dma_start3A_179 : memref<100000x32xf32, #tpu.memory_space<hbm>>) target(%dma_start3A_173 : memref<128x32xf32, #tpu.memory_space<vmem>>) offsets(%dma_start3A_176 : memref<128xi32, #tpu.memory_space<vmem>>) semaphore(%arg11 : memref<!tpu.dma_semaphore, #tpu.memory_space<semaphore_mem>>)
      } else {
      }
      %dma_start3A_114 = arith.constant 0 : i32
      %dma_start3A_115 = arith.constant 0 : i32
      %dma_start3A_116 = arith.constant 0 : i32
      %dma_start3A_117 = tpu.memref_slice %arg9[%select_n3A_80, %dma_start3A_115, %dma_start3A_116] : memref<2x384x32xf32, #tpu.memory_space<vmem>> -> memref<1x128x32xf32, #tpu.memory_space<vmem>>
      %dma_start3A_118 = tpu.memref_squeeze %dma_start3A_117 : memref<1x128x32xf32, #tpu.memory_space<vmem>> -> memref<128x32xf32, #tpu.memory_space<vmem>>
      %dma_start3A_119 = arith.constant 0 : i32
      %dma_start3A_120 = tpu.memref_slice %arg8[%select_n3A_80, %dma_start3A_114, %dma_start3A_119] : memref<2x3x128xi32, #tpu.memory_space<vmem>> -> memref<1x1x128xi32, #tpu.memory_space<vmem>>
      %dma_start3A_121 = tpu.memref_squeeze %dma_start3A_120 : memref<1x1x128xi32, #tpu.memory_space<vmem>> -> memref<128xi32, #tpu.memory_space<vmem>>
      %dma_start3A_122 = arith.constant 0 : i32
      %dma_start3A_123 = arith.constant 0 : i32
      %dma_start3A_124 = tpu.memref_slice %arg10[%dma_start3A_122, %dma_start3A_123] : memref<50048x32xf32, #tpu.memory_space<vmem_shared>> -> memref<50048x32xf32, #tpu.memory_space<vmem_shared>>
      tpu.enqueue_indirect_dma source(%dma_start3A_118 : memref<128x32xf32, #tpu.memory_space<vmem>>) target(%dma_start3A_124 : memref<50048x32xf32, #tpu.memory_space<vmem_shared>>) offsets(%dma_start3A_121 : memref<128xi32, #tpu.memory_space<vmem>>) semaphore(%arg12 : memref<!tpu.dma_semaphore, #tpu.memory_space<semaphore_mem>>) {add = true}
      %dma_start3A_125 = arith.constant 1 : i32
      %dma_start3A_126 = arith.constant 128 : i32
      %dma_start3A_127 = arith.constant 0 : i32
      %dma_start3A_128 = tpu.memref_slice %arg9[%select_n3A_80, %dma_start3A_126, %dma_start3A_127] : memref<2x384x32xf32, #tpu.memory_space<vmem>> -> memref<1x128x32xf32, #tpu.memory_space<vmem>>
      %dma_start3A_129 = tpu.memref_squeeze %dma_start3A_128 : memref<1x128x32xf32, #tpu.memory_space<vmem>> -> memref<128x32xf32, #tpu.memory_space<vmem>>
      %dma_start3A_130 = arith.constant 0 : i32
      %dma_start3A_131 = tpu.memref_slice %arg8[%select_n3A_80, %dma_start3A_125, %dma_start3A_130] : memref<2x3x128xi32, #tpu.memory_space<vmem>> -> memref<1x1x128xi32, #tpu.memory_space<vmem>>
      %dma_start3A_132 = tpu.memref_squeeze %dma_start3A_131 : memref<1x1x128xi32, #tpu.memory_space<vmem>> -> memref<128xi32, #tpu.memory_space<vmem>>
      %dma_start3A_133 = arith.constant 0 : i32
      %dma_start3A_134 = arith.constant 0 : i32
      %dma_start3A_135 = tpu.memref_slice %arg10[%dma_start3A_133, %dma_start3A_134] : memref<50048x32xf32, #tpu.memory_space<vmem_shared>> -> memref<50048x32xf32, #tpu.memory_space<vmem_shared>>
      tpu.enqueue_indirect_dma source(%dma_start3A_129 : memref<128x32xf32, #tpu.memory_space<vmem>>) target(%dma_start3A_135 : memref<50048x32xf32, #tpu.memory_space<vmem_shared>>) offsets(%dma_start3A_132 : memref<128xi32, #tpu.memory_space<vmem>>) semaphore(%arg12 : memref<!tpu.dma_semaphore, #tpu.memory_space<semaphore_mem>>) {add = true}
      %dma_start3A_136 = arith.constant 2 : i32
      %dma_start3A_137 = arith.constant 256 : i32
      %dma_start3A_138 = arith.constant 0 : i32
      %dma_start3A_139 = tpu.memref_slice %arg9[%select_n3A_80, %dma_start3A_137, %dma_start3A_138] : memref<2x384x32xf32, #tpu.memory_space<vmem>> -> memref<1x128x32xf32, #tpu.memory_space<vmem>>
      %dma_start3A_140 = tpu.memref_squeeze %dma_start3A_139 : memref<1x128x32xf32, #tpu.memory_space<vmem>> -> memref<128x32xf32, #tpu.memory_space<vmem>>
      %dma_start3A_141 = arith.constant 0 : i32
      %dma_start3A_142 = tpu.memref_slice %arg8[%select_n3A_80, %dma_start3A_136, %dma_start3A_141] : memref<2x3x128xi32, #tpu.memory_space<vmem>> -> memref<1x1x128xi32, #tpu.memory_space<vmem>>
      %dma_start3A_143 = tpu.memref_squeeze %dma_start3A_142 : memref<1x1x128xi32, #tpu.memory_space<vmem>> -> memref<128xi32, #tpu.memory_space<vmem>>
      %dma_start3A_144 = arith.constant 0 : i32
      %dma_start3A_145 = arith.constant 0 : i32
      %dma_start3A_146 = tpu.memref_slice %arg10[%dma_start3A_144, %dma_start3A_145] : memref<50048x32xf32, #tpu.memory_space<vmem_shared>> -> memref<50048x32xf32, #tpu.memory_space<vmem_shared>>
      tpu.enqueue_indirect_dma source(%dma_start3A_140 : memref<128x32xf32, #tpu.memory_space<vmem>>) target(%dma_start3A_146 : memref<50048x32xf32, #tpu.memory_space<vmem_shared>>) offsets(%dma_start3A_143 : memref<128xi32, #tpu.memory_space<vmem>>) semaphore(%arg12 : memref<!tpu.dma_semaphore, #tpu.memory_space<semaphore_mem>>) {add = true}
    }
    %scan3A_47 = arith.constant 262 : i32
    %dma_wait3A = arith.constant 1 : i32
    %dma_wait3A_48 = arith.constant 0 : i32
    %dma_wait3A_49 = arith.constant 0 : i32
    %dma_wait3A_50 = tpu.memref_slice %arg9[%dma_wait3A, %dma_wait3A_48, %dma_wait3A_49] : memref<2x384x32xf32, #tpu.memory_space<vmem>> -> memref<1x384x32xf32, #tpu.memory_space<vmem>>
    %dma_wait3A_51 = tpu.memref_squeeze %dma_wait3A_50 : memref<1x384x32xf32, #tpu.memory_space<vmem>> -> memref<384x32xf32, #tpu.memory_space<vmem>>
    %dma_wait3A_52 = arith.constant 0 : i32
    %dma_wait3A_53 = arith.constant 0 : i32
    %dma_wait3A_54 = tpu.memref_slice %arg10[%dma_wait3A_52, %dma_wait3A_53] : memref<50048x32xf32, #tpu.memory_space<vmem_shared>> -> memref<384x32xf32, #tpu.memory_space<vmem_shared>>
    %dma_wait3A_55 = arith.constant 0 : i32
    %dma_wait3A_56 = arith.constant 0 : i32
    %dma_wait3A_57 = tpu.memref_slice %arg10[%dma_wait3A_55, %dma_wait3A_56] : memref<50048x32xf32, #tpu.memory_space<vmem_shared>> -> memref<384x32xf32, #tpu.memory_space<vmem_shared>>
    %dma_wait3A_58 = arith.constant 0 : i32
    %dma_wait3A_59 = arith.constant 0 : i32
    %dma_wait3A_60 = tpu.memref_slice %arg9[%dma_wait3A, %dma_wait3A_58, %dma_wait3A_59] : memref<2x384x32xf32, #tpu.memory_space<vmem>> -> memref<1x384x32xf32, #tpu.memory_space<vmem>>
    %dma_wait3A_61 = tpu.memref_squeeze %dma_wait3A_60 : memref<1x384x32xf32, #tpu.memory_space<vmem>> -> memref<384x32xf32, #tpu.memory_space<vmem>>
    tpu.wait_dma2 semaphore(%arg12 : memref<!tpu.dma_semaphore, #tpu.memory_space<semaphore_mem>>) src(%dma_wait3A_61 : memref<384x32xf32, #tpu.memory_space<vmem>>) dst(%dma_wait3A_57 : memref<384x32xf32, #tpu.memory_space<vmem_shared>>)
    %barrier3A_62 = arith.constant 0 : index
    tpu.barrier barrier_id(%barrier3A_62)
    %lt3A = arith.constant 15 : i32
    %lt3A_63 = arith.cmpi slt, %arg1, %lt3A : i32
    %convert_element_type3A = arith.extui %lt3A_63 : i1 to i32
    %cond3A = arith.constant 0 : i32
    %cond3A_64 = arith.cmpi ne, %convert_element_type3A, %cond3A : i32
    scf.if %cond3A_64 {
      %mul3A_69 = arith.constant 3128 : i32
      %mul3A_70 = arith.muli %arg1, %mul3A_69 : i32
      %mul3A_71 = arith.constant 50000 : i32
      %mul3A_72 = arith.muli %arg0, %mul3A_71 : i32
      %mul3A_73 = arith.constant 3128 : i32
      %mul3A_74 = arith.muli %arg1, %mul3A_73 : i32
      %add3A_75 = arith.addi %mul3A_72, %mul3A_74 : i32
      "tpu.region"() ({
        %run_scoped3A_76 = tpu.sem_alloc : memref<!tpu.dma_semaphore, #tpu.memory_space<semaphore_mem>>
        %dma_start3A_77 = arith.constant 0 : i32
        %dma_start3A_78 = tpu.memref_slice %arg6[%add3A_75, %dma_start3A_77] : memref<100000x32xf32, #tpu.memory_space<hbm>> -> memref<3128x32xf32, #tpu.memory_space<hbm>>
        %dma_start3A_79 = arith.constant 0 : i32
        %dma_start3A_80 = tpu.memref_slice %arg10[%mul3A_70, %dma_start3A_79] : memref<50048x32xf32, #tpu.memory_space<vmem_shared>> -> memref<3128x32xf32, #tpu.memory_space<vmem_shared>>
        tpu.enqueue_dma source(%dma_start3A_80 : memref<3128x32xf32, #tpu.memory_space<vmem_shared>>) target(%dma_start3A_78 : memref<3128x32xf32, #tpu.memory_space<hbm>>) target_semaphore(%run_scoped3A_76 : memref<!tpu.dma_semaphore, #tpu.memory_space<semaphore_mem>>)
        %dma_wait3A_81 = arith.constant 0 : i32
        %dma_wait3A_82 = tpu.memref_slice %arg6[%add3A_75, %dma_wait3A_81] : memref<100000x32xf32, #tpu.memory_space<hbm>> -> memref<3128x32xf32, #tpu.memory_space<hbm>>
        %dma_wait3A_83 = arith.constant 0 : i32
        %dma_wait3A_84 = tpu.memref_slice %arg10[%mul3A_70, %dma_wait3A_83] : memref<50048x32xf32, #tpu.memory_space<vmem_shared>> -> memref<3128x32xf32, #tpu.memory_space<vmem_shared>>
        tpu.wait_dma2 semaphore(%run_scoped3A_76 : memref<!tpu.dma_semaphore, #tpu.memory_space<semaphore_mem>>) src(%dma_wait3A_84 : memref<3128x32xf32, #tpu.memory_space<vmem_shared>>) dst(%dma_wait3A_82 : memref<3128x32xf32, #tpu.memory_space<hbm>>)
        tpu.yield
      }) : () -> ()
    } else {
    }
    %eq3A = arith.constant 15 : i32
    %eq3A_65 = arith.cmpi eq, %arg1, %eq3A : i32
    %convert_element_type3A_66 = arith.extui %eq3A_65 : i1 to i32
    %cond3A_67 = arith.constant 0 : i32
    %cond3A_68 = arith.cmpi ne, %convert_element_type3A_66, %cond3A_67 : i32
    scf.if %cond3A_68 {
      %mul3A_69 = arith.constant 50000 : i32
      %mul3A_70 = arith.muli %arg0, %mul3A_69 : i32
      %add3A_71 = arith.constant 46920 : i32
      %add3A_72 = arith.addi %mul3A_70, %add3A_71 : i32
      "tpu.region"() ({
        %run_scoped3A_73 = tpu.sem_alloc : memref<!tpu.dma_semaphore, #tpu.memory_space<semaphore_mem>>
        %dma_start3A_74 = arith.constant 0 : i32
        %dma_start3A_75 = tpu.memref_slice %arg6[%add3A_72, %dma_start3A_74] : memref<100000x32xf32, #tpu.memory_space<hbm>> -> memref<3080x32xf32, #tpu.memory_space<hbm>>
        %dma_start3A_76 = arith.constant 46920 : i32
        %dma_start3A_77 = arith.constant 0 : i32
        %dma_start3A_78 = tpu.memref_slice %arg10[%dma_start3A_76, %dma_start3A_77] : memref<50048x32xf32, #tpu.memory_space<vmem_shared>> -> memref<3080x32xf32, #tpu.memory_space<vmem_shared>>
        tpu.enqueue_dma source(%dma_start3A_78 : memref<3080x32xf32, #tpu.memory_space<vmem_shared>>) target(%dma_start3A_75 : memref<3080x32xf32, #tpu.memory_space<hbm>>) target_semaphore(%run_scoped3A_73 : memref<!tpu.dma_semaphore, #tpu.memory_space<semaphore_mem>>)
        %dma_wait3A_79 = arith.constant 0 : i32
        %dma_wait3A_80 = tpu.memref_slice %arg6[%add3A_72, %dma_wait3A_79] : memref<100000x32xf32, #tpu.memory_space<hbm>> -> memref<3080x32xf32, #tpu.memory_space<hbm>>
        %dma_wait3A_81 = arith.constant 46920 : i32
        %dma_wait3A_82 = arith.constant 0 : i32
        %dma_wait3A_83 = tpu.memref_slice %arg10[%dma_wait3A_81, %dma_wait3A_82] : memref<50048x32xf32, #tpu.memory_space<vmem_shared>> -> memref<3080x32xf32, #tpu.memory_space<vmem_shared>>
        tpu.wait_dma2 semaphore(%run_scoped3A_73 : memref<!tpu.dma_semaphore, #tpu.memory_space<semaphore_mem>>) src(%dma_wait3A_83 : memref<3080x32xf32, #tpu.memory_space<vmem_shared>>) dst(%dma_wait3A_80 : memref<3080x32xf32, #tpu.memory_space<hbm>>)
        tpu.yield
      }) : () -> ()
    } else {
    }
    return
  }
}

#map = affine_map<(d0, d1) -> (0, 0)>
#map1 = affine_map<(d0, d1) -> (0, 0, 0)>
module attributes {stable_mosaic.version = 14 : i64} {
  func.func @_edge_scatter_body(%arg0: i32, %arg1: i32, %arg2: memref<100000x32xf32, #tpu.memory_space<hbm>>, %arg3: memref<2x12576x128xi32, #tpu.memory_space<hbm>>, %arg4: memref<12576x128xi32, #tpu.memory_space<hbm>>, %arg5: memref<3128x32xf32, #tpu.memory_space<hbm>>, %arg6: memref<100000x32xf32, #tpu.memory_space<hbm>>, %arg7: memref<2x3x128xi32, #tpu.memory_space<vmem>>, %arg8: memref<2x3x128xi32, #tpu.memory_space<vmem>>, %arg9: memref<2x384x32xf32, #tpu.memory_space<vmem>>, %arg10: memref<50048x32xf32, #tpu.memory_space<vmem_shared>>, %arg11: memref<!tpu.dma_semaphore, #tpu.memory_space<semaphore_mem>>, %arg12: memref<!tpu.dma_semaphore, #tpu.memory_space<semaphore_mem>>) attributes {dimension_semantics = [#tpu.dimension_semantics<core_parallel>, #tpu.dimension_semantics<subcore_parallel>], iteration_bounds = array<i64: 2, 16>, scalar_prefetch = 0 : i64, scratch_operands = 6 : i64, tpu.core_type = #tpu.core_type<sc_vector_subcore>, window_params = [{transform_indices = #map}, {transform_indices = #map1}, {transform_indices = #map}, {transform_indices = #map}, {transform_indices = #map}]} {
    %mul3A = arith.constant 3128 : i32
    %mul3A_0 = arith.muli %arg1, %mul3A : i32
    "tpu.region"() ({
      %run_scoped3A_69 = tpu.sem_alloc : memref<!tpu.dma_semaphore, #tpu.memory_space<semaphore_mem>>
      %dma_start3A_70 = arith.constant 0 : i32
      %dma_start3A_71 = tpu.memref_slice %arg10[%mul3A_0, %dma_start3A_70] : memref<50048x32xf32, #tpu.memory_space<vmem_shared>> -> memref<3128x32xf32, #tpu.memory_space<vmem_shared>>
      tpu.enqueue_dma source(%arg5 : memref<3128x32xf32, #tpu.memory_space<hbm>>) target(%dma_start3A_71 : memref<3128x32xf32, #tpu.memory_space<vmem_shared>>) target_semaphore(%run_scoped3A_69 : memref<!tpu.dma_semaphore, #tpu.memory_space<semaphore_mem>>)
      %dma_wait3A_72 = arith.constant 0 : i32
      %dma_wait3A_73 = tpu.memref_slice %arg10[%mul3A_0, %dma_wait3A_72] : memref<50048x32xf32, #tpu.memory_space<vmem_shared>> -> memref<3128x32xf32, #tpu.memory_space<vmem_shared>>
      tpu.wait_dma2 semaphore(%run_scoped3A_69 : memref<!tpu.dma_semaphore, #tpu.memory_space<semaphore_mem>>) src(%arg5 : memref<3128x32xf32, #tpu.memory_space<hbm>>) dst(%dma_wait3A_73 : memref<3128x32xf32, #tpu.memory_space<vmem_shared>>)
      tpu.yield
    }) : () -> ()
    %barrier3A = arith.constant 0 : index
    tpu.barrier barrier_id(%barrier3A)
    %mul3A_1 = arith.constant 786 : i32
    %mul3A_2 = arith.muli %arg1, %mul3A_1 : i32
    %add3A = arith.constant 0 : i32
    %add3A_3 = arith.addi %mul3A_2, %add3A : i32
    %run_scoped3A = arith.constant 0 : i32
    "tpu.region"() ({
      %run_scoped3A_69 = tpu.sem_alloc : memref<!tpu.dma_semaphore, #tpu.memory_space<semaphore_mem>>
      %dma_start3A_70 = arith.constant 0 : i32
      %dma_start3A_71 = arith.constant 0 : i32
      %dma_start3A_72 = tpu.memref_slice %arg7[%run_scoped3A, %dma_start3A_70, %dma_start3A_71] : memref<2x3x128xi32, #tpu.memory_space<vmem>> -> memref<1x3x128xi32, #tpu.memory_space<vmem>>
      %dma_start3A_73 = tpu.memref_squeeze %dma_start3A_72 : memref<1x3x128xi32, #tpu.memory_space<vmem>> -> memref<3x128xi32, #tpu.memory_space<vmem>>
      %dma_start3A_74 = arith.constant 0 : i32
      %dma_start3A_75 = tpu.memref_slice %arg3[%arg0, %add3A_3, %dma_start3A_74] : memref<2x12576x128xi32, #tpu.memory_space<hbm>> -> memref<1x3x128xi32, #tpu.memory_space<hbm>>
      %dma_start3A_76 = tpu.memref_squeeze %dma_start3A_75 : memref<1x3x128xi32, #tpu.memory_space<hbm>> -> memref<3x128xi32, #tpu.memory_space<hbm>>
      %dma_start3A_77 = arith.constant 0 : i32
      %dma_start3A_78 = arith.constant 0 : i32
      %dma_start3A_79 = tpu.memref_slice %arg7[%run_scoped3A, %dma_start3A_77, %dma_start3A_78] : memref<2x3x128xi32, #tpu.memory_space<vmem>> -> memref<1x3x128xi32, #tpu.memory_space<vmem>>
      %dma_start3A_80 = tpu.memref_squeeze %dma_start3A_79 : memref<1x3x128xi32, #tpu.memory_space<vmem>> -> memref<3x128xi32, #tpu.memory_space<vmem>>
      %dma_start3A_81 = arith.constant 0 : i32
      %dma_start3A_82 = tpu.memref_slice %arg3[%arg0, %add3A_3, %dma_start3A_81] : memref<2x12576x128xi32, #tpu.memory_space<hbm>> -> memref<1x3x128xi32, #tpu.memory_space<hbm>>
      %dma_start3A_83 = tpu.memref_squeeze %dma_start3A_82 : memref<1x3x128xi32, #tpu.memory_space<hbm>> -> memref<3x128xi32, #tpu.memory_space<hbm>>
      tpu.enqueue_dma source(%dma_start3A_83 : memref<3x128xi32, #tpu.memory_space<hbm>>) target(%dma_start3A_80 : memref<3x128xi32, #tpu.memory_space<vmem>>) target_semaphore(%run_scoped3A_69 : memref<!tpu.dma_semaphore, #tpu.memory_space<semaphore_mem>>)
      %dma_wait3A_84 = arith.constant 0 : i32
      %dma_wait3A_85 = arith.constant 0 : i32
      %dma_wait3A_86 = tpu.memref_slice %arg7[%run_scoped3A, %dma_wait3A_84, %dma_wait3A_85] : memref<2x3x128xi32, #tpu.memory_space<vmem>> -> memref<1x3x128xi32, #tpu.memory_space<vmem>>
      %dma_wait3A_87 = tpu.memref_squeeze %dma_wait3A_86 : memref<1x3x128xi32, #tpu.memory_space<vmem>> -> memref<3x128xi32, #tpu.memory_space<vmem>>
      %dma_wait3A_88 = arith.constant 0 : i32
      %dma_wait3A_89 = tpu.memref_slice %arg3[%arg0, %add3A_3, %dma_wait3A_88] : memref<2x12576x128xi32, #tpu.memory_space<hbm>> -> memref<1x3x128xi32, #tpu.memory_space<hbm>>
      %dma_wait3A_90 = tpu.memref_squeeze %dma_wait3A_89 : memref<1x3x128xi32, #tpu.memory_space<hbm>> -> memref<3x128xi32, #tpu.memory_space<hbm>>
      %dma_wait3A_91 = arith.constant 0 : i32
      %dma_wait3A_92 = arith.constant 0 : i32
      %dma_wait3A_93 = tpu.memref_slice %arg7[%run_scoped3A, %dma_wait3A_91, %dma_wait3A_92] : memref<2x3x128xi32, #tpu.memory_space<vmem>> -> memref<1x3x128xi32, #tpu.memory_space<vmem>>
      %dma_wait3A_94 = tpu.memref_squeeze %dma_wait3A_93 : memref<1x3x128xi32, #tpu.memory_space<vmem>> -> memref<3x128xi32, #tpu.memory_space<vmem>>
      %dma_wait3A_95 = arith.constant 0 : i32
      %dma_wait3A_96 = tpu.memref_slice %arg3[%arg0, %add3A_3, %dma_wait3A_95] : memref<2x12576x128xi32, #tpu.memory_space<hbm>> -> memref<1x3x128xi32, #tpu.memory_space<hbm>>
      %dma_wait3A_97 = tpu.memref_squeeze %dma_wait3A_96 : memref<1x3x128xi32, #tpu.memory_space<hbm>> -> memref<3x128xi32, #tpu.memory_space<hbm>>
      tpu.wait_dma2 semaphore(%run_scoped3A_69 : memref<!tpu.dma_semaphore, #tpu.memory_space<semaphore_mem>>) src(%dma_wait3A_97 : memref<3x128xi32, #tpu.memory_space<hbm>>) dst(%dma_wait3A_94 : memref<3x128xi32, #tpu.memory_space<vmem>>)
      tpu.yield
    }) : () -> ()
    %run_scoped3A_4 = arith.constant 0 : i32
    "tpu.region"() ({
      %run_scoped3A_69 = tpu.sem_alloc : memref<!tpu.dma_semaphore, #tpu.memory_space<semaphore_mem>>
      %dma_start3A_70 = arith.constant 0 : i32
      %dma_start3A_71 = arith.constant 0 : i32
      %dma_start3A_72 = tpu.memref_slice %arg8[%run_scoped3A_4, %dma_start3A_70, %dma_start3A_71] : memref<2x3x128xi32, #tpu.memory_space<vmem>> -> memref<1x3x128xi32, #tpu.memory_space<vmem>>
      %dma_start3A_73 = tpu.memref_squeeze %dma_start3A_72 : memref<1x3x128xi32, #tpu.memory_space<vmem>> -> memref<3x128xi32, #tpu.memory_space<vmem>>
      %dma_start3A_74 = arith.constant 0 : i32
      %dma_start3A_75 = tpu.memref_slice %arg4[%add3A_3, %dma_start3A_74] : memref<12576x128xi32, #tpu.memory_space<hbm>> -> memref<3x128xi32, #tpu.memory_space<hbm>>
      %dma_start3A_76 = arith.constant 0 : i32
      %dma_start3A_77 = arith.constant 0 : i32
      %dma_start3A_78 = tpu.memref_slice %arg8[%run_scoped3A_4, %dma_start3A_76, %dma_start3A_77] : memref<2x3x128xi32, #tpu.memory_space<vmem>> -> memref<1x3x128xi32, #tpu.memory_space<vmem>>
      %dma_start3A_79 = tpu.memref_squeeze %dma_start3A_78 : memref<1x3x128xi32, #tpu.memory_space<vmem>> -> memref<3x128xi32, #tpu.memory_space<vmem>>
      %dma_start3A_80 = arith.constant 0 : i32
      %dma_start3A_81 = tpu.memref_slice %arg4[%add3A_3, %dma_start3A_80] : memref<12576x128xi32, #tpu.memory_space<hbm>> -> memref<3x128xi32, #tpu.memory_space<hbm>>
      tpu.enqueue_dma source(%dma_start3A_81 : memref<3x128xi32, #tpu.memory_space<hbm>>) target(%dma_start3A_79 : memref<3x128xi32, #tpu.memory_space<vmem>>) target_semaphore(%run_scoped3A_69 : memref<!tpu.dma_semaphore, #tpu.memory_space<semaphore_mem>>)
      %dma_wait3A_82 = arith.constant 0 : i32
      %dma_wait3A_83 = arith.constant 0 : i32
      %dma_wait3A_84 = tpu.memref_slice %arg8[%run_scoped3A_4, %dma_wait3A_82, %dma_wait3A_83] : memref<2x3x128xi32, #tpu.memory_space<vmem>> -> memref<1x3x128xi32, #tpu.memory_space<vmem>>
      %dma_wait3A_85 = tpu.memref_squeeze %dma_wait3A_84 : memref<1x3x128xi32, #tpu.memory_space<vmem>> -> memref<3x128xi32, #tpu.memory_space<vmem>>
      %dma_wait3A_86 = arith.constant 0 : i32
      %dma_wait3A_87 = tpu.memref_slice %arg4[%add3A_3, %dma_wait3A_86] : memref<12576x128xi32, #tpu.memory_space<hbm>> -> memref<3x128xi32, #tpu.memory_space<hbm>>
      %dma_wait3A_88 = arith.constant 0 : i32
      %dma_wait3A_89 = arith.constant 0 : i32
      %dma_wait3A_90 = tpu.memref_slice %arg8[%run_scoped3A_4, %dma_wait3A_88, %dma_wait3A_89] : memref<2x3x128xi32, #tpu.memory_space<vmem>> -> memref<1x3x128xi32, #tpu.memory_space<vmem>>
      %dma_wait3A_91 = tpu.memref_squeeze %dma_wait3A_90 : memref<1x3x128xi32, #tpu.memory_space<vmem>> -> memref<3x128xi32, #tpu.memory_space<vmem>>
      %dma_wait3A_92 = arith.constant 0 : i32
      %dma_wait3A_93 = tpu.memref_slice %arg4[%add3A_3, %dma_wait3A_92] : memref<12576x128xi32, #tpu.memory_space<hbm>> -> memref<3x128xi32, #tpu.memory_space<hbm>>
      tpu.wait_dma2 semaphore(%run_scoped3A_69 : memref<!tpu.dma_semaphore, #tpu.memory_space<semaphore_mem>>) src(%dma_wait3A_93 : memref<3x128xi32, #tpu.memory_space<hbm>>) dst(%dma_wait3A_91 : memref<3x128xi32, #tpu.memory_space<vmem>>)
      tpu.yield
    }) : () -> ()
    %dma_start3A = arith.constant 0 : i32
    %dma_start3A_5 = arith.constant 0 : i32
    %dma_start3A_6 = arith.constant 0 : i32
    %dma_start3A_7 = arith.constant 0 : i32
    %dma_start3A_8 = arith.constant 0 : i32
    %dma_start3A_9 = tpu.memref_slice %arg9[%dma_start3A_6, %dma_start3A_7, %dma_start3A_8] : memref<2x384x32xf32, #tpu.memory_space<vmem>> -> memref<1x128x32xf32, #tpu.memory_space<vmem>>
    %dma_start3A_10 = tpu.memref_squeeze %dma_start3A_9 : memref<1x128x32xf32, #tpu.memory_space<vmem>> -> memref<128x32xf32, #tpu.memory_space<vmem>>
    %dma_start3A_11 = arith.constant 0 : i32
    %dma_start3A_12 = tpu.memref_slice %arg7[%dma_start3A, %dma_start3A_5, %dma_start3A_11] : memref<2x3x128xi32, #tpu.memory_space<vmem>> -> memref<1x1x128xi32, #tpu.memory_space<vmem>>
    %dma_start3A_13 = tpu.memref_squeeze %dma_start3A_12 : memref<1x1x128xi32, #tpu.memory_space<vmem>> -> memref<128xi32, #tpu.memory_space<vmem>>
    %dma_start3A_14 = arith.constant 0 : i32
    %dma_start3A_15 = arith.constant 0 : i32
    %dma_start3A_16 = tpu.memref_slice %arg2[%dma_start3A_14, %dma_start3A_15] : memref<100000x32xf32, #tpu.memory_space<hbm>> -> memref<100000x32xf32, #tpu.memory_space<hbm>>
    tpu.enqueue_indirect_dma source(%dma_start3A_16 : memref<100000x32xf32, #tpu.memory_space<hbm>>) target(%dma_start3A_10 : memref<128x32xf32, #tpu.memory_space<vmem>>) offsets(%dma_start3A_13 : memref<128xi32, #tpu.memory_space<vmem>>) semaphore(%arg11 : memref<!tpu.dma_semaphore, #tpu.memory_space<semaphore_mem>>)
    %dma_start3A_17 = arith.constant 0 : i32
    %dma_start3A_18 = arith.constant 1 : i32
    %dma_start3A_19 = arith.constant 0 : i32
    %dma_start3A_20 = arith.constant 128 : i32
    %dma_start3A_21 = arith.constant 0 : i32
    %dma_start3A_22 = tpu.memref_slice %arg9[%dma_start3A_19, %dma_start3A_20, %dma_start3A_21] : memref<2x384x32xf32, #tpu.memory_space<vmem>> -> memref<1x128x32xf32, #tpu.memory_space<vmem>>
    %dma_start3A_23 = tpu.memref_squeeze %dma_start3A_22 : memref<1x128x32xf32, #tpu.memory_space<vmem>> -> memref<128x32xf32, #tpu.memory_space<vmem>>
    %dma_start3A_24 = arith.constant 0 : i32
    %dma_start3A_25 = tpu.memref_slice %arg7[%dma_start3A_17, %dma_start3A_18, %dma_start3A_24] : memref<2x3x128xi32, #tpu.memory_space<vmem>> -> memref<1x1x128xi32, #tpu.memory_space<vmem>>
    %dma_start3A_26 = tpu.memref_squeeze %dma_start3A_25 : memref<1x1x128xi32, #tpu.memory_space<vmem>> -> memref<128xi32, #tpu.memory_space<vmem>>
    %dma_start3A_27 = arith.constant 0 : i32
    %dma_start3A_28 = arith.constant 0 : i32
    %dma_start3A_29 = tpu.memref_slice %arg2[%dma_start3A_27, %dma_start3A_28] : memref<100000x32xf32, #tpu.memory_space<hbm>> -> memref<100000x32xf32, #tpu.memory_space<hbm>>
    tpu.enqueue_indirect_dma source(%dma_start3A_29 : memref<100000x32xf32, #tpu.memory_space<hbm>>) target(%dma_start3A_23 : memref<128x32xf32, #tpu.memory_space<vmem>>) offsets(%dma_start3A_26 : memref<128xi32, #tpu.memory_space<vmem>>) semaphore(%arg11 : memref<!tpu.dma_semaphore, #tpu.memory_space<semaphore_mem>>)
    %dma_start3A_30 = arith.constant 0 : i32
    %dma_start3A_31 = arith.constant 2 : i32
    %dma_start3A_32 = arith.constant 0 : i32
    %dma_start3A_33 = arith.constant 256 : i32
    %dma_start3A_34 = arith.constant 0 : i32
    %dma_start3A_35 = tpu.memref_slice %arg9[%dma_start3A_32, %dma_start3A_33, %dma_start3A_34] : memref<2x384x32xf32, #tpu.memory_space<vmem>> -> memref<1x128x32xf32, #tpu.memory_space<vmem>>
    %dma_start3A_36 = tpu.memref_squeeze %dma_start3A_35 : memref<1x128x32xf32, #tpu.memory_space<vmem>> -> memref<128x32xf32, #tpu.memory_space<vmem>>
    %dma_start3A_37 = arith.constant 0 : i32
    %dma_start3A_38 = tpu.memref_slice %arg7[%dma_start3A_30, %dma_start3A_31, %dma_start3A_37] : memref<2x3x128xi32, #tpu.memory_space<vmem>> -> memref<1x1x128xi32, #tpu.memory_space<vmem>>
    %dma_start3A_39 = tpu.memref_squeeze %dma_start3A_38 : memref<1x1x128xi32, #tpu.memory_space<vmem>> -> memref<128xi32, #tpu.memory_space<vmem>>
    %dma_start3A_40 = arith.constant 0 : i32
    %dma_start3A_41 = arith.constant 0 : i32
    %dma_start3A_42 = tpu.memref_slice %arg2[%dma_start3A_40, %dma_start3A_41] : memref<100000x32xf32, #tpu.memory_space<hbm>> -> memref<100000x32xf32, #tpu.memory_space<hbm>>
    tpu.enqueue_indirect_dma source(%dma_start3A_42 : memref<100000x32xf32, #tpu.memory_space<hbm>>) target(%dma_start3A_36 : memref<128x32xf32, #tpu.memory_space<vmem>>) offsets(%dma_start3A_39 : memref<128xi32, #tpu.memory_space<vmem>>) semaphore(%arg11 : memref<!tpu.dma_semaphore, #tpu.memory_space<semaphore_mem>>)
    %scan3A = arith.constant 0 : i32
    %scan3A_43 = arith.constant 0 : i32
    %scan3A_44 = arith.constant 262 : i32
    %scan3A_45 = arith.addi %scan3A_43, %scan3A_44 : i32
    %scan3A_46 = arith.constant 1 : i32
    scf.for %scan3A_69 = %scan3A_43 to %scan3A_45 step %scan3A_46  : i32 {
      %jit3A = arith.constant 2 : i32
      %eq3A_70 = arith.constant 0 : i32
      %eq3A_71 = arith.cmpi eq, %jit3A, %eq3A_70 : i32
      %jit3A_72 = arith.constant 1 : i32
      %select_n3A = arith.select %eq3A_71, %jit3A_72, %jit3A : i32
      %rem3A = arith.remsi %scan3A_69, %select_n3A : i32
      %ne3A = arith.constant 0 : i32
      %ne3A_73 = arith.cmpi ne, %rem3A, %ne3A : i32
      %lt3A_74 = arith.constant 0 : i32
      %lt3A_75 = arith.cmpi slt, %rem3A, %lt3A_74 : i32
      %lt3A_76 = arith.constant 0 : i32
      %lt3A_77 = arith.cmpi slt, %select_n3A, %lt3A_76 : i32
      %ne3A_78 = arith.xori %lt3A_75, %lt3A_77 : i1
      %and3A = arith.andi %ne3A_78, %ne3A_73 : i1
      %add3A_79 = arith.addi %rem3A, %select_n3A : i32
      %select_n3A_80 = arith.select %and3A, %add3A_79, %rem3A : i32
      %sub3A = arith.constant 1 : i32
      %sub3A_81 = arith.subi %sub3A, %select_n3A_80 : i32
      %ge3A = arith.constant 1 : i32
      %ge3A_82 = arith.cmpi sge, %scan3A_69, %ge3A : i32
      %convert_element_type3A_83 = arith.extui %ge3A_82 : i1 to i32
      %cond3A_84 = arith.constant 0 : i32
      %cond3A_85 = arith.cmpi ne, %convert_element_type3A_83, %cond3A_84 : i32
      scf.if %cond3A_85 {
        %dma_wait3A_147 = arith.constant 0 : i32
        %dma_wait3A_148 = arith.constant 0 : i32
        %dma_wait3A_149 = tpu.memref_slice %arg9[%sub3A_81, %dma_wait3A_147, %dma_wait3A_148] : memref<2x384x32xf32, #tpu.memory_space<vmem>> -> memref<1x384x32xf32, #tpu.memory_space<vmem>>
        %dma_wait3A_150 = tpu.memref_squeeze %dma_wait3A_149 : memref<1x384x32xf32, #tpu.memory_space<vmem>> -> memref<384x32xf32, #tpu.memory_space<vmem>>
        %dma_wait3A_151 = arith.constant 0 : i32
        %dma_wait3A_152 = arith.constant 0 : i32
        %dma_wait3A_153 = tpu.memref_slice %arg10[%dma_wait3A_151, %dma_wait3A_152] : memref<50048x32xf32, #tpu.memory_space<vmem_shared>> -> memref<384x32xf32, #tpu.memory_space<vmem_shared>>
        %dma_wait3A_154 = arith.constant 0 : i32
        %dma_wait3A_155 = arith.constant 0 : i32
        %dma_wait3A_156 = tpu.memref_slice %arg10[%dma_wait3A_154, %dma_wait3A_155] : memref<50048x32xf32, #tpu.memory_space<vmem_shared>> -> memref<384x32xf32, #tpu.memory_space<vmem_shared>>
        %dma_wait3A_157 = arith.constant 0 : i32
        %dma_wait3A_158 = arith.constant 0 : i32
        %dma_wait3A_159 = tpu.memref_slice %arg9[%sub3A_81, %dma_wait3A_157, %dma_wait3A_158] : memref<2x384x32xf32, #tpu.memory_space<vmem>> -> memref<1x384x32xf32, #tpu.memory_space<vmem>>
        %dma_wait3A_160 = tpu.memref_squeeze %dma_wait3A_159 : memref<1x384x32xf32, #tpu.memory_space<vmem>> -> memref<384x32xf32, #tpu.memory_space<vmem>>
        tpu.wait_dma2 semaphore(%arg12 : memref<!tpu.dma_semaphore, #tpu.memory_space<semaphore_mem>>) src(%dma_wait3A_160 : memref<384x32xf32, #tpu.memory_space<vmem>>) dst(%dma_wait3A_156 : memref<384x32xf32, #tpu.memory_space<vmem_shared>>)
      } else {
      }
      %add3A_86 = arith.constant 1 : i32
      %add3A_87 = arith.addi %scan3A_69, %add3A_86 : i32
      %lt3A_88 = arith.constant 262 : i32
      %lt3A_89 = arith.cmpi slt, %add3A_87, %lt3A_88 : i32
      %convert_element_type3A_90 = arith.extui %lt3A_89 : i1 to i32
      %cond3A_91 = arith.constant 0 : i32
      %cond3A_92 = arith.cmpi ne, %convert_element_type3A_90, %cond3A_91 : i32
      scf.if %cond3A_92 {
        %add3A_147 = arith.constant 1 : i32
        %add3A_148 = arith.addi %scan3A_69, %add3A_147 : i32
        %mul3A_149 = arith.constant 3 : i32
        %mul3A_150 = arith.muli %add3A_148, %mul3A_149 : i32
        %add3A_151 = arith.addi %mul3A_2, %mul3A_150 : i32
        "tpu.region"() ({
          %run_scoped3A_152 = tpu.sem_alloc : memref<!tpu.dma_semaphore, #tpu.memory_space<semaphore_mem>>
          %dma_start3A_153 = arith.constant 0 : i32
          %dma_start3A_154 = arith.constant 0 : i32
          %dma_start3A_155 = tpu.memref_slice %arg7[%sub3A_81, %dma_start3A_153, %dma_start3A_154] : memref<2x3x128xi32, #tpu.memory_space<vmem>> -> memref<1x3x128xi32, #tpu.memory_space<vmem>>
          %dma_start3A_156 = tpu.memref_squeeze %dma_start3A_155 : memref<1x3x128xi32, #tpu.memory_space<vmem>> -> memref<3x128xi32, #tpu.memory_space<vmem>>
          %dma_start3A_157 = arith.constant 0 : i32
          %dma_start3A_158 = tpu.memref_slice %arg3[%arg0, %add3A_151, %dma_start3A_157] : memref<2x12576x128xi32, #tpu.memory_space<hbm>> -> memref<1x3x128xi32, #tpu.memory_space<hbm>>
          %dma_start3A_159 = tpu.memref_squeeze %dma_start3A_158 : memref<1x3x128xi32, #tpu.memory_space<hbm>> -> memref<3x128xi32, #tpu.memory_space<hbm>>
          %dma_start3A_160 = arith.constant 0 : i32
          %dma_start3A_161 = arith.constant 0 : i32
          %dma_start3A_162 = tpu.memref_slice %arg7[%sub3A_81, %dma_start3A_160, %dma_start3A_161] : memref<2x3x128xi32, #tpu.memory_space<vmem>> -> memref<1x3x128xi32, #tpu.memory_space<vmem>>
          %dma_start3A_163 = tpu.memref_squeeze %dma_start3A_162 : memref<1x3x128xi32, #tpu.memory_space<vmem>> -> memref<3x128xi32, #tpu.memory_space<vmem>>
          %dma_start3A_164 = arith.constant 0 : i32
          %dma_start3A_165 = tpu.memref_slice %arg3[%arg0, %add3A_151, %dma_start3A_164] : memref<2x12576x128xi32, #tpu.memory_space<hbm>> -> memref<1x3x128xi32, #tpu.memory_space<hbm>>
          %dma_start3A_166 = tpu.memref_squeeze %dma_start3A_165 : memref<1x3x128xi32, #tpu.memory_space<hbm>> -> memref<3x128xi32, #tpu.memory_space<hbm>>
          tpu.enqueue_dma source(%dma_start3A_166 : memref<3x128xi32, #tpu.memory_space<hbm>>) target(%dma_start3A_163 : memref<3x128xi32, #tpu.memory_space<vmem>>) target_semaphore(%run_scoped3A_152 : memref<!tpu.dma_semaphore, #tpu.memory_space<semaphore_mem>>)
          %dma_wait3A_167 = arith.constant 0 : i32
          %dma_wait3A_168 = arith.constant 0 : i32
          %dma_wait3A_169 = tpu.memref_slice %arg7[%sub3A_81, %dma_wait3A_167, %dma_wait3A_168] : memref<2x3x128xi32, #tpu.memory_space<vmem>> -> memref<1x3x128xi32, #tpu.memory_space<vmem>>
          %dma_wait3A_170 = tpu.memref_squeeze %dma_wait3A_169 : memref<1x3x128xi32, #tpu.memory_space<vmem>> -> memref<3x128xi32, #tpu.memory_space<vmem>>
          %dma_wait3A_171 = arith.constant 0 : i32
          %dma_wait3A_172 = tpu.memref_slice %arg3[%arg0, %add3A_151, %dma_wait3A_171] : memref<2x12576x128xi32, #tpu.memory_space<hbm>> -> memref<1x3x128xi32, #tpu.memory_space<hbm>>
          %dma_wait3A_173 = tpu.memref_squeeze %dma_wait3A_172 : memref<1x3x128xi32, #tpu.memory_space<hbm>> -> memref<3x128xi32, #tpu.memory_space<hbm>>
          %dma_wait3A_174 = arith.constant 0 : i32
          %dma_wait3A_175 = arith.constant 0 : i32
          %dma_wait3A_176 = tpu.memref_slice %arg7[%sub3A_81, %dma_wait3A_174, %dma_wait3A_175] : memref<2x3x128xi32, #tpu.memory_space<vmem>> -> memref<1x3x128xi32, #tpu.memory_space<vmem>>
          %dma_wait3A_177 = tpu.memref_squeeze %dma_wait3A_176 : memref<1x3x128xi32, #tpu.memory_space<vmem>> -> memref<3x128xi32, #tpu.memory_space<vmem>>
          %dma_wait3A_178 = arith.constant 0 : i32
          %dma_wait3A_179 = tpu.memref_slice %arg3[%arg0, %add3A_151, %dma_wait3A_178] : memref<2x12576x128xi32, #tpu.memory_space<hbm>> -> memref<1x3x128xi32, #tpu.memory_space<hbm>>
          %dma_wait3A_180 = tpu.memref_squeeze %dma_wait3A_179 : memref<1x3x128xi32, #tpu.memory_space<hbm>> -> memref<3x128xi32, #tpu.memory_space<hbm>>
          tpu.wait_dma2 semaphore(%run_scoped3A_152 : memref<!tpu.dma_semaphore, #tpu.memory_space<semaphore_mem>>) src(%dma_wait3A_180 : memref<3x128xi32, #tpu.memory_space<hbm>>) dst(%dma_wait3A_177 : memref<3x128xi32, #tpu.memory_space<vmem>>)
          tpu.yield
        }) : () -> ()
        "tpu.region"() ({
          %run_scoped3A_152 = tpu.sem_alloc : memref<!tpu.dma_semaphore, #tpu.memory_space<semaphore_mem>>
          %dma_start3A_153 = arith.constant 0 : i32
          %dma_start3A_154 = arith.constant 0 : i32
          %dma_start3A_155 = tpu.memref_slice %arg8[%sub3A_81, %dma_start3A_153, %dma_start3A_154] : memref<2x3x128xi32, #tpu.memory_space<vmem>> -> memref<1x3x128xi32, #tpu.memory_space<vmem>>
          %dma_start3A_156 = tpu.memref_squeeze %dma_start3A_155 : memref<1x3x128xi32, #tpu.memory_space<vmem>> -> memref<3x128xi32, #tpu.memory_space<vmem>>
          %dma_start3A_157 = arith.constant 0 : i32
          %dma_start3A_158 = tpu.memref_slice %arg4[%add3A_151, %dma_start3A_157] : memref<12576x128xi32, #tpu.memory_space<hbm>> -> memref<3x128xi32, #tpu.memory_space<hbm>>
          %dma_start3A_159 = arith.constant 0 : i32
          %dma_start3A_160 = arith.constant 0 : i32
          %dma_start3A_161 = tpu.memref_slice %arg8[%sub3A_81, %dma_start3A_159, %dma_start3A_160] : memref<2x3x128xi32, #tpu.memory_space<vmem>> -> memref<1x3x128xi32, #tpu.memory_space<vmem>>
          %dma_start3A_162 = tpu.memref_squeeze %dma_start3A_161 : memref<1x3x128xi32, #tpu.memory_space<vmem>> -> memref<3x128xi32, #tpu.memory_space<vmem>>
          %dma_start3A_163 = arith.constant 0 : i32
          %dma_start3A_164 = tpu.memref_slice %arg4[%add3A_151, %dma_start3A_163] : memref<12576x128xi32, #tpu.memory_space<hbm>> -> memref<3x128xi32, #tpu.memory_space<hbm>>
          tpu.enqueue_dma source(%dma_start3A_164 : memref<3x128xi32, #tpu.memory_space<hbm>>) target(%dma_start3A_162 : memref<3x128xi32, #tpu.memory_space<vmem>>) target_semaphore(%run_scoped3A_152 : memref<!tpu.dma_semaphore, #tpu.memory_space<semaphore_mem>>)
          %dma_wait3A_165 = arith.constant 0 : i32
          %dma_wait3A_166 = arith.constant 0 : i32
          %dma_wait3A_167 = tpu.memref_slice %arg8[%sub3A_81, %dma_wait3A_165, %dma_wait3A_166] : memref<2x3x128xi32, #tpu.memory_space<vmem>> -> memref<1x3x128xi32, #tpu.memory_space<vmem>>
          %dma_wait3A_168 = tpu.memref_squeeze %dma_wait3A_167 : memref<1x3x128xi32, #tpu.memory_space<vmem>> -> memref<3x128xi32, #tpu.memory_space<vmem>>
          %dma_wait3A_169 = arith.constant 0 : i32
          %dma_wait3A_170 = tpu.memref_slice %arg4[%add3A_151, %dma_wait3A_169] : memref<12576x128xi32, #tpu.memory_space<hbm>> -> memref<3x128xi32, #tpu.memory_space<hbm>>
          %dma_wait3A_171 = arith.constant 0 : i32
          %dma_wait3A_172 = arith.constant 0 : i32
          %dma_wait3A_173 = tpu.memref_slice %arg8[%sub3A_81, %dma_wait3A_171, %dma_wait3A_172] : memref<2x3x128xi32, #tpu.memory_space<vmem>> -> memref<1x3x128xi32, #tpu.memory_space<vmem>>
          %dma_wait3A_174 = tpu.memref_squeeze %dma_wait3A_173 : memref<1x3x128xi32, #tpu.memory_space<vmem>> -> memref<3x128xi32, #tpu.memory_space<vmem>>
          %dma_wait3A_175 = arith.constant 0 : i32
          %dma_wait3A_176 = tpu.memref_slice %arg4[%add3A_151, %dma_wait3A_175] : memref<12576x128xi32, #tpu.memory_space<hbm>> -> memref<3x128xi32, #tpu.memory_space<hbm>>
          tpu.wait_dma2 semaphore(%run_scoped3A_152 : memref<!tpu.dma_semaphore, #tpu.memory_space<semaphore_mem>>) src(%dma_wait3A_176 : memref<3x128xi32, #tpu.memory_space<hbm>>) dst(%dma_wait3A_174 : memref<3x128xi32, #tpu.memory_space<vmem>>)
          tpu.yield
        }) : () -> ()
      } else {
      }
      %dma_wait3A_93 = arith.constant 0 : i32
      %dma_wait3A_94 = arith.constant 0 : i32
      %dma_wait3A_95 = tpu.memref_slice %arg9[%select_n3A_80, %dma_wait3A_93, %dma_wait3A_94] : memref<2x384x32xf32, #tpu.memory_space<vmem>> -> memref<1x384x32xf32, #tpu.memory_space<vmem>>
      %dma_wait3A_96 = tpu.memref_squeeze %dma_wait3A_95 : memref<1x384x32xf32, #tpu.memory_space<vmem>> -> memref<384x32xf32, #tpu.memory_space<vmem>>
      %dma_wait3A_97 = arith.constant 0 : i32
      %dma_wait3A_98 = arith.constant 0 : i32
      %dma_wait3A_99 = tpu.memref_slice %arg2[%dma_wait3A_97, %dma_wait3A_98] : memref<100000x32xf32, #tpu.memory_space<hbm>> -> memref<384x32xf32, #tpu.memory_space<hbm>>
      %dma_wait3A_100 = arith.constant 0 : i32
      %dma_wait3A_101 = arith.constant 0 : i32
      %dma_wait3A_102 = tpu.memref_slice %arg9[%select_n3A_80, %dma_wait3A_100, %dma_wait3A_101] : memref<2x384x32xf32, #tpu.memory_space<vmem>> -> memref<1x384x32xf32, #tpu.memory_space<vmem>>
      %dma_wait3A_103 = tpu.memref_squeeze %dma_wait3A_102 : memref<1x384x32xf32, #tpu.memory_space<vmem>> -> memref<384x32xf32, #tpu.memory_space<vmem>>
      %dma_wait3A_104 = arith.constant 0 : i32
      %dma_wait3A_105 = arith.constant 0 : i32
      %dma_wait3A_106 = tpu.memref_slice %arg2[%dma_wait3A_104, %dma_wait3A_105] : memref<100000x32xf32, #tpu.memory_space<hbm>> -> memref<384x32xf32, #tpu.memory_space<hbm>>
      tpu.wait_dma2 semaphore(%arg11 : memref<!tpu.dma_semaphore, #tpu.memory_space<semaphore_mem>>) src(%dma_wait3A_106 : memref<384x32xf32, #tpu.memory_space<hbm>>) dst(%dma_wait3A_103 : memref<384x32xf32, #tpu.memory_space<vmem>>)
      %add3A_107 = arith.constant 1 : i32
      %add3A_108 = arith.addi %scan3A_69, %add3A_107 : i32
      %lt3A_109 = arith.constant 262 : i32
      %lt3A_110 = arith.cmpi slt, %add3A_108, %lt3A_109 : i32
      %convert_element_type3A_111 = arith.extui %lt3A_110 : i1 to i32
      %cond3A_112 = arith.constant 0 : i32
      %cond3A_113 = arith.cmpi ne, %convert_element_type3A_111, %cond3A_112 : i32
      scf.if %cond3A_113 {
        %dma_start3A_147 = arith.constant 0 : i32
        %dma_start3A_148 = arith.constant 0 : i32
        %dma_start3A_149 = arith.constant 0 : i32
        %dma_start3A_150 = tpu.memref_slice %arg9[%sub3A_81, %dma_start3A_148, %dma_start3A_149] : memref<2x384x32xf32, #tpu.memory_space<vmem>> -> memref<1x128x32xf32, #tpu.memory_space<vmem>>
        %dma_start3A_151 = tpu.memref_squeeze %dma_start3A_150 : memref<1x128x32xf32, #tpu.memory_space<vmem>> -> memref<128x32xf32, #tpu.memory_space<vmem>>
        %dma_start3A_152 = arith.constant 0 : i32
        %dma_start3A_153 = tpu.memref_slice %arg7[%sub3A_81, %dma_start3A_147, %dma_start3A_152] : memref<2x3x128xi32, #tpu.memory_space<vmem>> -> memref<1x1x128xi32, #tpu.memory_space<vmem>>
        %dma_start3A_154 = tpu.memref_squeeze %dma_start3A_153 : memref<1x1x128xi32, #tpu.memory_space<vmem>> -> memref<128xi32, #tpu.memory_space<vmem>>
        %dma_start3A_155 = arith.constant 0 : i32
        %dma_start3A_156 = arith.constant 0 : i32
        %dma_start3A_157 = tpu.memref_slice %arg2[%dma_start3A_155, %dma_start3A_156] : memref<100000x32xf32, #tpu.memory_space<hbm>> -> memref<100000x32xf32, #tpu.memory_space<hbm>>
        tpu.enqueue_indirect_dma source(%dma_start3A_157 : memref<100000x32xf32, #tpu.memory_space<hbm>>) target(%dma_start3A_151 : memref<128x32xf32, #tpu.memory_space<vmem>>) offsets(%dma_start3A_154 : memref<128xi32, #tpu.memory_space<vmem>>) semaphore(%arg11 : memref<!tpu.dma_semaphore, #tpu.memory_space<semaphore_mem>>)
        %dma_start3A_158 = arith.constant 1 : i32
        %dma_start3A_159 = arith.constant 128 : i32
        %dma_start3A_160 = arith.constant 0 : i32
        %dma_start3A_161 = tpu.memref_slice %arg9[%sub3A_81, %dma_start3A_159, %dma_start3A_160] : memref<2x384x32xf32, #tpu.memory_space<vmem>> -> memref<1x128x32xf32, #tpu.memory_space<vmem>>
        %dma_start3A_162 = tpu.memref_squeeze %dma_start3A_161 : memref<1x128x32xf32, #tpu.memory_space<vmem>> -> memref<128x32xf32, #tpu.memory_space<vmem>>
        %dma_start3A_163 = arith.constant 0 : i32
        %dma_start3A_164 = tpu.memref_slice %arg7[%sub3A_81, %dma_start3A_158, %dma_start3A_163] : memref<2x3x128xi32, #tpu.memory_space<vmem>> -> memref<1x1x128xi32, #tpu.memory_space<vmem>>
        %dma_start3A_165 = tpu.memref_squeeze %dma_start3A_164 : memref<1x1x128xi32, #tpu.memory_space<vmem>> -> memref<128xi32, #tpu.memory_space<vmem>>
        %dma_start3A_166 = arith.constant 0 : i32
        %dma_start3A_167 = arith.constant 0 : i32
        %dma_start3A_168 = tpu.memref_slice %arg2[%dma_start3A_166, %dma_start3A_167] : memref<100000x32xf32, #tpu.memory_space<hbm>> -> memref<100000x32xf32, #tpu.memory_space<hbm>>
        tpu.enqueue_indirect_dma source(%dma_start3A_168 : memref<100000x32xf32, #tpu.memory_space<hbm>>) target(%dma_start3A_162 : memref<128x32xf32, #tpu.memory_space<vmem>>) offsets(%dma_start3A_165 : memref<128xi32, #tpu.memory_space<vmem>>) semaphore(%arg11 : memref<!tpu.dma_semaphore, #tpu.memory_space<semaphore_mem>>)
        %dma_start3A_169 = arith.constant 2 : i32
        %dma_start3A_170 = arith.constant 256 : i32
        %dma_start3A_171 = arith.constant 0 : i32
        %dma_start3A_172 = tpu.memref_slice %arg9[%sub3A_81, %dma_start3A_170, %dma_start3A_171] : memref<2x384x32xf32, #tpu.memory_space<vmem>> -> memref<1x128x32xf32, #tpu.memory_space<vmem>>
        %dma_start3A_173 = tpu.memref_squeeze %dma_start3A_172 : memref<1x128x32xf32, #tpu.memory_space<vmem>> -> memref<128x32xf32, #tpu.memory_space<vmem>>
        %dma_start3A_174 = arith.constant 0 : i32
        %dma_start3A_175 = tpu.memref_slice %arg7[%sub3A_81, %dma_start3A_169, %dma_start3A_174] : memref<2x3x128xi32, #tpu.memory_space<vmem>> -> memref<1x1x128xi32, #tpu.memory_space<vmem>>
        %dma_start3A_176 = tpu.memref_squeeze %dma_start3A_175 : memref<1x1x128xi32, #tpu.memory_space<vmem>> -> memref<128xi32, #tpu.memory_space<vmem>>
        %dma_start3A_177 = arith.constant 0 : i32
        %dma_start3A_178 = arith.constant 0 : i32
        %dma_start3A_179 = tpu.memref_slice %arg2[%dma_start3A_177, %dma_start3A_178] : memref<100000x32xf32, #tpu.memory_space<hbm>> -> memref<100000x32xf32, #tpu.memory_space<hbm>>
        tpu.enqueue_indirect_dma source(%dma_start3A_179 : memref<100000x32xf32, #tpu.memory_space<hbm>>) target(%dma_start3A_173 : memref<128x32xf32, #tpu.memory_space<vmem>>) offsets(%dma_start3A_176 : memref<128xi32, #tpu.memory_space<vmem>>) semaphore(%arg11 : memref<!tpu.dma_semaphore, #tpu.memory_space<semaphore_mem>>)
      } else {
      }
      %dma_start3A_114 = arith.constant 0 : i32
      %dma_start3A_115 = arith.constant 0 : i32
      %dma_start3A_116 = arith.constant 0 : i32
      %dma_start3A_117 = tpu.memref_slice %arg9[%select_n3A_80, %dma_start3A_115, %dma_start3A_116] : memref<2x384x32xf32, #tpu.memory_space<vmem>> -> memref<1x128x32xf32, #tpu.memory_space<vmem>>
      %dma_start3A_118 = tpu.memref_squeeze %dma_start3A_117 : memref<1x128x32xf32, #tpu.memory_space<vmem>> -> memref<128x32xf32, #tpu.memory_space<vmem>>
      %dma_start3A_119 = arith.constant 0 : i32
      %dma_start3A_120 = tpu.memref_slice %arg8[%select_n3A_80, %dma_start3A_114, %dma_start3A_119] : memref<2x3x128xi32, #tpu.memory_space<vmem>> -> memref<1x1x128xi32, #tpu.memory_space<vmem>>
      %dma_start3A_121 = tpu.memref_squeeze %dma_start3A_120 : memref<1x1x128xi32, #tpu.memory_space<vmem>> -> memref<128xi32, #tpu.memory_space<vmem>>
      %dma_start3A_122 = arith.constant 0 : i32
      %dma_start3A_123 = arith.constant 0 : i32
      %dma_start3A_124 = tpu.memref_slice %arg10[%dma_start3A_122, %dma_start3A_123] : memref<50048x32xf32, #tpu.memory_space<vmem_shared>> -> memref<50048x32xf32, #tpu.memory_space<vmem_shared>>
      tpu.enqueue_indirect_dma source(%dma_start3A_118 : memref<128x32xf32, #tpu.memory_space<vmem>>) target(%dma_start3A_124 : memref<50048x32xf32, #tpu.memory_space<vmem_shared>>) offsets(%dma_start3A_121 : memref<128xi32, #tpu.memory_space<vmem>>) semaphore(%arg12 : memref<!tpu.dma_semaphore, #tpu.memory_space<semaphore_mem>>) {add = true}
      %dma_start3A_125 = arith.constant 1 : i32
      %dma_start3A_126 = arith.constant 128 : i32
      %dma_start3A_127 = arith.constant 0 : i32
      %dma_start3A_128 = tpu.memref_slice %arg9[%select_n3A_80, %dma_start3A_126, %dma_start3A_127] : memref<2x384x32xf32, #tpu.memory_space<vmem>> -> memref<1x128x32xf32, #tpu.memory_space<vmem>>
      %dma_start3A_129 = tpu.memref_squeeze %dma_start3A_128 : memref<1x128x32xf32, #tpu.memory_space<vmem>> -> memref<128x32xf32, #tpu.memory_space<vmem>>
      %dma_start3A_130 = arith.constant 0 : i32
      %dma_start3A_131 = tpu.memref_slice %arg8[%select_n3A_80, %dma_start3A_125, %dma_start3A_130] : memref<2x3x128xi32, #tpu.memory_space<vmem>> -> memref<1x1x128xi32, #tpu.memory_space<vmem>>
      %dma_start3A_132 = tpu.memref_squeeze %dma_start3A_131 : memref<1x1x128xi32, #tpu.memory_space<vmem>> -> memref<128xi32, #tpu.memory_space<vmem>>
      %dma_start3A_133 = arith.constant 0 : i32
      %dma_start3A_134 = arith.constant 0 : i32
      %dma_start3A_135 = tpu.memref_slice %arg10[%dma_start3A_133, %dma_start3A_134] : memref<50048x32xf32, #tpu.memory_space<vmem_shared>> -> memref<50048x32xf32, #tpu.memory_space<vmem_shared>>
      tpu.enqueue_indirect_dma source(%dma_start3A_129 : memref<128x32xf32, #tpu.memory_space<vmem>>) target(%dma_start3A_135 : memref<50048x32xf32, #tpu.memory_space<vmem_shared>>) offsets(%dma_start3A_132 : memref<128xi32, #tpu.memory_space<vmem>>) semaphore(%arg12 : memref<!tpu.dma_semaphore, #tpu.memory_space<semaphore_mem>>) {add = true}
      %dma_start3A_136 = arith.constant 2 : i32
      %dma_start3A_137 = arith.constant 256 : i32
      %dma_start3A_138 = arith.constant 0 : i32
      %dma_start3A_139 = tpu.memref_slice %arg9[%select_n3A_80, %dma_start3A_137, %dma_start3A_138] : memref<2x384x32xf32, #tpu.memory_space<vmem>> -> memref<1x128x32xf32, #tpu.memory_space<vmem>>
      %dma_start3A_140 = tpu.memref_squeeze %dma_start3A_139 : memref<1x128x32xf32, #tpu.memory_space<vmem>> -> memref<128x32xf32, #tpu.memory_space<vmem>>
      %dma_start3A_141 = arith.constant 0 : i32
      %dma_start3A_142 = tpu.memref_slice %arg8[%select_n3A_80, %dma_start3A_136, %dma_start3A_141] : memref<2x3x128xi32, #tpu.memory_space<vmem>> -> memref<1x1x128xi32, #tpu.memory_space<vmem>>
      %dma_start3A_143 = tpu.memref_squeeze %dma_start3A_142 : memref<1x1x128xi32, #tpu.memory_space<vmem>> -> memref<128xi32, #tpu.memory_space<vmem>>
      %dma_start3A_144 = arith.constant 0 : i32
      %dma_start3A_145 = arith.constant 0 : i32
      %dma_start3A_146 = tpu.memref_slice %arg10[%dma_start3A_144, %dma_start3A_145] : memref<50048x32xf32, #tpu.memory_space<vmem_shared>> -> memref<50048x32xf32, #tpu.memory_space<vmem_shared>>
      tpu.enqueue_indirect_dma source(%dma_start3A_140 : memref<128x32xf32, #tpu.memory_space<vmem>>) target(%dma_start3A_146 : memref<50048x32xf32, #tpu.memory_space<vmem_shared>>) offsets(%dma_start3A_143 : memref<128xi32, #tpu.memory_space<vmem>>) semaphore(%arg12 : memref<!tpu.dma_semaphore, #tpu.memory_space<semaphore_mem>>) {add = true}
    }
    %scan3A_47 = arith.constant 262 : i32
    %dma_wait3A = arith.constant 1 : i32
    %dma_wait3A_48 = arith.constant 0 : i32
    %dma_wait3A_49 = arith.constant 0 : i32
    %dma_wait3A_50 = tpu.memref_slice %arg9[%dma_wait3A, %dma_wait3A_48, %dma_wait3A_49] : memref<2x384x32xf32, #tpu.memory_space<vmem>> -> memref<1x384x32xf32, #tpu.memory_space<vmem>>
    %dma_wait3A_51 = tpu.memref_squeeze %dma_wait3A_50 : memref<1x384x32xf32, #tpu.memory_space<vmem>> -> memref<384x32xf32, #tpu.memory_space<vmem>>
    %dma_wait3A_52 = arith.constant 0 : i32
    %dma_wait3A_53 = arith.constant 0 : i32
    %dma_wait3A_54 = tpu.memref_slice %arg10[%dma_wait3A_52, %dma_wait3A_53] : memref<50048x32xf32, #tpu.memory_space<vmem_shared>> -> memref<384x32xf32, #tpu.memory_space<vmem_shared>>
    %dma_wait3A_55 = arith.constant 0 : i32
    %dma_wait3A_56 = arith.constant 0 : i32
    %dma_wait3A_57 = tpu.memref_slice %arg10[%dma_wait3A_55, %dma_wait3A_56] : memref<50048x32xf32, #tpu.memory_space<vmem_shared>> -> memref<384x32xf32, #tpu.memory_space<vmem_shared>>
    %dma_wait3A_58 = arith.constant 0 : i32
    %dma_wait3A_59 = arith.constant 0 : i32
    %dma_wait3A_60 = tpu.memref_slice %arg9[%dma_wait3A, %dma_wait3A_58, %dma_wait3A_59] : memref<2x384x32xf32, #tpu.memory_space<vmem>> -> memref<1x384x32xf32, #tpu.memory_space<vmem>>
    %dma_wait3A_61 = tpu.memref_squeeze %dma_wait3A_60 : memref<1x384x32xf32, #tpu.memory_space<vmem>> -> memref<384x32xf32, #tpu.memory_space<vmem>>
    tpu.wait_dma2 semaphore(%arg12 : memref<!tpu.dma_semaphore, #tpu.memory_space<semaphore_mem>>) src(%dma_wait3A_61 : memref<384x32xf32, #tpu.memory_space<vmem>>) dst(%dma_wait3A_57 : memref<384x32xf32, #tpu.memory_space<vmem_shared>>)
    %barrier3A_62 = arith.constant 0 : index
    tpu.barrier barrier_id(%barrier3A_62)
    %lt3A = arith.constant 15 : i32
    %lt3A_63 = arith.cmpi slt, %arg1, %lt3A : i32
    %convert_element_type3A = arith.extui %lt3A_63 : i1 to i32
    %cond3A = arith.constant 0 : i32
    %cond3A_64 = arith.cmpi ne, %convert_element_type3A, %cond3A : i32
    scf.if %cond3A_64 {
      %mul3A_69 = arith.constant 3128 : i32
      %mul3A_70 = arith.muli %arg1, %mul3A_69 : i32
      %mul3A_71 = arith.constant 50000 : i32
      %mul3A_72 = arith.muli %arg0, %mul3A_71 : i32
      %mul3A_73 = arith.constant 3128 : i32
      %mul3A_74 = arith.muli %arg1, %mul3A_73 : i32
      %add3A_75 = arith.addi %mul3A_72, %mul3A_74 : i32
      "tpu.region"() ({
        %run_scoped3A_76 = tpu.sem_alloc : memref<!tpu.dma_semaphore, #tpu.memory_space<semaphore_mem>>
        %dma_start3A_77 = arith.constant 0 : i32
        %dma_start3A_78 = tpu.memref_slice %arg6[%add3A_75, %dma_start3A_77] : memref<100000x32xf32, #tpu.memory_space<hbm>> -> memref<3128x32xf32, #tpu.memory_space<hbm>>
        %dma_start3A_79 = arith.constant 0 : i32
        %dma_start3A_80 = tpu.memref_slice %arg10[%mul3A_70, %dma_start3A_79] : memref<50048x32xf32, #tpu.memory_space<vmem_shared>> -> memref<3128x32xf32, #tpu.memory_space<vmem_shared>>
        tpu.enqueue_dma source(%dma_start3A_80 : memref<3128x32xf32, #tpu.memory_space<vmem_shared>>) target(%dma_start3A_78 : memref<3128x32xf32, #tpu.memory_space<hbm>>) target_semaphore(%run_scoped3A_76 : memref<!tpu.dma_semaphore, #tpu.memory_space<semaphore_mem>>)
        %dma_wait3A_81 = arith.constant 0 : i32
        %dma_wait3A_82 = tpu.memref_slice %arg6[%add3A_75, %dma_wait3A_81] : memref<100000x32xf32, #tpu.memory_space<hbm>> -> memref<3128x32xf32, #tpu.memory_space<hbm>>
        %dma_wait3A_83 = arith.constant 0 : i32
        %dma_wait3A_84 = tpu.memref_slice %arg10[%mul3A_70, %dma_wait3A_83] : memref<50048x32xf32, #tpu.memory_space<vmem_shared>> -> memref<3128x32xf32, #tpu.memory_space<vmem_shared>>
        tpu.wait_dma2 semaphore(%run_scoped3A_76 : memref<!tpu.dma_semaphore, #tpu.memory_space<semaphore_mem>>) src(%dma_wait3A_84 : memref<3128x32xf32, #tpu.memory_space<vmem_shared>>) dst(%dma_wait3A_82 : memref<3128x32xf32, #tpu.memory_space<hbm>>)
        tpu.yield
      }) : () -> ()
    } else {
    }
    %eq3A = arith.constant 15 : i32
    %eq3A_65 = arith.cmpi eq, %arg1, %eq3A : i32
    %convert_element_type3A_66 = arith.extui %eq3A_65 : i1 to i32
    %cond3A_67 = arith.constant 0 : i32
    %cond3A_68 = arith.cmpi ne, %convert_element_type3A_66, %cond3A_67 : i32
    scf.if %cond3A_68 {
      %mul3A_69 = arith.constant 50000 : i32
      %mul3A_70 = arith.muli %arg0, %mul3A_69 : i32
      %add3A_71 = arith.constant 46920 : i32
      %add3A_72 = arith.addi %mul3A_70, %add3A_71 : i32
      "tpu.region"() ({
        %run_scoped3A_73 = tpu.sem_alloc : memref<!tpu.dma_semaphore, #tpu.memory_space<semaphore_mem>>
        %dma_start3A_74 = arith.constant 0 : i32
        %dma_start3A_75 = tpu.memref_slice %arg6[%add3A_72, %dma_start3A_74] : memref<100000x32xf32, #tpu.memory_space<hbm>> -> memref<3080x32xf32, #tpu.memory_space<hbm>>
        %dma_start3A_76 = arith.constant 46920 : i32
        %dma_start3A_77 = arith.constant 0 : i32
        %dma_start3A_78 = tpu.memref_slice %arg10[%dma_start3A_76, %dma_start3A_77] : memref<50048x32xf32, #tpu.memory_space<vmem_shared>> -> memref<3080x32xf32, #tpu.memory_space<vmem_shared>>
        tpu.enqueue_dma source(%dma_start3A_78 : memref<3080x32xf32, #tpu.memory_space<vmem_shared>>) target(%dma_start3A_75 : memref<3080x32xf32, #tpu.memory_space<hbm>>) target_semaphore(%run_scoped3A_73 : memref<!tpu.dma_semaphore, #tpu.memory_space<semaphore_mem>>)
        %dma_wait3A_79 = arith.constant 0 : i32
        %dma_wait3A_80 = tpu.memref_slice %arg6[%add3A_72, %dma_wait3A_79] : memref<100000x32xf32, #tpu.memory_space<hbm>> -> memref<3080x32xf32, #tpu.memory_space<hbm>>
        %dma_wait3A_81 = arith.constant 46920 : i32
        %dma_wait3A_82 = arith.constant 0 : i32
        %dma_wait3A_83 = tpu.memref_slice %arg10[%dma_wait3A_81, %dma_wait3A_82] : memref<50048x32xf32, #tpu.memory_space<vmem_shared>> -> memref<3080x32xf32, #tpu.memory_space<vmem_shared>>
        tpu.wait_dma2 semaphore(%run_scoped3A_73 : memref<!tpu.dma_semaphore, #tpu.memory_space<semaphore_mem>>) src(%dma_wait3A_83 : memref<3080x32xf32, #tpu.memory_space<vmem_shared>>) dst(%dma_wait3A_80 : memref<3080x32xf32, #tpu.memory_space<hbm>>)
        tpu.yield
      }) : () -> ()
    } else {
    }
    return
  }
}

module attributes {stable_mosaic.version = 14 : i64} {
  func.func @_msg0_body(%arg0: i32, %arg1: memref<1000x50xf32, #tpu.memory_space<vmem>>, %arg2: memref<50x50xf32, #tpu.memory_space<vmem>>, %arg3: memref<2x1000x32xf32, #tpu.memory_space<vmem>>) attributes {dimension_semantics = [#tpu.dimension_semantics<arbitrary>], iteration_bounds = array<i64: 50>, scalar_prefetch = 0 : i64, scratch_operands = 0 : i64, tpu.core_type = #tpu.core_type<tc>, window_params = [{transform_indices = @transform_0, window_bounds = array<i64: 1000, 50>}, {pipeline_mode = #tpu.pipeline_mode<synchronous>, transform_indices = @transform_1, window_bounds = array<i64: 50, 50>}, {transform_indices = @transform_2, window_bounds = array<i64: 2, 1000, 32>}]} {
    %get3A = arith.constant 0 : index
    %get3A_0 = arith.constant 0 : index
    %get3A_1 = vector.load %arg1[%get3A, %get3A_0] : memref<1000x50xf32, #tpu.memory_space<vmem>>, vector<1000x50xf32>
    %get3A_2 = arith.constant 0 : index
    %get3A_3 = arith.constant 0 : index
    %get3A_4 = vector.load %arg2[%get3A_2, %get3A_3] : memref<50x50xf32, #tpu.memory_space<vmem>>, vector<50x50xf32>
    %dot_general3A = arith.constant dense<0.000000e+00> : vector<1000x50xf32>
    %dot_general3A_5 = tpu.matmul %get3A_1, %get3A_4, %dot_general3A {dimension_numbers = #tpu.dot_dimension_numbers<[1], [0], [0], [1], [0, 0, 1, 1], [], []>, transpose_lhs_hint = false} : vector<1000x50xf32>, vector<50x50xf32>, vector<1000x50xf32> -> vector<1000x50xf32>
    %broadcast_in_dim3A = arith.constant 0.000000e+00 : f32
    %broadcast_in_dim3A_6 = vector.broadcast %broadcast_in_dim3A : f32 to vector<1000x7xf32>
    %slice3A = vector.extract_strided_slice %dot_general3A_5 {offsets = [0, 0], sizes = [1000, 25], strides = [1, 1]} : vector<1000x50xf32> to vector<1000x25xf32>
    %concatenate3A = tpu.concatenate %slice3A, %broadcast_in_dim3A_6 in 1 : vector<1000x25xf32>, vector<1000x7xf32> -> vector<1000x32xf32>
    %slice3A_7 = vector.extract_strided_slice %dot_general3A_5 {offsets = [0, 25], sizes = [1000, 25], strides = [1, 1]} : vector<1000x50xf32> to vector<1000x25xf32>
    %concatenate3A_8 = tpu.concatenate %slice3A_7, %broadcast_in_dim3A_6 in 1 : vector<1000x25xf32>, vector<1000x7xf32> -> vector<1000x32xf32>
    %swap3A = arith.constant 0 : index
    %swap3A_9 = arith.constant 0 : index
    %swap3A_10 = arith.constant 0 : index
    %swap3A_11 = vector.load %arg3[%swap3A, %swap3A_9, %swap3A_10] : memref<2x1000x32xf32, #tpu.memory_space<vmem>>, vector<1x1000x32xf32>
    %swap3A_12 = vector.shape_cast %swap3A_11 : vector<1x1000x32xf32> to vector<1000x32xf32>
    %swap3A_13 = vector.shape_cast %concatenate3A : vector<1000x32xf32> to vector<1x1000x32xf32>
    tpu.vector_store %arg3[%swap3A, %swap3A_9, %swap3A_10], %swap3A_13 {strides = array<i32>} : memref<2x1000x32xf32, #tpu.memory_space<vmem>>, vector<1x1000x32xf32>,
    %swap3A_14 = arith.constant 1 : index
    %swap3A_15 = arith.constant 0 : index
    %swap3A_16 = arith.constant 0 : index
    %swap3A_17 = vector.load %arg3[%swap3A_14, %swap3A_15, %swap3A_16] : memref<2x1000x32xf32, #tpu.memory_space<vmem>>, vector<1x1000x32xf32>
    %swap3A_18 = vector.shape_cast %swap3A_17 : vector<1x1000x32xf32> to vector<1000x32xf32>
    %swap3A_19 = vector.shape_cast %concatenate3A_8 : vector<1000x32xf32> to vector<1x1000x32xf32>
    tpu.vector_store %arg3[%swap3A_14, %swap3A_15, %swap3A_16], %swap3A_19 {strides = array<i32>} : memref<2x1000x32xf32, #tpu.memory_space<vmem>>, vector<1x1000x32xf32>,
    return
  }
  func.func @transform_0(%arg0: i32) -> (i32, i32) {
    %c0_i32 = arith.constant 0 : i32
    %c0_i32_0 = arith.constant 0 : i32
    return %arg0, %c0_i32 : i32, i32
  }
  func.func @transform_1(%arg0: i32) -> (i32, i32) {
    %c0_i32 = arith.constant 0 : i32
    %c0_i32_0 = arith.constant 0 : i32
    %c0_i32_1 = arith.constant 0 : i32
    return %c0_i32, %c0_i32_0 : i32, i32
  }
  func.func @transform_2(%arg0: i32) -> (i32, i32, i32) {
    %c0_i32 = arith.constant 0 : i32
    %c0_i32_0 = arith.constant 0 : i32
    %c0_i32_1 = arith.constant 0 : i32
    return %c0_i32, %arg0, %c0_i32_0 : i32, i32, i32
  }
}

module attributes {stable_mosaic.version = 14 : i64} {
  func.func @_gru_body(%arg0: i32, %arg1: memref<2x1000x32xf32, #tpu.memory_space<vmem>>, %arg2: memref<1000x50xf32, #tpu.memory_space<vmem>>, %arg3: memref<3x50x50xf32, #tpu.memory_space<vmem>>, %arg4: memref<3x50x50xf32, #tpu.memory_space<vmem>>, %arg5: memref<3x50xf32, #tpu.memory_space<vmem>>, %arg6: memref<50x50xf32, #tpu.memory_space<vmem>>, %arg7: memref<1000x50xf32, #tpu.memory_space<vmem>>, %arg8: memref<2x1000x32xf32, #tpu.memory_space<vmem>>) attributes {dimension_semantics = [#tpu.dimension_semantics<arbitrary>], iteration_bounds = array<i64: 50>, scalar_prefetch = 0 : i64, scratch_operands = 0 : i64, tpu.core_type = #tpu.core_type<tc>, window_params = [{transform_indices = @transform_0, window_bounds = array<i64: 2, 1000, 32>}, {transform_indices = @transform_1, window_bounds = array<i64: 1000, 50>}, {pipeline_mode = #tpu.pipeline_mode<synchronous>, transform_indices = @transform_2, window_bounds = array<i64: 3, 50, 50>}, {pipeline_mode = #tpu.pipeline_mode<synchronous>, transform_indices = @transform_3, window_bounds = array<i64: 3, 50, 50>}, {pipeline_mode = #tpu.pipeline_mode<synchronous>, transform_indices = @transform_4, window_bounds = array<i64: 3, 50>}, {pipeline_mode = #tpu.pipeline_mode<synchronous>, transform_indices = @transform_5, window_bounds = array<i64: 50, 50>}, {transform_indices = @transform_6, window_bounds = array<i64: 1000, 50>}, {transform_indices = @transform_7, window_bounds = array<i64: 2, 1000, 32>}]} {
    %get3A = arith.constant 0 : index
    %get3A_0 = arith.constant 0 : index
    %get3A_1 = arith.constant 0 : index
    %get3A_2 = vector.load %arg1[%get3A, %get3A_0, %get3A_1] : memref<2x1000x32xf32, #tpu.memory_space<vmem>>, vector<1x1000x32xf32>
    %get3A_3 = vector.shape_cast %get3A_2 : vector<1x1000x32xf32> to vector<1000x32xf32>
    %slice3A = vector.extract_strided_slice %get3A_3 {offsets = [0, 0], sizes = [1000, 25], strides = [1, 1]} : vector<1000x32xf32> to vector<1000x25xf32>
    %get3A_4 = arith.constant 1 : index
    %get3A_5 = arith.constant 0 : index
    %get3A_6 = arith.constant 0 : index
    %get3A_7 = vector.load %arg1[%get3A_4, %get3A_5, %get3A_6] : memref<2x1000x32xf32, #tpu.memory_space<vmem>>, vector<1x1000x32xf32>
    %get3A_8 = vector.shape_cast %get3A_7 : vector<1x1000x32xf32> to vector<1000x32xf32>
    %slice3A_9 = vector.extract_strided_slice %get3A_8 {offsets = [0, 0], sizes = [1000, 25], strides = [1, 1]} : vector<1000x32xf32> to vector<1000x25xf32>
    %concatenate3A = tpu.concatenate %slice3A, %slice3A_9 in 1 : vector<1000x25xf32>, vector<1000x25xf32> -> vector<1000x50xf32>
    %get3A_10 = arith.constant 0 : index
    %get3A_11 = arith.constant 0 : index
    %get3A_12 = vector.load %arg2[%get3A_10, %get3A_11] : memref<1000x50xf32, #tpu.memory_space<vmem>>, vector<1000x50xf32>
    %get3A_13 = arith.constant 0 : index
    %get3A_14 = arith.constant 0 : index
    %get3A_15 = arith.constant 0 : index
    %get3A_16 = vector.load %arg3[%get3A_13, %get3A_14, %get3A_15] : memref<3x50x50xf32, #tpu.memory_space<vmem>>, vector<1x50x50xf32>
    %get3A_17 = vector.shape_cast %get3A_16 : vector<1x50x50xf32> to vector<50x50xf32>
    %dot_general3A = arith.constant dense<0.000000e+00> : vector<1000x50xf32>
    %dot_general3A_18 = tpu.matmul %concatenate3A, %get3A_17, %dot_general3A {dimension_numbers = #tpu.dot_dimension_numbers<[1], [0], [0], [1], [0, 0, 1, 1], [], []>, transpose_lhs_hint = false} : vector<1000x50xf32>, vector<50x50xf32>, vector<1000x50xf32> -> vector<1000x50xf32>
    %get3A_19 = arith.constant 1 : index
    %get3A_20 = arith.constant 0 : index
    %get3A_21 = arith.constant 0 : index
    %get3A_22 = vector.load %arg3[%get3A_19, %get3A_20, %get3A_21] : memref<3x50x50xf32, #tpu.memory_space<vmem>>, vector<1x50x50xf32>
    %get3A_23 = vector.shape_cast %get3A_22 : vector<1x50x50xf32> to vector<50x50xf32>
    %dot_general3A_24 = arith.constant dense<0.000000e+00> : vector<1000x50xf32>
    %dot_general3A_25 = tpu.matmul %concatenate3A, %get3A_23, %dot_general3A_24 {dimension_numbers = #tpu.dot_dimension_numbers<[1], [0], [0], [1], [0, 0, 1, 1], [], []>, transpose_lhs_hint = false} : vector<1000x50xf32>, vector<50x50xf32>, vector<1000x50xf32> -> vector<1000x50xf32>
    %get3A_26 = arith.constant 2 : index
    %get3A_27 = arith.constant 0 : index
    %get3A_28 = arith.constant 0 : index
    %get3A_29 = vector.load %arg3[%get3A_26, %get3A_27, %get3A_28] : memref<3x50x50xf32, #tpu.memory_space<vmem>>, vector<1x50x50xf32>
    %get3A_30 = vector.shape_cast %get3A_29 : vector<1x50x50xf32> to vector<50x50xf32>
    %dot_general3A_31 = arith.constant dense<0.000000e+00> : vector<1000x50xf32>
    %dot_general3A_32 = tpu.matmul %concatenate3A, %get3A_30, %dot_general3A_31 {dimension_numbers = #tpu.dot_dimension_numbers<[1], [0], [0], [1], [0, 0, 1, 1], [], []>, transpose_lhs_hint = false} : vector<1000x50xf32>, vector<50x50xf32>, vector<1000x50xf32> -> vector<1000x50xf32>
    %get3A_33 = arith.constant 0 : index
    %get3A_34 = arith.constant 0 : index
    %get3A_35 = arith.constant 0 : index
    %get3A_36 = vector.load %arg4[%get3A_33, %get3A_34, %get3A_35] : memref<3x50x50xf32, #tpu.memory_space<vmem>>, vector<1x50x50xf32>
    %get3A_37 = vector.shape_cast %get3A_36 : vector<1x50x50xf32> to vector<50x50xf32>
    %dot_general3A_38 = arith.constant dense<0.000000e+00> : vector<1000x50xf32>
    %dot_general3A_39 = tpu.matmul %get3A_12, %get3A_37, %dot_general3A_38 {dimension_numbers = #tpu.dot_dimension_numbers<[1], [0], [0], [1], [0, 0, 1, 1], [], []>, transpose_lhs_hint = false} : vector<1000x50xf32>, vector<50x50xf32>, vector<1000x50xf32> -> vector<1000x50xf32>
    %get3A_40 = arith.constant 1 : index
    %get3A_41 = arith.constant 0 : index
    %get3A_42 = arith.constant 0 : index
    %get3A_43 = vector.load %arg4[%get3A_40, %get3A_41, %get3A_42] : memref<3x50x50xf32, #tpu.memory_space<vmem>>, vector<1x50x50xf32>
    %get3A_44 = vector.shape_cast %get3A_43 : vector<1x50x50xf32> to vector<50x50xf32>
    %dot_general3A_45 = arith.constant dense<0.000000e+00> : vector<1000x50xf32>
    %dot_general3A_46 = tpu.matmul %get3A_12, %get3A_44, %dot_general3A_45 {dimension_numbers = #tpu.dot_dimension_numbers<[1], [0], [0], [1], [0, 0, 1, 1], [], []>, transpose_lhs_hint = false} : vector<1000x50xf32>, vector<50x50xf32>, vector<1000x50xf32> -> vector<1000x50xf32>
    %get3A_47 = arith.constant 2 : index
    %get3A_48 = arith.constant 0 : index
    %get3A_49 = arith.constant 0 : index
    %get3A_50 = vector.load %arg4[%get3A_47, %get3A_48, %get3A_49] : memref<3x50x50xf32, #tpu.memory_space<vmem>>, vector<1x50x50xf32>
    %get3A_51 = vector.shape_cast %get3A_50 : vector<1x50x50xf32> to vector<50x50xf32>
    %dot_general3A_52 = arith.constant dense<0.000000e+00> : vector<1000x50xf32>
    %dot_general3A_53 = tpu.matmul %get3A_12, %get3A_51, %dot_general3A_52 {dimension_numbers = #tpu.dot_dimension_numbers<[1], [0], [0], [1], [0, 0, 1, 1], [], []>, transpose_lhs_hint = false} : vector<1000x50xf32>, vector<50x50xf32>, vector<1000x50xf32> -> vector<1000x50xf32>
    %get3A_54 = arith.constant 0 : index
    %get3A_55 = arith.constant 0 : index
    %get3A_56 = vector.load %arg5[%get3A_54, %get3A_55] : memref<3x50xf32, #tpu.memory_space<vmem>>, vector<1x50xf32>
    %add3A = vector.broadcast %get3A_56 : vector<1x50xf32> to vector<1000x50xf32>
    %add3A_57 = arith.addf %dot_general3A_18, %add3A : vector<1000x50xf32>
    %add3A_58 = arith.addf %add3A_57, %dot_general3A_39 : vector<1000x50xf32>
    %logistic3A = arith.negf %add3A_58 : vector<1000x50xf32>
    %logistic3A_59 = math.exp %logistic3A : vector<1000x50xf32>
    %logistic3A_60 = arith.constant 1.000000e+00 : f32
    %logistic3A_61 = vector.broadcast %logistic3A_60 : f32 to vector<1000x50xf32>
    %logistic3A_62 = arith.addf %logistic3A_61, %logistic3A_59 : vector<1000x50xf32>
    %logistic3A_63 = arith.divf %logistic3A_61, %logistic3A_62 : vector<1000x50xf32>
    %get3A_64 = arith.constant 1 : index
    %get3A_65 = arith.constant 0 : index
    %get3A_66 = vector.load %arg5[%get3A_64, %get3A_65] : memref<3x50xf32, #tpu.memory_space<vmem>>, vector<1x50xf32>
    %add3A_67 = vector.broadcast %get3A_66 : vector<1x50xf32> to vector<1000x50xf32>
    %add3A_68 = arith.addf %dot_general3A_25, %add3A_67 : vector<1000x50xf32>
    %add3A_69 = arith.addf %add3A_68, %dot_general3A_46 : vector<1000x50xf32>
    %logistic3A_70 = arith.negf %add3A_69 : vector<1000x50xf32>
    %logistic3A_71 = math.exp %logistic3A_70 : vector<1000x50xf32>
    %logistic3A_72 = arith.constant 1.000000e+00 : f32
    %logistic3A_73 = vector.broadcast %logistic3A_72 : f32 to vector<1000x50xf32>
    %logistic3A_74 = arith.addf %logistic3A_73, %logistic3A_71 : vector<1000x50xf32>
    %logistic3A_75 = arith.divf %logistic3A_73, %logistic3A_74 : vector<1000x50xf32>
    %get3A_76 = arith.constant 2 : index
    %get3A_77 = arith.constant 0 : index
    %get3A_78 = vector.load %arg5[%get3A_76, %get3A_77] : memref<3x50xf32, #tpu.memory_space<vmem>>, vector<1x50xf32>
    %add3A_79 = vector.broadcast %get3A_78 : vector<1x50xf32> to vector<1000x50xf32>
    %add3A_80 = arith.addf %dot_general3A_32, %add3A_79 : vector<1000x50xf32>
    %mul3A = arith.mulf %logistic3A_75, %dot_general3A_53 : vector<1000x50xf32>
    %add3A_81 = arith.addf %add3A_80, %mul3A : vector<1000x50xf32>
    %tanh3A = math.tanh %add3A_81 : vector<1000x50xf32>
    %sub3A = arith.constant 1.000000e+00 : f32
    %sub3A_82 = vector.broadcast %sub3A : f32 to vector<1000x50xf32>
    %sub3A_83 = arith.subf %sub3A_82, %logistic3A_63 : vector<1000x50xf32>
    %mul3A_84 = arith.mulf %sub3A_83, %get3A_12 : vector<1000x50xf32>
    %mul3A_85 = arith.mulf %logistic3A_63, %tanh3A : vector<1000x50xf32>
    %add3A_86 = arith.addf %mul3A_84, %mul3A_85 : vector<1000x50xf32>
    %swap3A = arith.constant 0 : index
    %swap3A_87 = arith.constant 0 : index
    %swap3A_88 = vector.load %arg7[%swap3A, %swap3A_87] : memref<1000x50xf32, #tpu.memory_space<vmem>>, vector<1000x50xf32>
    tpu.vector_store %arg7[%swap3A, %swap3A_87], %add3A_86 {strides = array<i32>} : memref<1000x50xf32, #tpu.memory_space<vmem>>, vector<1000x50xf32>,
    %get3A_89 = arith.constant 0 : index
    %get3A_90 = arith.constant 0 : index
    %get3A_91 = vector.load %arg6[%get3A_89, %get3A_90] : memref<50x50xf32, #tpu.memory_space<vmem>>, vector<50x50xf32>
    %dot_general3A_92 = arith.constant dense<0.000000e+00> : vector<1000x50xf32>
    %dot_general3A_93 = tpu.matmul %add3A_86, %get3A_91, %dot_general3A_92 {dimension_numbers = #tpu.dot_dimension_numbers<[1], [0], [0], [1], [0, 0, 1, 1], [], []>, transpose_lhs_hint = false} : vector<1000x50xf32>, vector<50x50xf32>, vector<1000x50xf32> -> vector<1000x50xf32>
    %broadcast_in_dim3A = arith.constant 0.000000e+00 : f32
    %broadcast_in_dim3A_94 = vector.broadcast %broadcast_in_dim3A : f32 to vector<1000x7xf32>
    %slice3A_95 = vector.extract_strided_slice %dot_general3A_93 {offsets = [0, 0], sizes = [1000, 25], strides = [1, 1]} : vector<1000x50xf32> to vector<1000x25xf32>
    %concatenate3A_96 = tpu.concatenate %slice3A_95, %broadcast_in_dim3A_94 in 1 : vector<1000x25xf32>, vector<1000x7xf32> -> vector<1000x32xf32>
    %slice3A_97 = vector.extract_strided_slice %dot_general3A_93 {offsets = [0, 25], sizes = [1000, 25], strides = [1, 1]} : vector<1000x50xf32> to vector<1000x25xf32>
    %concatenate3A_98 = tpu.concatenate %slice3A_97, %broadcast_in_dim3A_94 in 1 : vector<1000x25xf32>, vector<1000x7xf32> -> vector<1000x32xf32>
    %swap3A_99 = arith.constant 0 : index
    %swap3A_100 = arith.constant 0 : index
    %swap3A_101 = arith.constant 0 : index
    %swap3A_102 = vector.load %arg8[%swap3A_99, %swap3A_100, %swap3A_101] : memref<2x1000x32xf32, #tpu.memory_space<vmem>>, vector<1x1000x32xf32>
    %swap3A_103 = vector.shape_cast %swap3A_102 : vector<1x1000x32xf32> to vector<1000x32xf32>
    %swap3A_104 = vector.shape_cast %concatenate3A_96 : vector<1000x32xf32> to vector<1x1000x32xf32>
    tpu.vector_store %arg8[%swap3A_99, %swap3A_100, %swap3A_101], %swap3A_104 {strides = array<i32>} : memref<2x1000x32xf32, #tpu.memory_space<vmem>>, vector<1x1000x32xf32>,
    %swap3A_105 = arith.constant 1 : index
    %swap3A_106 = arith.constant 0 : index
    %swap3A_107 = arith.constant 0 : index
    %swap3A_108 = vector.load %arg8[%swap3A_105, %swap3A_106, %swap3A_107] : memref<2x1000x32xf32, #tpu.memory_space<vmem>>, vector<1x1000x32xf32>
    %swap3A_109 = vector.shape_cast %swap3A_108 : vector<1x1000x32xf32> to vector<1000x32xf32>
    %swap3A_110 = vector.shape_cast %concatenate3A_98 : vector<1000x32xf32> to vector<1x1000x32xf32>
    tpu.vector_store %arg8[%swap3A_105, %swap3A_106, %swap3A_107], %swap3A_110 {strides = array<i32>} : memref<2x1000x32xf32, #tpu.memory_space<vmem>>, vector<1x1000x32xf32>,
    return
  }
  func.func @transform_0(%arg0: i32) -> (i32, i32, i32) {
    %c0_i32 = arith.constant 0 : i32
    %c0_i32_0 = arith.constant 0 : i32
    %c0_i32_1 = arith.constant 0 : i32
    return %c0_i32, %arg0, %c0_i32_0 : i32, i32, i32
  }
  func.func @transform_1(%arg0: i32) -> (i32, i32) {
    %c0_i32 = arith.constant 0 : i32
    %c0_i32_0 = arith.constant 0 : i32
    return %arg0, %c0_i32 : i32, i32
  }
  func.func @transform_2(%arg0: i32) -> (i32, i32, i32) {
    %c0_i32 = arith.constant 0 : i32
    %c0_i32_0 = arith.constant 0 : i32
    %c0_i32_1 = arith.constant 0 : i32
    %c0_i32_2 = arith.constant 0 : i32
    return %c0_i32, %c0_i32_0, %c0_i32_1 : i32, i32, i32
  }
  func.func @transform_3(%arg0: i32) -> (i32, i32, i32) {
    %c0_i32 = arith.constant 0 : i32
    %c0_i32_0 = arith.constant 0 : i32
    %c0_i32_1 = arith.constant 0 : i32
    %c0_i32_2 = arith.constant 0 : i32
    return %c0_i32, %c0_i32_0, %c0_i32_1 : i32, i32, i32
  }
  func.func @transform_4(%arg0: i32) -> (i32, i32) {
    %c0_i32 = arith.constant 0 : i32
    %c0_i32_0 = arith.constant 0 : i32
    %c0_i32_1 = arith.constant 0 : i32
    return %c0_i32, %c0_i32_0 : i32, i32
  }
  func.func @transform_5(%arg0: i32) -> (i32, i32) {
    %c0_i32 = arith.constant 0 : i32
    %c0_i32_0 = arith.constant 0 : i32
    %c0_i32_1 = arith.constant 0 : i32
    return %c0_i32, %c0_i32_0 : i32, i32
  }
  func.func @transform_6(%arg0: i32) -> (i32, i32) {
    %c0_i32 = arith.constant 0 : i32
    %c0_i32_0 = arith.constant 0 : i32
    return %arg0, %c0_i32 : i32, i32
  }
  func.func @transform_7(%arg0: i32) -> (i32, i32, i32) {
    %c0_i32 = arith.constant 0 : i32
    %c0_i32_0 = arith.constant 0 : i32
    %c0_i32_1 = arith.constant 0 : i32
    return %c0_i32, %arg0, %c0_i32_0 : i32, i32, i32
  }
}

</mosaic_0001>

<sc_bundles>
// kernel: kernel.12.cloned.1.call-start
scs
__scs_entry_jumppad:
0x0: {  	(pc) =	sbr.rel $0x88, $3  }
0x1: {  	(tag) =	ssettag $0x0;
	lr =	simm.s32 $0x1  }
0x2: {  	[smem:$0x3F9B] =	sst lr;
	_ =	strace $0xD0000000  }
0x3: {  	_ = 	snop  }
0x4: {  	_ = 	snop  }
0x5: {  	_ = 	snop  }
0x6: {  	_ = 	snop  }
0x7: {  	_ = 	snop  }
__scs_overlays_trampoline_lowered:
0x8: {  	[smem:$0x3FAA] =	sst s0  }
0x9: {  	[smem:$0x3FAB] =	sst s1  }
0xa: {  	[smem:$0x3FAC] =	sst s2  }
0xb: {  	[smem:$0x3FAD] =	sst s3  }
0xc: {  	[smem:$0x3FAE] =	sst s4  }
0xd: {  	[smem:$0x3FAF] =	sst s5  }
0xe: {  	[smem:$0x3FB0] =	sst s6  }
0xf: {  	[smem:$0x3FB1] =	sst s7  }
0x10: {  	[smem:$0x3FB2] =	sst s8  }
0x11: {  	[smem:$0x3FB3] =	sst s9;
	s0 =	simm.s32 @!p0 $0x0  }
0x12: {  	s1 =	sld [smem:$0x3F99];
	s0 =	simm.s32 @p0 $0x1  }
0x13: {  	[smem:$0x3FB4] =	sst s0;
	s0 =	simm.s32 @!p1 $0x0  }
0x14: {  	s2 =	sld [smem:$0x3F98];
	s0 =	simm.s32 @p1 $0x1  }
0x15: {  	[smem:$0x3FB5] =	sst s0;
	s0 =	simm.s32 @!p2 $0x0  }
0x16: {  	s3 =	sld [smem:$0x3FDB];
	s0 =	simm.s32 @p2 $0x1  }
0x17: {  	s4 =	simm.s32 $0x1BF5;
	[smem:$0x3FB7] =	sst s0  }
0x18: {  	s0 =	sld [smem:$0x3F9A];
	_ =	swait.ge [sflag:s4], $0x0  }
0x19: {  	s7 =	sld [smem:$0x3F9B]  }
0x1a: {  	s8 =	sadd.s32 $0xFFFFE003, lr  }
0x1b: {  	s9 =	sadd.s32 $0xFFFFFEF7, lr;
	s5 =	simm.s32 $0xFFFFFFFF;
	p2 =	slt.u32 s8, $0xFFFFF086  }
0x1c: {  	p1 =	slt.u32 s9, $0xF7A;
	s5 =	simm.s32 @!p2 $0x0  }
0x1d: {  	s5 =	simm.s32 @p1 $0x1;
	p0 =	seq.s32 s7, s2  }
0x1e: {  	s7 =	smul.u32 @!p0 $0xF7A, s2;
	p2 =	seq.s32 @!p0 s5, $0x0  }
0x1f: {  	s9 =	smul.u32 $0xF7A, s1;
	s8 =	simm.s32 @!p0 $0x1BF5;
	p2 =	por !p2, p0  }
0x20: {  	[sflag:s8] =	ssyncset.s32 @!p0 $0xFFFFF086;
	s6 =	sadd.s32 @!p0 s3, s7;
	s7 =	simm.s32 @!p0 $0x108  }
0x21: {  	s3 =	sadd.s32 s3, s9;
	s6 =	sadd.s32 @!p0 $0x88, s6;
	s7 =	simm.s32 @p2 $0x1082  }
0x22: {  	[simem:s7], [sflag:s8] =	dma.local @!p0 [hbm:s6], $0xF7A  }
0x23: {  	s9 =	sor.u32 $0xD0000000, s2;
	s6 =	simm.s32 $0x108;
	_ =	swait.ge @!p0 [sflag:s8], $0x0  }
0x24: {  	s3 =	sadd.s32 $0x88, s3;
	s6 =	simm.s32 @!p1 $0x1082;
	[sflag:s4] =	ssyncset.s32 $0xFFFFF086  }
0x25: {  	[simem:s6], [sflag:s4] =	dma.local [hbm:s3], $0xF7A  }
0x26: {  	[smem:$0x3F9B] =	sst s1;
	(tag) =	ssettag s2;
	_ =	strace s9  }
0x27: {  	s1 =	sld [smem:$0x3FAB]  }
0x28: {  	s2 =	sld [smem:$0x3FAC]  }
0x29: {  	s4 =	sld [smem:$0x3FAE]  }
0x2a: {  	p0 =	seq.s32 s5, $0x0;
	s5 =	sld [smem:$0x3FAF]  }
0x2b: {  	s6 =	sld [smem:$0x3FB0]  }
0x2c: {  	s7 =	sld [smem:$0x3FB1]  }
0x2d: {  	s3 =	simm.s32 $0x108;
	s8 =	sld [smem:$0x3FB2]  }
0x2e: {  	s3 =	simm.s32 @!p0 $0x1082;
	s9 =	sld [smem:$0x3FB3]  }
0x2f: {  	lr =	sadd.s32 s0, s3;
	s0 =	sld [smem:$0x3FAA]  }
0x30: {  	s3 =	sld [smem:$0x3FAD]  }
0x31: {  	[smem:$0x3FB6] =	sst s10  }
0x32: {  	s10 =	sld [smem:$0x3FB4];
	_ =	sdelay $0x3  }
0x33: {  	p0 =	seq.s32 s10, $0x1;
	s10 =	sld [smem:$0x3FB6];
	_ =	sdelay $0x3  }
0x34: {  	[smem:$0x3FB6] =	sst s10  }
0x35: {  	s10 =	sld [smem:$0x3FB5];
	_ =	sdelay $0x3  }
0x36: {  	p1 =	seq.s32 s10, $0x1;
	s10 =	sld [smem:$0x3FB6];
	_ =	sdelay $0x3  }
0x37: {  	[smem:$0x3FB6] =	sst s10  }
0x38: {  	s10 =	sld [smem:$0x3FB7]  }
0x39: {  	_ = 	snop;
	(pc) =	sbr.ind lr, $3  }
0x3a: {  	_ = 	snop  }
0x3b: {  	_ = 	snop  }
0x3c: {  	p2 =	seq.s32 s10, $0x1;
	s10 =	sld [smem:$0x3FB6]  }
0x3d: {  	_ =	shalt  }
0x3e: {  	_ =	shalt  }
0x3f: {  	_ =	shalt  }
0x40: {  	_ =	shalt  }
0x41: {  	_ =	shalt  }
0x42: {  	_ =	shalt  }
0x43: {  	_ =	shalt  }
0x44: {  	_ =	shalt  }
0x45: {  	_ =	shalt  }
0x46: {  	_ =	shalt  }
0x47: {  	_ =	shalt  }
0x48: {  	_ =	shalt  }
0x49: {  	_ =	shalt  }
0x4a: {  	_ =	shalt  }
0x4b: {  	_ =	shalt  }
0x4c: {  	_ =	shalt  }
0x4d: {  	_ =	shalt  }
0x4e: {  	_ =	shalt  }
0x4f: {  	_ =	shalt  }
0x50: {  	_ =	shalt  }
0x51: {  	_ =	shalt  }
0x52: {  	_ =	shalt  }
0x53: {  	_ =	shalt  }
0x54: {  	_ =	shalt  }
0x55: {  	_ =	shalt  }
0x56: {  	_ =	shalt  }
0x57: {  	_ =	shalt  }
0x58: {  	_ =	shalt  }
0x59: {  	_ =	shalt  }
0x5a: {  	_ =	shalt  }
0x5b: {  	_ =	shalt  }
0x5c: {  	_ =	shalt  }
0x5d: {  	_ =	shalt  }
0x5e: {  	_ =	shalt  }
0x5f: {  	_ =	shalt  }
0x60: {  	_ =	shalt  }
0x61: {  	_ =	shalt  }
0x62: {  	_ =	shalt  }
0x63: {  	_ =	shalt  }
0x64: {  	_ =	shalt  }
0x65: {  	_ =	shalt  }
0x66: {  	_ =	shalt  }
0x67: {  	_ =	shalt  }
0x68: {  	_ =	shalt  }
0x69: {  	_ =	shalt  }
0x6a: {  	_ =	shalt  }
0x6b: {  	_ =	shalt  }
0x6c: {  	_ =	shalt  }
0x6d: {  	_ =	shalt  }
0x6e: {  	_ =	shalt  }
0x6f: {  	_ =	shalt  }
0x70: {  	_ =	shalt  }
0x71: {  	_ =	shalt  }
0x72: {  	_ =	shalt  }
0x73: {  	_ =	shalt  }
0x74: {  	_ =	shalt  }
0x75: {  	_ =	shalt  }
0x76: {  	_ =	shalt  }
0x77: {  	_ =	shalt  }
0x78: {  	_ =	shalt  }
0x79: {  	_ =	shalt  }
0x7a: {  	_ =	shalt  }
0x7b: {  	_ =	shalt  }
0x7c: {  	_ =	shalt  }
0x7d: {  	_ =	shalt  }
0x7e: {  	_ =	shalt  }
0x7f: {  	_ =	shalt  }
0x80: {  	_ =	shalt  }
0x81: {  	_ =	shalt  }
0x82: {  	_ =	shalt  }
0x83: {  	_ =	shalt  }
0x84: {  	_ =	shalt  }
0x85: {  	_ =	shalt  }
0x86: {  	_ =	shalt  }
0x87: {  	_ =	shalt  }
.Lfunc_end0:
.L_simem_size_0:
called_computation_lowered:
.L_overlay_start_0:
0x88: {  	s2 =	sld [smem:$0x3FD9]  }
0x89: {  	s3 =	sld [smem:$0x3FFE];
	_ =	sdelay $0x1  }
0x8a: {  	s1 =	srdreg.scid  }
0x8b: {  	s0 =	sand.u32 $0x1, s1  }
0x8c: {  	s17 =	sshll.u32 s0, $0xA;
	s2 =	sadd.s32 s3, s2  }
0x8d: {  	s2 =	sadd.s32 s2, s17  }
0x8e: {  	[smem:$0x3FC2] =	sst s2  }
0x8f: {  	_ = 	snop  }
0x90: {  	s2 =	sld [smem:$0x3FD0];
	(tm) =	ssettm $0x1  }
0x91: {  	s18 =	sld [smem:$0x3FFB];
	_ =	sdelay $0x3  }
0x92: {  	_ =	strace s18  }
0x93: {  	s3 =	sld [smem:$0x3FFC];
	_ =	sdelay $0x3  }
0x94: {  	_ =	strace s3  }
0x95: {  	s3 =	sld [smem:$0x3FFD];
	_ =	sdelay $0x3  }
0x96: {  	_ =	strace s3  }
0x97: {  	_ =	strace $0x8FFFFFFF  }
0x98: {  	s19 =	sld [smem:$0x3FDB];
	_ =	sdelay $0x1  }
0x99: {  	s4 =	simm.s32 $_scs_section_size  }
0x9a: {  	s5 =	simm.s32 $_size__tile_overlayer_lowered;
	s6 =	simm.s32 $_tile_overlayer_lowered  }
0x9b: {  	s22 =	simm.s32 $0x1BFF;
	s21 =	sshll.u32 s6, $0x1;
	s3 =	sadd.s32 s4, s19  }
0x9c: {  	s7 =	simm.s32 $0x0;
	s20 =	sshll.u32 s5, $0x1;
	s5 =	sadd.s32 s21, s3  }
0x9d: {  	[timem:s7], [sflag:s22] =	dma.local [hbm:s5], s20  }
0x9e: {  	_ =	swait.ge [sflag:s22], s20  }
0x9f: {  	s4 =	ssub.s32 $0x0, s20;
	[sflag:s22] =	ssyncset.done $0x0  }
0xa0: {  	[sflag:s22] =	ssyncadd.s32 s4;
	_ =	sdelay $0x1  }
0xa1: {  	s23 =	simm.s32 $0x1B8B  }
0xa2: {  	_ =	swait.ge [sflag:s23], $0x1  }
0xa3: {  	[sflag:s23] =	ssyncset.done $0x0  }
0xa4: {  	s25 =	simm.s32 $0x1B8E;
	s24 =	sld [smem:$0x3FFE];
	[sflag:s23] =	ssyncadd.s32 $0xFFFFFFFF  }
0xa5: {  	s26 =	simm.s32 $execute0_lowered;
	[smem:$0x3FD2] =	sst s25  }
0xa6: {  	s5 =	sshll.u32 s26, $0x1;
	_ =	strace $0x80000046;
	[dreg:$0x1] =	wrdreg $0xFFFFFFFF  }
0xa7: {  	s28 =	simm.s32 $_size_execute0_lowered;
	s3 =	sadd.s32 s3, s5;
	[dreg:$0x0] =	wrdreg $0x0  }
0xa8: {  	s5 =	sshll.u32 s28, $0x1;
	[dreg:$0x2] =	wrdreg s3  }
0xa9: {  	[dreg:$0x3] =	wrdreg s5  }
0xaa: {  	[dreg:$0x4] =	wrdreg $0xC0  }
0xab: {  	_ =	task [dreg:s7], $0x5FFFF  }
0xac: {  	[dreg:$0x1] =	wrdreg $0xFFFFFFFF  }
0xad: {  	[dreg:$0x0] =	wrdreg $0x60  }
0xae: {  	[dreg:$0x2] =	wrdreg s24  }
0xaf: {  	[dreg:$0x3] =	wrdreg s2  }
0xb0: {  	[dreg:$0x4] =	wrdreg $0x66000  }
0xb1: {  	[dreg:$0x5] =	wrdreg $0x9  }
0xb2: {  	_ =	task.clear_ibuf [dreg:s7], $0x6FFFF;
	_ =	strace $0x90000046  }
0xb3: {  	s29 =	simm.s32 $0x9;
	_ =	strace $0x80000048  }
0xb4: {  	_ =	swait.ge [sflag:s29], $0x1  }
0xb5: {  	[sflag:s29] =	ssyncadd.s32 $0xFFFFFFFF  }
0xb6: {  	_ =	strace $0x90000048  }
0xb7: {  	_ =	sfence  }
0xb8: {  	s30 =	sld [smem:$0x0];
	_ =	sdelay $0x2  }
0xb9: {  	s31 =	sshll.u32 s1, $0xD;
	s1 =	sshrl.u32 s1, $0x2  }
0xba: {  	s3 =	sand.u32 $0x4000, s31;
	s1 =	sadd.s32 s1, s30  }
0xbb: {  	s0 =	sor.u32 s3, s0;
	s1 =	sshll.u32 s1, $0x11  }
0xbc: {  	s0 =	sor.u32 s1, s0  }
0xbd: {  	s0 =	sadd.s32 $0x8F2B, s0  }
0xbe: {  	[sflag:s0] =	ssyncadd.remote.s32 $0x1  }
0xbf: {  	_ =	sfence.sel $0xFFFF  }
0xc0: {  	[dreg:$0x0] =	wrdreg $0xFFFFFFFF;
	(pc) =	sbr.abs _section_cstart, $3  }
0xc1: {  	[dreg:$0x1] =	wrdreg $0xFFFFFFFF  }
0xc2: {  	_ =	task.clear_ibuf [dreg:s7], $0x2FFFF;
	_ =	strace $0x9FFFFFFF  }
0xc3: {  	(tm) =	ssettm $0x7FFFFFFF  }
tec
execute0_lowered:
.L_overlay_start_1:
0x0: {  	(tag) =	ssettag $0x1  }
0x1: {  	s8 =	rddreg [dreg:$0x0]  }
0x2: {  	s1 =	rddreg [dreg:$0x1]  }
0x3: {  	s2 =	rddreg [dreg:$0x2]  }
0x4: {  	s3 =	simm.s32 $0x0;
	s9 =	srdreg.scid;
	s0 =	stileid.u32  }
0x5: {  	s20 =	simm.s32 $0x80;
	s22 =	simm.s32 $0x1600;
	s23 =	simm.s32 $0x100  }
0x6: {  	s24 =	simm.s32 $0x2600;
	s28 =	simm.s32 $0x2;
	s26 =	smul.u32 $0x61C00, s0  }
0x7: {  	s29 =	simm.s32 $0x0;
	s5 =	sadd.s32 $0x24E400, s8;
	s13 =	smul.u32 $0x18900, s0  }
0x8: {  	s6 =	sadd.s32 $0xC7A00, s8;
	s11 =	sand.u32 $0x1, s9;
	s15 =	smul.u32 $0x30E0, s0  }
0x9: {  	s7 =	sadd.s32 $0x129E00, s8;
	s14 =	sadd.s32 $0x12D000, s8;
	s8 =	smul.u32 $0x189000, s11  }
0xa: {  	[smem:$0x7FF] =	sst s3;
	s30 =	sshll.u32 s0, $0x6;
	s17 =	smul.u32 $0x186A00, s11  }
0xb: {  	s25 =	sadd.s32 $0x16E900, s2;
	p0 =	seq.s32 s0, $0xF;
	s18 =	smul.u32 $0x30D40, s11  }
0xc: {  	_ =	strace $0x80000047;
	s10 =	ssub.s32 $0x2, s11;
	s11 =	smul.u32 $0x312, s0  }
0xd: {  	s25 =	sshrl.u32 @p0 s25, $0x3;
	s12 =	sshrl.u32 s10, $0x1;
	s9 =	sshrl.u32 s26, $0x2  }
0xe: {  	s26 =	simm.s32 $0x1;
	s16 =	ssub.s32 s10, s12;
	s9 =	sadd.s32 s9, s2  }
.Ltmp0:
0xf: {  	s31 =	sadd.s32 s13, s8;
	s10 =	sor.u32 $0x1C03, s30;
	(pc) =	sbr.rel .LBB2_1-.Ltmp0, $4  }
0x10: {  	s17 =	sshrl.u32 s17, $0x3;
	s13 =	sshrl.u32 s13, $0x3;
	s15 =	sadd.s32 s15, s18  }
0x11: {  	s18 =	simm.s32 $0x3;
	s12 =	sshrl.u32 s31, $0x3;
	s17 =	sadd.s32 s14, s17  }
0x12: {  	s13 =	sadd.s32 s1, s13;
	s14 =	sadd.s32 s14, s15;
	s16 =	smax.u32 s16, $0x1  }
0x13: {  	s12 =	sadd.s32 s6, s12;
	s15 =	sadd.s32 $0x2DD20, s17;
	s17 =	sshrl.u32 s9, $0x3  }
.LBB2_6:
0x14: {  	_ =	swait.ge [sflag:s28], $0x3000  }
0x15: {  	[sflag:s28] =	ssyncset.done $0x0  }
0x16: {  	[sflag:s28] =	ssyncadd.s32 $0xFFFFD000  }
0x17: {  	s0 =	simm.s32 @p0 $0x3;
	[bflag:$0x0] =	sbarrier.arrive $0xFFFF  }
0x18: {  	[hbm:s15], [sflag:s10] =	dma.local @p0 [spmem:s25], $0x3020  }
0x19: {  	_ =	swait.ge @p0 [sflag:s0], $0x3020  }
0x1a: {  	s29 =	sadd.s32 $0x1, s29;
	[sflag:s0] =	ssyncset.done @p0 $0x0  }
0x1b: {  	p1 =	sne.s32 s29, s16;
	[sflag:s0] =	ssyncadd.s32 @p0 $0xFFFFCFE0;
	s0 =	sshrl.u32 @!p0 s9, $0x3  }
0x1c: {  	[hbm:s14], [sflag:s10] =	dma.local @!p0 [spmem:s0], $0x30E0  }
.Ltmp1:
0x1d: {  	_ = 	snop;
	(pc) =	sbr.rel @!p1 .LBB2_7-.Ltmp1, $4  }
0x1e: {  	s0 =	simm.s32 @!p0 $0x3  }
0x1f: {  	_ =	swait.ge @!p0 [sflag:s0], $0x30E0  }
0x20: {  	[sflag:s0] =	ssyncset.done @!p0 $0x0  }
0x21: {  	[sflag:s0] =	ssyncadd.s32 @!p0 $0xFFFFCF20  }
.LBB2_1:
0x22: {  	[spmem:s17], [sflag:s10] =	dma.local [hbm:s7], $0x30E0  }
0x23: {  	_ =	swait.ge [sflag:s18], $0x30E0  }
0x24: {  	[sflag:s18] =	ssyncset.done $0x0  }
0x25: {  	[sflag:s18] =	ssyncadd.s32 $0xFFFFCF20  }
0x26: {  	[bflag:$0x0] =	sbarrier.arrive $0xFFFF  }
0x27: {  	[tilespmem:s3], [sflag:$0x3] =	stream.linear.gather [hbm4b:s12+s3], $0x180, $0x38;
	[tilespmem:$0x1ED00] =	vst v63  }
0x28: {  	_ =	swait.ge [sflag:s18], $0x180  }
0x29: {  	[sflag:s18] =	ssyncset.done $0x0  }
0x2a: {  	s0 =	simm.s32 $0x300;
	[sflag:s18] =	ssyncadd.s32 $0xFFFFFE80  }
0x2b: {  	[tilespmem:s0], [sflag:$0x3] =	stream.linear.gather [hbm4b:s13+s3], $0x180, $0x38;
	[tilespmem:$0x1ED00] =	vst v63  }
0x2c: {  	_ =	swait.ge [sflag:s18], $0x180  }
0x2d: {  	[sflag:s18] =	ssyncset.done $0x0  }
0x2e: {  	s31 =	simm.s32 $0x600;
	[sflag:s18] =	ssyncadd.s32 $0xFFFFFE80  }
0x2f: {  	[tilespmem:s31], [sflag:$0x1] =	stream.indirect.gather [hbm4b:s5+s20], $0x20, s3, s20, $0xb8;
	[tilespmem:$0x1ED00] =	vst v63  }
.Ltmp2:
0x30: {  	_ = 	snop;
	(pc) =	sbr.rel .LBB2_2-.Ltmp2, $4  }
0x31: {  	_ = 	snop  }
0x32: {  	[tilespmem:s22], [sflag:$0x1] =	stream.indirect.gather [hbm4b:s5+s20], $0x20, s20, s20, $0xb8;
	[tilespmem:$0x1ED00] =	vst v63  }
0x33: {  	s30 =	simm.s32 $0x0  }
0x34: {  	[tilespmem:s24], [sflag:$0x1] =	stream.indirect.gather [hbm4b:s5+s20], $0x20, s23, s20, $0xb8;
	[tilespmem:$0x1ED00] =	vst v63  }
.LBB2_4:
0x35: {  	_ =	swait.ge [sflag:s26], $0x3000  }
0x36: {  	[sflag:s26] =	ssyncset.done $0x0  }
0x37: {  	s30 =	simm.s32 $0x106;
	[sflag:s26] =	ssyncadd.s32 $0xFFFFD000  }
.LBB2_5:
0x38: {  	s0 =	smul.u32 $0xC000, s31  }
0x39: {  	s4 =	smul.u32 $0x600, s31;
	_ =	sdelay $0x1  }
0x3a: {  	s0 =	sshrl.u32 s0, $0x2;
	s4 =	sshrl.u32 s4, $0x2  }
0x3b: {  	p1 =	slt.u32 s30, $0x106;
	s19 =	sor.u32 $0x600, s0;
	s21 =	sadd.s32 $0x300, s4  }
0x3c: {  	[spmem:s2] =	stream.indirect.scatter.add.f32 [tilespmem:s19], [sflag:$0x2], $0x20, s21, s20, $0xb8;
	[tilespmem:$0x1ED00] =	vst v63  }
.Ltmp3:
0x3d: {  	_ = 	snop;
	(pc) =	sbr.rel @!p1 .LBB2_6-.Ltmp3, $4  }
0x3e: {  	s31 =	sadd.s32 $0x380, s4;
	s21 =	sadd.s32 $0x1600, s0  }
0x3f: {  	[spmem:s2] =	stream.indirect.scatter.add.f32 [tilespmem:s21], [sflag:$0x2], $0x20, s31, s20, $0xb8;
	[tilespmem:$0x1ED00] =	vst v63  }
0x40: {  	s4 =	sor.u32 $0x400, s4;
	s0 =	sadd.s32 $0x2600, s0  }
0x41: {  	[spmem:s2] =	stream.indirect.scatter.add.f32 [tilespmem:s0], [sflag:$0x2], $0x20, s4, s20, $0xb8;
	[tilespmem:$0x1ED00] =	vst v63  }
.LBB2_2:
0x42: {  	p1 =	seq.s32 s30, $0x0  }
0x43: {  	p2 =	seq.s32 @!p1 s30, $0x105  }
0x44: {  	p2 =	por p1, !p2  }
.Ltmp4:
0x45: {  	_ = 	snop;
	(pc) =	sbr.rel @!p2 .LBB2_4-.Ltmp4, $4  }
0x46: {  	s0 =	simm.s32 @!p1 $0x2  }
0x47: {  	_ =	swait.ge @!p1 [sflag:s0], $0x3000  }
0x48: {  	[sflag:s0] =	ssyncset.done @!p1 $0x0  }
0x49: {  	s31 =	sand.u32 $0x1, s30;
	[sflag:s0] =	ssyncadd.s32 @!p1 $0xFFFFD000  }
0x4a: {  	s30 =	sadd.s32 @!p1 $0x1, s30  }
0x4b: {  	s30 =	simm.s32 @p1 $0x1  }
0x4c: {  	s0 =	smul.u32 $0x3, s30;
	_ =	sdelay $0x1  }
0x4d: {  	s0 =	sadd.s32 s11, s0  }
0x4e: {  	s4 =	sshll.u32 s0, $0x7  }
0x4f: {  	s19 =	sxor.u32 $0x1, s31;
	s4 =	sadd.s32 s8, s4  }
0x50: {  	s21 =	smul.u32 $0x180, s19;
	s4 =	sshrl.u32 s4, $0x3  }
0x51: {  	s4 =	sadd.s32 s6, s4  }
0x52: {  	[tilespmem:s21], [sflag:$0x3] =	stream.linear.gather [hbm4b:s4+s3], $0x180, $0x38;
	[tilespmem:$0x1ED00] =	vst v63  }
0x53: {  	_ =	swait.ge [sflag:s18], $0x180  }
0x54: {  	s0 =	sshll.u32 s0, $0x4;
	[sflag:s18] =	ssyncset.done $0x0  }
0x55: {  	s0 =	sadd.s32 s1, s0;
	s4 =	sadd.s32 $0x300, s21;
	[sflag:s18] =	ssyncadd.s32 $0xFFFFFE80  }
0x56: {  	[tilespmem:s4], [sflag:$0x3] =	stream.linear.gather [hbm4b:s0+s3], $0x180, $0x38;
	[tilespmem:$0x1ED00] =	vst v63  }
0x57: {  	_ =	swait.ge [sflag:s18], $0x180  }
0x58: {  	[sflag:s18] =	ssyncset.done $0x0  }
0x59: {  	s4 =	smul.u32 $0xC000, s19;
	[sflag:s18] =	ssyncadd.s32 $0xFFFFFE80  }
0x5a: {  	_ =	swait.ge [sflag:s26], $0x3000  }
0x5b: {  	s0 =	sshrl.u32 s4, $0x2;
	[sflag:s26] =	ssyncset.done $0x0  }
0x5c: {  	s19 =	sor.u32 $0x600, s0;
	[sflag:s26] =	ssyncadd.s32 $0xFFFFD000  }
0x5d: {  	[tilespmem:s19], [sflag:$0x1] =	stream.indirect.gather [hbm4b:s5+s20], $0x20, s21, s20, $0xb8;
	[tilespmem:$0x1ED00] =	vst v63  }
.Ltmp5:
0x5e: {  	_ = 	snop;
	(pc) =	sbr.rel .LBB2_5-.Ltmp5, $4  }
0x5f: {  	s4 =	sadd.s32 $0x1600, s0;
	s19 =	sadd.s32 $0x80, s21  }
0x60: {  	[tilespmem:s4], [sflag:$0x1] =	stream.indirect.gather [hbm4b:s5+s20], $0x20, s19, s20, $0xb8;
	[tilespmem:$0x1ED00] =	vst v63  }
0x61: {  	s0 =	sadd.s32 $0x2600, s0;
	s21 =	sadd.s32 $0x100, s21  }
0x62: {  	[tilespmem:s0], [sflag:$0x1] =	stream.indirect.gather [hbm4b:s5+s20], $0x20, s21, s20, $0xb8;
	[tilespmem:$0x1ED00] =	vst v63  }
.LBB2_7:
0x63: {  	_ =	sfence.sel $0x180000  }
0x64: {  	[bflag:$0x0] =	sbarrier.arrive $0xFFFF  }
0x65: {  	_ =	strace $0x90000047  }
0x66: {  	s0 =	stileid.u32;
	[bflag:$0x2] =	sbarrier.arrive $0xFFFF  }
0x67: {  	p0 =	sne.s32 s0, $0x0;
	s0 =	rddreg [dreg:$0x3]  }
0x68: {  	s0 =	sadd.s32 @!p0 $0x100000, s0  }
0x69: {  	[sflag:s0] =	ssyncadd.tile.s32 @!p0 $0x1;
	_ =	shalt  }
.Lfunc_end2:
_tile_overlayer_lowered:
.L_overlay_start_2:
0x6a: {  	(tag) =	ssettag $0x2  }
0x6b: {  	s0 =	rddreg [dreg:$0x0];
	s2 =	stileid.u32  }
0x6c: {  	s1 =	rddreg [dreg:$0x1];
	p0 =	sne.s32 s2, $0x0  }
0x6d: {  	s3 =	rddreg [dreg:$0x2];
	[bflag:$0x3] =	sbarrier.arrive $0xFFFF;
	s2 =	simm.s32 @!p0 $0x1C03  }
0x6e: {  	[timem:s3], [sflag:s2] =	dma.local @!p0 [hbm:s0], s1  }
0x6f: {  	s0 =	simm.s32 @!p0 $0x3  }
0x70: {  	_ =	swait.ge @!p0 [sflag:s0], s1  }
0x71: {  	s1 =	ssub.s32 @!p0 $0x0, s1;
	[sflag:s0] =	ssyncset.done @!p0 $0x0  }
0x72: {  	[sflag:s0] =	ssyncadd.s32 @!p0 s1  }
0x73: {  	[bflag:$0x3] =	sbarrier.arrive $0xFFFF  }
0x74: {  	_ =	shalt  }

// kernel: kernel.15.cloned.1.call-start
scs
__scs_entry_jumppad:
0x0: {  	(pc) =	sbr.rel $0x88, $3  }
0x1: {  	(tag) =	ssettag $0x0;
	lr =	simm.s32 $0x1  }
0x2: {  	[smem:$0x3F9B] =	sst lr;
	_ =	strace $0xD0000000  }
0x3: {  	_ = 	snop  }
0x4: {  	_ = 	snop  }
0x5: {  	_ = 	snop  }
0x6: {  	_ = 	snop  }
0x7: {  	_ = 	snop  }
__scs_overlays_trampoline_lowered:
0x8: {  	[smem:$0x3FAA] =	sst s0  }
0x9: {  	[smem:$0x3FAB] =	sst s1  }
0xa: {  	[smem:$0x3FAC] =	sst s2  }
0xb: {  	[smem:$0x3FAD] =	sst s3  }
0xc: {  	[smem:$0x3FAE] =	sst s4  }
0xd: {  	[smem:$0x3FAF] =	sst s5  }
0xe: {  	[smem:$0x3FB0] =	sst s6  }
0xf: {  	[smem:$0x3FB1] =	sst s7  }
0x10: {  	[smem:$0x3FB2] =	sst s8  }
0x11: {  	[smem:$0x3FB3] =	sst s9;
	s0 =	simm.s32 @!p0 $0x0  }
0x12: {  	s1 =	sld [smem:$0x3F99];
	s0 =	simm.s32 @p0 $0x1  }
0x13: {  	[smem:$0x3FB4] =	sst s0;
	s0 =	simm.s32 @!p1 $0x0  }
0x14: {  	s2 =	sld [smem:$0x3F98];
	s0 =	simm.s32 @p1 $0x1  }
0x15: {  	[smem:$0x3FB5] =	sst s0;
	s0 =	simm.s32 @!p2 $0x0  }
0x16: {  	s3 =	sld [smem:$0x3FDB];
	s0 =	simm.s32 @p2 $0x1  }
0x17: {  	s4 =	simm.s32 $0x1BF5;
	[smem:$0x3FB7] =	sst s0  }
0x18: {  	s0 =	sld [smem:$0x3F9A];
	_ =	swait.ge [sflag:s4], $0x0  }
0x19: {  	s7 =	sld [smem:$0x3F9B]  }
0x1a: {  	s8 =	sadd.s32 $0xFFFFE003, lr  }
0x1b: {  	s9 =	sadd.s32 $0xFFFFFEF7, lr;
	s5 =	simm.s32 $0xFFFFFFFF;
	p2 =	slt.u32 s8, $0xFFFFF086  }
0x1c: {  	p1 =	slt.u32 s9, $0xF7A;
	s5 =	simm.s32 @!p2 $0x0  }
0x1d: {  	s5 =	simm.s32 @p1 $0x1;
	p0 =	seq.s32 s7, s2  }
0x1e: {  	s7 =	smul.u32 @!p0 $0xF7A, s2;
	p2 =	seq.s32 @!p0 s5, $0x0  }
0x1f: {  	s9 =	smul.u32 $0xF7A, s1;
	s8 =	simm.s32 @!p0 $0x1BF5;
	p2 =	por !p2, p0  }
0x20: {  	[sflag:s8] =	ssyncset.s32 @!p0 $0xFFFFF086;
	s6 =	sadd.s32 @!p0 s3, s7;
	s7 =	simm.s32 @!p0 $0x108  }
0x21: {  	s3 =	sadd.s32 s3, s9;
	s6 =	sadd.s32 @!p0 $0x88, s6;
	s7 =	simm.s32 @p2 $0x1082  }
0x22: {  	[simem:s7], [sflag:s8] =	dma.local @!p0 [hbm:s6], $0xF7A  }
0x23: {  	s9 =	sor.u32 $0xD0000000, s2;
	s6 =	simm.s32 $0x108;
	_ =	swait.ge @!p0 [sflag:s8], $0x0  }
0x24: {  	s3 =	sadd.s32 $0x88, s3;
	s6 =	simm.s32 @!p1 $0x1082;
	[sflag:s4] =	ssyncset.s32 $0xFFFFF086  }
0x25: {  	[simem:s6], [sflag:s4] =	dma.local [hbm:s3], $0xF7A  }
0x26: {  	[smem:$0x3F9B] =	sst s1;
	(tag) =	ssettag s2;
	_ =	strace s9  }
0x27: {  	s1 =	sld [smem:$0x3FAB]  }
0x28: {  	s2 =	sld [smem:$0x3FAC]  }
0x29: {  	s4 =	sld [smem:$0x3FAE]  }
0x2a: {  	p0 =	seq.s32 s5, $0x0;
	s5 =	sld [smem:$0x3FAF]  }
0x2b: {  	s6 =	sld [smem:$0x3FB0]  }
0x2c: {  	s7 =	sld [smem:$0x3FB1]  }
0x2d: {  	s3 =	simm.s32 $0x108;
	s8 =	sld [smem:$0x3FB2]  }
0x2e: {  	s3 =	simm.s32 @!p0 $0x1082;
	s9 =	sld [smem:$0x3FB3]  }
0x2f: {  	lr =	sadd.s32 s0, s3;
	s0 =	sld [smem:$0x3FAA]  }
0x30: {  	s3 =	sld [smem:$0x3FAD]  }
0x31: {  	[smem:$0x3FB6] =	sst s10  }
0x32: {  	s10 =	sld [smem:$0x3FB4];
	_ =	sdelay $0x3  }
0x33: {  	p0 =	seq.s32 s10, $0x1;
	s10 =	sld [smem:$0x3FB6];
	_ =	sdelay $0x3  }
0x34: {  	[smem:$0x3FB6] =	sst s10  }
0x35: {  	s10 =	sld [smem:$0x3FB5];
	_ =	sdelay $0x3  }
0x36: {  	p1 =	seq.s32 s10, $0x1;
	s10 =	sld [smem:$0x3FB6];
	_ =	sdelay $0x3  }
0x37: {  	[smem:$0x3FB6] =	sst s10  }
0x38: {  	s10 =	sld [smem:$0x3FB7]  }
0x39: {  	_ = 	snop;
	(pc) =	sbr.ind lr, $3  }
0x3a: {  	_ = 	snop  }
0x3b: {  	_ = 	snop  }
0x3c: {  	p2 =	seq.s32 s10, $0x1;
	s10 =	sld [smem:$0x3FB6]  }
0x3d: {  	_ =	shalt  }
0x3e: {  	_ =	shalt  }
0x3f: {  	_ =	shalt  }
0x40: {  	_ =	shalt  }
0x41: {  	_ =	shalt  }
0x42: {  	_ =	shalt  }
0x43: {  	_ =	shalt  }
0x44: {  	_ =	shalt  }
0x45: {  	_ =	shalt  }
0x46: {  	_ =	shalt  }
0x47: {  	_ =	shalt  }
0x48: {  	_ =	shalt  }
0x49: {  	_ =	shalt  }
0x4a: {  	_ =	shalt  }
0x4b: {  	_ =	shalt  }
0x4c: {  	_ =	shalt  }
0x4d: {  	_ =	shalt  }
0x4e: {  	_ =	shalt  }
0x4f: {  	_ =	shalt  }
0x50: {  	_ =	shalt  }
0x51: {  	_ =	shalt  }
0x52: {  	_ =	shalt  }
0x53: {  	_ =	shalt  }
0x54: {  	_ =	shalt  }
0x55: {  	_ =	shalt  }
0x56: {  	_ =	shalt  }
0x57: {  	_ =	shalt  }
0x58: {  	_ =	shalt  }
0x59: {  	_ =	shalt  }
0x5a: {  	_ =	shalt  }
0x5b: {  	_ =	shalt  }
0x5c: {  	_ =	shalt  }
0x5d: {  	_ =	shalt  }
0x5e: {  	_ =	shalt  }
0x5f: {  	_ =	shalt  }
0x60: {  	_ =	shalt  }
0x61: {  	_ =	shalt  }
0x62: {  	_ =	shalt  }
0x63: {  	_ =	shalt  }
0x64: {  	_ =	shalt  }
0x65: {  	_ =	shalt  }
0x66: {  	_ =	shalt  }
0x67: {  	_ =	shalt  }
0x68: {  	_ =	shalt  }
0x69: {  	_ =	shalt  }
0x6a: {  	_ =	shalt  }
0x6b: {  	_ =	shalt  }
0x6c: {  	_ =	shalt  }
0x6d: {  	_ =	shalt  }
0x6e: {  	_ =	shalt  }
0x6f: {  	_ =	shalt  }
0x70: {  	_ =	shalt  }
0x71: {  	_ =	shalt  }
0x72: {  	_ =	shalt  }
0x73: {  	_ =	shalt  }
0x74: {  	_ =	shalt  }
0x75: {  	_ =	shalt  }
0x76: {  	_ =	shalt  }
0x77: {  	_ =	shalt  }
0x78: {  	_ =	shalt  }
0x79: {  	_ =	shalt  }
0x7a: {  	_ =	shalt  }
0x7b: {  	_ =	shalt  }
0x7c: {  	_ =	shalt  }
0x7d: {  	_ =	shalt  }
0x7e: {  	_ =	shalt  }
0x7f: {  	_ =	shalt  }
0x80: {  	_ =	shalt  }
0x81: {  	_ =	shalt  }
0x82: {  	_ =	shalt  }
0x83: {  	_ =	shalt  }
0x84: {  	_ =	shalt  }
0x85: {  	_ =	shalt  }
0x86: {  	_ =	shalt  }
0x87: {  	_ =	shalt  }
.Lfunc_end0:
.L_simem_size_0:
called_computation.1_lowered:
.L_overlay_start_0:
0x88: {  	s2 =	sld [smem:$0x3FD9]  }
0x89: {  	s3 =	sld [smem:$0x3FFE];
	_ =	sdelay $0x1  }
0x8a: {  	s1 =	srdreg.scid  }
0x8b: {  	s0 =	sand.u32 $0x1, s1  }
0x8c: {  	s17 =	sshll.u32 s0, $0xA;
	s2 =	sadd.s32 s3, s2  }
0x8d: {  	s2 =	sadd.s32 s2, s17  }
0x8e: {  	[smem:$0x3FC2] =	sst s2  }
0x8f: {  	_ = 	snop  }
0x90: {  	s2 =	sld [smem:$0x3FD0];
	(tm) =	ssettm $0x1  }
0x91: {  	s18 =	sld [smem:$0x3FFB];
	_ =	sdelay $0x3  }
0x92: {  	_ =	strace s18  }
0x93: {  	s3 =	sld [smem:$0x3FFC];
	_ =	sdelay $0x3  }
0x94: {  	_ =	strace s3  }
0x95: {  	s3 =	sld [smem:$0x3FFD];
	_ =	sdelay $0x3  }
0x96: {  	_ =	strace s3  }
0x97: {  	_ =	strace $0x8FFFFFFF  }
0x98: {  	s19 =	sld [smem:$0x3FDB];
	_ =	sdelay $0x1  }
0x99: {  	s4 =	simm.s32 $_scs_section_size  }
0x9a: {  	s5 =	simm.s32 $_size__tile_overlayer_lowered;
	s6 =	simm.s32 $_tile_overlayer_lowered  }
0x9b: {  	s22 =	simm.s32 $0x1BFF;
	s21 =	sshll.u32 s6, $0x1;
	s3 =	sadd.s32 s4, s19  }
0x9c: {  	s7 =	simm.s32 $0x0;
	s20 =	sshll.u32 s5, $0x1;
	s5 =	sadd.s32 s21, s3  }
0x9d: {  	[timem:s7], [sflag:s22] =	dma.local [hbm:s5], s20  }
0x9e: {  	_ =	swait.ge [sflag:s22], s20  }
0x9f: {  	s4 =	ssub.s32 $0x0, s20;
	[sflag:s22] =	ssyncset.done $0x0  }
0xa0: {  	[sflag:s22] =	ssyncadd.s32 s4;
	_ =	sdelay $0x1  }
0xa1: {  	s23 =	simm.s32 $0x1B8B  }
0xa2: {  	_ =	swait.ge [sflag:s23], $0x1  }
0xa3: {  	[sflag:s23] =	ssyncset.done $0x0  }
0xa4: {  	s25 =	simm.s32 $0x1B8E;
	s24 =	sld [smem:$0x3FFE];
	[sflag:s23] =	ssyncadd.s32 $0xFFFFFFFF  }
0xa5: {  	s26 =	simm.s32 $execute0_lowered;
	[smem:$0x3FD2] =	sst s25  }
0xa6: {  	s5 =	sshll.u32 s26, $0x1;
	_ =	strace $0x80000049;
	[dreg:$0x1] =	wrdreg $0xFFFFFFFF  }
0xa7: {  	s28 =	simm.s32 $_size_execute0_lowered;
	s3 =	sadd.s32 s3, s5;
	[dreg:$0x0] =	wrdreg $0x0  }
0xa8: {  	s5 =	sshll.u32 s28, $0x1;
	[dreg:$0x2] =	wrdreg s3  }
0xa9: {  	[dreg:$0x3] =	wrdreg s5  }
0xaa: {  	[dreg:$0x4] =	wrdreg $0xC0  }
0xab: {  	_ =	task [dreg:s7], $0x5FFFF  }
0xac: {  	[dreg:$0x1] =	wrdreg $0xFFFFFFFF  }
0xad: {  	[dreg:$0x0] =	wrdreg $0x60  }
0xae: {  	[dreg:$0x2] =	wrdreg s24  }
0xaf: {  	[dreg:$0x3] =	wrdreg s2  }
0xb0: {  	[dreg:$0x4] =	wrdreg $0x66000  }
0xb1: {  	[dreg:$0x5] =	wrdreg $0x9  }
0xb2: {  	_ =	task.clear_ibuf [dreg:s7], $0x6FFFF;
	_ =	strace $0x90000049  }
0xb3: {  	s29 =	simm.s32 $0x9;
	_ =	strace $0x8000004B  }
0xb4: {  	_ =	swait.ge [sflag:s29], $0x1  }
0xb5: {  	[sflag:s29] =	ssyncadd.s32 $0xFFFFFFFF  }
0xb6: {  	_ =	strace $0x9000004B  }
0xb7: {  	_ =	sfence  }
0xb8: {  	s30 =	sld [smem:$0x0];
	_ =	sdelay $0x2  }
0xb9: {  	s31 =	sshll.u32 s1, $0xD;
	s1 =	sshrl.u32 s1, $0x2  }
0xba: {  	s3 =	sand.u32 $0x4000, s31;
	s1 =	sadd.s32 s1, s30  }
0xbb: {  	s0 =	sor.u32 s3, s0;
	s1 =	sshll.u32 s1, $0x11  }
0xbc: {  	s0 =	sor.u32 s1, s0  }
0xbd: {  	s0 =	sadd.s32 $0x8F2B, s0  }
0xbe: {  	[sflag:s0] =	ssyncadd.remote.s32 $0x1  }
0xbf: {  	_ =	sfence.sel $0xFFFF  }
0xc0: {  	[dreg:$0x0] =	wrdreg $0xFFFFFFFF;
	(pc) =	sbr.abs _section_cstart, $3  }
0xc1: {  	[dreg:$0x1] =	wrdreg $0xFFFFFFFF  }
0xc2: {  	_ =	task.clear_ibuf [dreg:s7], $0x2FFFF;
	_ =	strace $0x9FFFFFFF  }
0xc3: {  	(tm) =	ssettm $0x7FFFFFFF  }
tec
execute0_lowered:
.L_overlay_start_1:
0x0: {  	(tag) =	ssettag $0x1  }
0x1: {  	s8 =	rddreg [dreg:$0x0]  }
0x2: {  	s1 =	rddreg [dreg:$0x1]  }
0x3: {  	s2 =	rddreg [dreg:$0x2]  }
0x4: {  	s3 =	simm.s32 $0x0;
	s9 =	srdreg.scid;
	s0 =	stileid.u32  }
0x5: {  	s20 =	simm.s32 $0x80;
	s22 =	simm.s32 $0x1600;
	s23 =	simm.s32 $0x100  }
0x6: {  	s24 =	simm.s32 $0x2600;
	s28 =	simm.s32 $0x2;
	s26 =	smul.u32 $0x61C00, s0  }
0x7: {  	s29 =	simm.s32 $0x0;
	s5 =	sadd.s32 $0x4000, s8;
	s13 =	smul.u32 $0x18900, s0  }
0x8: {  	s6 =	sadd.s32 $0xC7A00, s8;
	s11 =	sand.u32 $0x1, s9;
	s15 =	smul.u32 $0x30E0, s0  }
0x9: {  	s7 =	sadd.s32 $0x129E00, s8;
	s14 =	sadd.s32 $0x12D000, s8;
	s8 =	smul.u32 $0x189000, s11  }
0xa: {  	[smem:$0x7FF] =	sst s3;
	s30 =	sshll.u32 s0, $0x6;
	s17 =	smul.u32 $0x186A00, s11  }
0xb: {  	s25 =	sadd.s32 $0x16E900, s2;
	p0 =	seq.s32 s0, $0xF;
	s18 =	smul.u32 $0x30D40, s11  }
0xc: {  	_ =	strace $0x8000004A;
	s10 =	ssub.s32 $0x2, s11;
	s11 =	smul.u32 $0x312, s0  }
0xd: {  	s25 =	sshrl.u32 @p0 s25, $0x3;
	s12 =	sshrl.u32 s10, $0x1;
	s9 =	sshrl.u32 s26, $0x2  }
0xe: {  	s26 =	simm.s32 $0x1;
	s16 =	ssub.s32 s10, s12;
	s9 =	sadd.s32 s9, s2  }
.Ltmp0:
0xf: {  	s31 =	sadd.s32 s13, s8;
	s10 =	sor.u32 $0x1C03, s30;
	(pc) =	sbr.rel .LBB2_1-.Ltmp0, $4  }
0x10: {  	s17 =	sshrl.u32 s17, $0x3;
	s13 =	sshrl.u32 s13, $0x3;
	s15 =	sadd.s32 s15, s18  }
0x11: {  	s18 =	simm.s32 $0x3;
	s12 =	sshrl.u32 s31, $0x3;
	s17 =	sadd.s32 s14, s17  }
0x12: {  	s13 =	sadd.s32 s1, s13;
	s14 =	sadd.s32 s14, s15;
	s16 =	smax.u32 s16, $0x1  }
0x13: {  	s12 =	sadd.s32 s6, s12;
	s15 =	sadd.s32 $0x2DD20, s17;
	s17 =	sshrl.u32 s9, $0x3  }
.LBB2_6:
0x14: {  	_ =	swait.ge [sflag:s28], $0x3000  }
0x15: {  	[sflag:s28] =	ssyncset.done $0x0  }
0x16: {  	[sflag:s28] =	ssyncadd.s32 $0xFFFFD000  }
0x17: {  	s0 =	simm.s32 @p0 $0x3;
	[bflag:$0x0] =	sbarrier.arrive $0xFFFF  }
0x18: {  	[hbm:s15], [sflag:s10] =	dma.local @p0 [spmem:s25], $0x3020  }
0x19: {  	_ =	swait.ge @p0 [sflag:s0], $0x3020  }
0x1a: {  	s29 =	sadd.s32 $0x1, s29;
	[sflag:s0] =	ssyncset.done @p0 $0x0  }
0x1b: {  	p1 =	sne.s32 s29, s16;
	[sflag:s0] =	ssyncadd.s32 @p0 $0xFFFFCFE0;
	s0 =	sshrl.u32 @!p0 s9, $0x3  }
0x1c: {  	[hbm:s14], [sflag:s10] =	dma.local @!p0 [spmem:s0], $0x30E0  }
.Ltmp1:
0x1d: {  	_ = 	snop;
	(pc) =	sbr.rel @!p1 .LBB2_7-.Ltmp1, $4  }
0x1e: {  	s0 =	simm.s32 @!p0 $0x3  }
0x1f: {  	_ =	swait.ge @!p0 [sflag:s0], $0x30E0  }
0x20: {  	[sflag:s0] =	ssyncset.done @!p0 $0x0  }
0x21: {  	[sflag:s0] =	ssyncadd.s32 @!p0 $0xFFFFCF20  }
.LBB2_1:
0x22: {  	[spmem:s17], [sflag:s10] =	dma.local [hbm:s7], $0x30E0  }
0x23: {  	_ =	swait.ge [sflag:s18], $0x30E0  }
0x24: {  	[sflag:s18] =	ssyncset.done $0x0  }
0x25: {  	[sflag:s18] =	ssyncadd.s32 $0xFFFFCF20  }
0x26: {  	[bflag:$0x0] =	sbarrier.arrive $0xFFFF  }
0x27: {  	[tilespmem:s3], [sflag:$0x3] =	stream.linear.gather [hbm4b:s12+s3], $0x180, $0x38;
	[tilespmem:$0x1ED00] =	vst v63  }
0x28: {  	_ =	swait.ge [sflag:s18], $0x180  }
0x29: {  	[sflag:s18] =	ssyncset.done $0x0  }
0x2a: {  	s0 =	simm.s32 $0x300;
	[sflag:s18] =	ssyncadd.s32 $0xFFFFFE80  }
0x2b: {  	[tilespmem:s0], [sflag:$0x3] =	stream.linear.gather [hbm4b:s13+s3], $0x180, $0x38;
	[tilespmem:$0x1ED00] =	vst v63  }
0x2c: {  	_ =	swait.ge [sflag:s18], $0x180  }
0x2d: {  	[sflag:s18] =	ssyncset.done $0x0  }
0x2e: {  	s31 =	simm.s32 $0x600;
	[sflag:s18] =	ssyncadd.s32 $0xFFFFFE80  }
0x2f: {  	[tilespmem:s31], [sflag:$0x1] =	stream.indirect.gather [hbm4b:s5+s20], $0x20, s3, s20, $0xb8;
	[tilespmem:$0x1ED00] =	vst v63  }
.Ltmp2:
0x30: {  	_ = 	snop;
	(pc) =	sbr.rel .LBB2_2-.Ltmp2, $4  }
0x31: {  	_ = 	snop  }
0x32: {  	[tilespmem:s22], [sflag:$0x1] =	stream.indirect.gather [hbm4b:s5+s20], $0x20, s20, s20, $0xb8;
	[tilespmem:$0x1ED00] =	vst v63  }
0x33: {  	s30 =	simm.s32 $0x0  }
0x34: {  	[tilespmem:s24], [sflag:$0x1] =	stream.indirect.gather [hbm4b:s5+s20], $0x20, s23, s20, $0xb8;
	[tilespmem:$0x1ED00] =	vst v63  }
.LBB2_4:
0x35: {  	_ =	swait.ge [sflag:s26], $0x3000  }
0x36: {  	[sflag:s26] =	ssyncset.done $0x0  }
0x37: {  	s30 =	simm.s32 $0x106;
	[sflag:s26] =	ssyncadd.s32 $0xFFFFD000  }
.LBB2_5:
0x38: {  	s0 =	smul.u32 $0xC000, s31  }
0x39: {  	s4 =	smul.u32 $0x600, s31;
	_ =	sdelay $0x1  }
0x3a: {  	s0 =	sshrl.u32 s0, $0x2;
	s4 =	sshrl.u32 s4, $0x2  }
0x3b: {  	p1 =	slt.u32 s30, $0x106;
	s19 =	sor.u32 $0x600, s0;
	s21 =	sadd.s32 $0x300, s4  }
0x3c: {  	[spmem:s2] =	stream.indirect.scatter.add.f32 [tilespmem:s19], [sflag:$0x2], $0x20, s21, s20, $0xb8;
	[tilespmem:$0x1ED00] =	vst v63  }
.Ltmp3:
0x3d: {  	_ = 	snop;
	(pc) =	sbr.rel @!p1 .LBB2_6-.Ltmp3, $4  }
0x3e: {  	s31 =	sadd.s32 $0x380, s4;
	s21 =	sadd.s32 $0x1600, s0  }
0x3f: {  	[spmem:s2] =	stream.indirect.scatter.add.f32 [tilespmem:s21], [sflag:$0x2], $0x20, s31, s20, $0xb8;
	[tilespmem:$0x1ED00] =	vst v63  }
0x40: {  	s4 =	sor.u32 $0x400, s4;
	s0 =	sadd.s32 $0x2600, s0  }
0x41: {  	[spmem:s2] =	stream.indirect.scatter.add.f32 [tilespmem:s0], [sflag:$0x2], $0x20, s4, s20, $0xb8;
	[tilespmem:$0x1ED00] =	vst v63  }
.LBB2_2:
0x42: {  	p1 =	seq.s32 s30, $0x0  }
0x43: {  	p2 =	seq.s32 @!p1 s30, $0x105  }
0x44: {  	p2 =	por p1, !p2  }
.Ltmp4:
0x45: {  	_ = 	snop;
	(pc) =	sbr.rel @!p2 .LBB2_4-.Ltmp4, $4  }
0x46: {  	s0 =	simm.s32 @!p1 $0x2  }
0x47: {  	_ =	swait.ge @!p1 [sflag:s0], $0x3000  }
0x48: {  	[sflag:s0] =	ssyncset.done @!p1 $0x0  }
0x49: {  	s31 =	sand.u32 $0x1, s30;
	[sflag:s0] =	ssyncadd.s32 @!p1 $0xFFFFD000  }
0x4a: {  	s30 =	sadd.s32 @!p1 $0x1, s30  }
0x4b: {  	s30 =	simm.s32 @p1 $0x1  }
0x4c: {  	s0 =	smul.u32 $0x3, s30;
	_ =	sdelay $0x1  }
0x4d: {  	s0 =	sadd.s32 s11, s0  }
0x4e: {  	s4 =	sshll.u32 s0, $0x7  }
0x4f: {  	s19 =	sxor.u32 $0x1, s31;
	s4 =	sadd.s32 s8, s4  }
0x50: {  	s21 =	smul.u32 $0x180, s19;
	s4 =	sshrl.u32 s4, $0x3  }
0x51: {  	s4 =	sadd.s32 s6, s4  }
0x52: {  	[tilespmem:s21], [sflag:$0x3] =	stream.linear.gather [hbm4b:s4+s3], $0x180, $0x38;
	[tilespmem:$0x1ED00] =	vst v63  }
0x53: {  	_ =	swait.ge [sflag:s18], $0x180  }
0x54: {  	s0 =	sshll.u32 s0, $0x4;
	[sflag:s18] =	ssyncset.done $0x0  }
0x55: {  	s0 =	sadd.s32 s1, s0;
	s4 =	sadd.s32 $0x300, s21;
	[sflag:s18] =	ssyncadd.s32 $0xFFFFFE80  }
0x56: {  	[tilespmem:s4], [sflag:$0x3] =	stream.linear.gather [hbm4b:s0+s3], $0x180, $0x38;
	[tilespmem:$0x1ED00] =	vst v63  }
0x57: {  	_ =	swait.ge [sflag:s18], $0x180  }
0x58: {  	[sflag:s18] =	ssyncset.done $0x0  }
0x59: {  	s4 =	smul.u32 $0xC000, s19;
	[sflag:s18] =	ssyncadd.s32 $0xFFFFFE80  }
0x5a: {  	_ =	swait.ge [sflag:s26], $0x3000  }
0x5b: {  	s0 =	sshrl.u32 s4, $0x2;
	[sflag:s26] =	ssyncset.done $0x0  }
0x5c: {  	s19 =	sor.u32 $0x600, s0;
	[sflag:s26] =	ssyncadd.s32 $0xFFFFD000  }
0x5d: {  	[tilespmem:s19], [sflag:$0x1] =	stream.indirect.gather [hbm4b:s5+s20], $0x20, s21, s20, $0xb8;
	[tilespmem:$0x1ED00] =	vst v63  }
.Ltmp5:
0x5e: {  	_ = 	snop;
	(pc) =	sbr.rel .LBB2_5-.Ltmp5, $4  }
0x5f: {  	s4 =	sadd.s32 $0x1600, s0;
	s19 =	sadd.s32 $0x80, s21  }
0x60: {  	[tilespmem:s4], [sflag:$0x1] =	stream.indirect.gather [hbm4b:s5+s20], $0x20, s19, s20, $0xb8;
	[tilespmem:$0x1ED00] =	vst v63  }
0x61: {  	s0 =	sadd.s32 $0x2600, s0;
	s21 =	sadd.s32 $0x100, s21  }
0x62: {  	[tilespmem:s0], [sflag:$0x1] =	stream.indirect.gather [hbm4b:s5+s20], $0x20, s21, s20, $0xb8;
	[tilespmem:$0x1ED00] =	vst v63  }
.LBB2_7:
0x63: {  	_ =	sfence.sel $0x180000  }
0x64: {  	[bflag:$0x0] =	sbarrier.arrive $0xFFFF  }
0x65: {  	_ =	strace $0x9000004A  }
0x66: {  	s0 =	stileid.u32;
	[bflag:$0x2] =	sbarrier.arrive $0xFFFF  }
0x67: {  	p0 =	sne.s32 s0, $0x0;
	s0 =	rddreg [dreg:$0x3]  }
0x68: {  	s0 =	sadd.s32 @!p0 $0x100000, s0  }
0x69: {  	[sflag:s0] =	ssyncadd.tile.s32 @!p0 $0x1;
	_ =	shalt  }
.Lfunc_end2:
_tile_overlayer_lowered:
.L_overlay_start_2:
0x6a: {  	(tag) =	ssettag $0x2  }
0x6b: {  	s0 =	rddreg [dreg:$0x0];
	s2 =	stileid.u32  }
0x6c: {  	s1 =	rddreg [dreg:$0x1];
	p0 =	sne.s32 s2, $0x0  }
0x6d: {  	s3 =	rddreg [dreg:$0x2];
	[bflag:$0x3] =	sbarrier.arrive $0xFFFF;
	s2 =	simm.s32 @!p0 $0x1C03  }
0x6e: {  	[timem:s3], [sflag:s2] =	dma.local @!p0 [hbm:s0], s1  }
0x6f: {  	s0 =	simm.s32 @!p0 $0x3  }
0x70: {  	_ =	swait.ge @!p0 [sflag:s0], s1  }
0x71: {  	s1 =	ssub.s32 @!p0 $0x0, s1;
	[sflag:s0] =	ssyncset.done @!p0 $0x0  }
0x72: {  	[sflag:s0] =	ssyncadd.s32 @!p0 s1  }
0x73: {  	[bflag:$0x3] =	sbarrier.arrive $0xFFFF  }
0x74: {  	_ =	shalt  }

// kernel: kernel.18.cloned.1.call-start
scs
__scs_entry_jumppad:
0x0: {  	(pc) =	sbr.rel $0x88, $3  }
0x1: {  	(tag) =	ssettag $0x0;
	lr =	simm.s32 $0x1  }
0x2: {  	[smem:$0x3F9B] =	sst lr;
	_ =	strace $0xD0000000  }
0x3: {  	_ = 	snop  }
0x4: {  	_ = 	snop  }
0x5: {  	_ = 	snop  }
0x6: {  	_ = 	snop  }
0x7: {  	_ = 	snop  }
__scs_overlays_trampoline_lowered:
0x8: {  	[smem:$0x3FAA] =	sst s0  }
0x9: {  	[smem:$0x3FAB] =	sst s1  }
0xa: {  	[smem:$0x3FAC] =	sst s2  }
0xb: {  	[smem:$0x3FAD] =	sst s3  }
0xc: {  	[smem:$0x3FAE] =	sst s4  }
0xd: {  	[smem:$0x3FAF] =	sst s5  }
0xe: {  	[smem:$0x3FB0] =	sst s6  }
0xf: {  	[smem:$0x3FB1] =	sst s7  }
0x10: {  	[smem:$0x3FB2] =	sst s8  }
0x11: {  	[smem:$0x3FB3] =	sst s9;
	s0 =	simm.s32 @!p0 $0x0  }
0x12: {  	s1 =	sld [smem:$0x3F99];
	s0 =	simm.s32 @p0 $0x1  }
0x13: {  	[smem:$0x3FB4] =	sst s0;
	s0 =	simm.s32 @!p1 $0x0  }
0x14: {  	s2 =	sld [smem:$0x3F98];
	s0 =	simm.s32 @p1 $0x1  }
0x15: {  	[smem:$0x3FB5] =	sst s0;
	s0 =	simm.s32 @!p2 $0x0  }
0x16: {  	s3 =	sld [smem:$0x3FDB];
	s0 =	simm.s32 @p2 $0x1  }
0x17: {  	s4 =	simm.s32 $0x1BF5;
	[smem:$0x3FB7] =	sst s0  }
0x18: {  	s0 =	sld [smem:$0x3F9A];
	_ =	swait.ge [sflag:s4], $0x0  }
0x19: {  	s7 =	sld [smem:$0x3F9B]  }
0x1a: {  	s8 =	sadd.s32 $0xFFFFE003, lr  }
0x1b: {  	s9 =	sadd.s32 $0xFFFFFEF7, lr;
	s5 =	simm.s32 $0xFFFFFFFF;
	p2 =	slt.u32 s8, $0xFFFFF086  }
0x1c: {  	p1 =	slt.u32 s9, $0xF7A;
	s5 =	simm.s32 @!p2 $0x0  }
0x1d: {  	s5 =	simm.s32 @p1 $0x1;
	p0 =	seq.s32 s7, s2  }
0x1e: {  	s7 =	smul.u32 @!p0 $0xF7A, s2;
	p2 =	seq.s32 @!p0 s5, $0x0  }
0x1f: {  	s9 =	smul.u32 $0xF7A, s1;
	s8 =	simm.s32 @!p0 $0x1BF5;
	p2 =	por !p2, p0  }
0x20: {  	[sflag:s8] =	ssyncset.s32 @!p0 $0xFFFFF086;
	s6 =	sadd.s32 @!p0 s3, s7;
	s7 =	simm.s32 @!p0 $0x108  }
0x21: {  	s3 =	sadd.s32 s3, s9;
	s6 =	sadd.s32 @!p0 $0x88, s6;
	s7 =	simm.s32 @p2 $0x1082  }
0x22: {  	[simem:s7], [sflag:s8] =	dma.local @!p0 [hbm:s6], $0xF7A  }
0x23: {  	s9 =	sor.u32 $0xD0000000, s2;
	s6 =	simm.s32 $0x108;
	_ =	swait.ge @!p0 [sflag:s8], $0x0  }
0x24: {  	s3 =	sadd.s32 $0x88, s3;
	s6 =	simm.s32 @!p1 $0x1082;
	[sflag:s4] =	ssyncset.s32 $0xFFFFF086  }
0x25: {  	[simem:s6], [sflag:s4] =	dma.local [hbm:s3], $0xF7A  }
0x26: {  	[smem:$0x3F9B] =	sst s1;
	(tag) =	ssettag s2;
	_ =	strace s9  }
0x27: {  	s1 =	sld [smem:$0x3FAB]  }
0x28: {  	s2 =	sld [smem:$0x3FAC]  }
0x29: {  	s4 =	sld [smem:$0x3FAE]  }
0x2a: {  	p0 =	seq.s32 s5, $0x0;
	s5 =	sld [smem:$0x3FAF]  }
0x2b: {  	s6 =	sld [smem:$0x3FB0]  }
0x2c: {  	s7 =	sld [smem:$0x3FB1]  }
0x2d: {  	s3 =	simm.s32 $0x108;
	s8 =	sld [smem:$0x3FB2]  }
0x2e: {  	s3 =	simm.s32 @!p0 $0x1082;
	s9 =	sld [smem:$0x3FB3]  }
0x2f: {  	lr =	sadd.s32 s0, s3;
	s0 =	sld [smem:$0x3FAA]  }
0x30: {  	s3 =	sld [smem:$0x3FAD]  }
0x31: {  	[smem:$0x3FB6] =	sst s10  }
0x32: {  	s10 =	sld [smem:$0x3FB4];
	_ =	sdelay $0x3  }
0x33: {  	p0 =	seq.s32 s10, $0x1;
	s10 =	sld [smem:$0x3FB6];
	_ =	sdelay $0x3  }
0x34: {  	[smem:$0x3FB6] =	sst s10  }
0x35: {  	s10 =	sld [smem:$0x3FB5];
	_ =	sdelay $0x3  }
0x36: {  	p1 =	seq.s32 s10, $0x1;
	s10 =	sld [smem:$0x3FB6];
	_ =	sdelay $0x3  }
0x37: {  	[smem:$0x3FB6] =	sst s10  }
0x38: {  	s10 =	sld [smem:$0x3FB7]  }
0x39: {  	_ = 	snop;
	(pc) =	sbr.ind lr, $3  }
0x3a: {  	_ = 	snop  }
0x3b: {  	_ = 	snop  }
0x3c: {  	p2 =	seq.s32 s10, $0x1;
	s10 =	sld [smem:$0x3FB6]  }
0x3d: {  	_ =	shalt  }
0x3e: {  	_ =	shalt  }
0x3f: {  	_ =	shalt  }
0x40: {  	_ =	shalt  }
0x41: {  	_ =	shalt  }
0x42: {  	_ =	shalt  }
0x43: {  	_ =	shalt  }
0x44: {  	_ =	shalt  }
0x45: {  	_ =	shalt  }
0x46: {  	_ =	shalt  }
0x47: {  	_ =	shalt  }
0x48: {  	_ =	shalt  }
0x49: {  	_ =	shalt  }
0x4a: {  	_ =	shalt  }
0x4b: {  	_ =	shalt  }
0x4c: {  	_ =	shalt  }
0x4d: {  	_ =	shalt  }
0x4e: {  	_ =	shalt  }
0x4f: {  	_ =	shalt  }
0x50: {  	_ =	shalt  }
0x51: {  	_ =	shalt  }
0x52: {  	_ =	shalt  }
0x53: {  	_ =	shalt  }
0x54: {  	_ =	shalt  }
0x55: {  	_ =	shalt  }
0x56: {  	_ =	shalt  }
0x57: {  	_ =	shalt  }
0x58: {  	_ =	shalt  }
0x59: {  	_ =	shalt  }
0x5a: {  	_ =	shalt  }
0x5b: {  	_ =	shalt  }
0x5c: {  	_ =	shalt  }
0x5d: {  	_ =	shalt  }
0x5e: {  	_ =	shalt  }
0x5f: {  	_ =	shalt  }
0x60: {  	_ =	shalt  }
0x61: {  	_ =	shalt  }
0x62: {  	_ =	shalt  }
0x63: {  	_ =	shalt  }
0x64: {  	_ =	shalt  }
0x65: {  	_ =	shalt  }
0x66: {  	_ =	shalt  }
0x67: {  	_ =	shalt  }
0x68: {  	_ =	shalt  }
0x69: {  	_ =	shalt  }
0x6a: {  	_ =	shalt  }
0x6b: {  	_ =	shalt  }
0x6c: {  	_ =	shalt  }
0x6d: {  	_ =	shalt  }
0x6e: {  	_ =	shalt  }
0x6f: {  	_ =	shalt  }
0x70: {  	_ =	shalt  }
0x71: {  	_ =	shalt  }
0x72: {  	_ =	shalt  }
0x73: {  	_ =	shalt  }
0x74: {  	_ =	shalt  }
0x75: {  	_ =	shalt  }
0x76: {  	_ =	shalt  }
0x77: {  	_ =	shalt  }
0x78: {  	_ =	shalt  }
0x79: {  	_ =	shalt  }
0x7a: {  	_ =	shalt  }
0x7b: {  	_ =	shalt  }
0x7c: {  	_ =	shalt  }
0x7d: {  	_ =	shalt  }
0x7e: {  	_ =	shalt  }
0x7f: {  	_ =	shalt  }
0x80: {  	_ =	shalt  }
0x81: {  	_ =	shalt  }
0x82: {  	_ =	shalt  }
0x83: {  	_ =	shalt  }
0x84: {  	_ =	shalt  }
0x85: {  	_ =	shalt  }
0x86: {  	_ =	shalt  }
0x87: {  	_ =	shalt  }
.Lfunc_end0:
.L_simem_size_0:
called_computation.2_lowered:
.L_overlay_start_0:
0x88: {  	s2 =	sld [smem:$0x3FD9]  }
0x89: {  	s3 =	sld [smem:$0x3FFE];
	_ =	sdelay $0x1  }
0x8a: {  	s1 =	srdreg.scid  }
0x8b: {  	s0 =	sand.u32 $0x1, s1  }
0x8c: {  	s17 =	sshll.u32 s0, $0xA;
	s2 =	sadd.s32 s3, s2  }
0x8d: {  	s2 =	sadd.s32 s2, s17  }
0x8e: {  	[smem:$0x3FC2] =	sst s2  }
0x8f: {  	_ = 	snop  }
0x90: {  	s2 =	sld [smem:$0x3FD0];
	(tm) =	ssettm $0x1  }
0x91: {  	s18 =	sld [smem:$0x3FFB];
	_ =	sdelay $0x3  }
0x92: {  	_ =	strace s18  }
0x93: {  	s3 =	sld [smem:$0x3FFC];
	_ =	sdelay $0x3  }
0x94: {  	_ =	strace s3  }
0x95: {  	s3 =	sld [smem:$0x3FFD];
	_ =	sdelay $0x3  }
0x96: {  	_ =	strace s3  }
0x97: {  	_ =	strace $0x8FFFFFFF  }
0x98: {  	s19 =	sld [smem:$0x3FDB];
	_ =	sdelay $0x1  }
0x99: {  	s4 =	simm.s32 $_scs_section_size  }
0x9a: {  	s5 =	simm.s32 $_size__tile_overlayer_lowered;
	s6 =	simm.s32 $_tile_overlayer_lowered  }
0x9b: {  	s22 =	simm.s32 $0x1BFF;
	s21 =	sshll.u32 s6, $0x1;
	s3 =	sadd.s32 s4, s19  }
0x9c: {  	s7 =	simm.s32 $0x0;
	s20 =	sshll.u32 s5, $0x1;
	s5 =	sadd.s32 s21, s3  }
0x9d: {  	[timem:s7], [sflag:s22] =	dma.local [hbm:s5], s20  }
0x9e: {  	_ =	swait.ge [sflag:s22], s20  }
0x9f: {  	s4 =	ssub.s32 $0x0, s20;
	[sflag:s22] =	ssyncset.done $0x0  }
0xa0: {  	[sflag:s22] =	ssyncadd.s32 s4;
	_ =	sdelay $0x1  }
0xa1: {  	s23 =	simm.s32 $0x1B8B  }
0xa2: {  	_ =	swait.ge [sflag:s23], $0x1  }
0xa3: {  	[sflag:s23] =	ssyncset.done $0x0  }
0xa4: {  	s25 =	simm.s32 $0x1B8E;
	s24 =	sld [smem:$0x3FFE];
	[sflag:s23] =	ssyncadd.s32 $0xFFFFFFFF  }
0xa5: {  	s26 =	simm.s32 $execute0_lowered;
	[smem:$0x3FD2] =	sst s25  }
0xa6: {  	s5 =	sshll.u32 s26, $0x1;
	_ =	strace $0x8000004C;
	[dreg:$0x1] =	wrdreg $0xFFFFFFFF  }
0xa7: {  	s28 =	simm.s32 $_size_execute0_lowered;
	s3 =	sadd.s32 s3, s5;
	[dreg:$0x0] =	wrdreg $0x0  }
0xa8: {  	s5 =	sshll.u32 s28, $0x1;
	[dreg:$0x2] =	wrdreg s3  }
0xa9: {  	[dreg:$0x3] =	wrdreg s5  }
0xaa: {  	[dreg:$0x4] =	wrdreg $0xC0  }
0xab: {  	_ =	task [dreg:s7], $0x5FFFF  }
0xac: {  	[dreg:$0x1] =	wrdreg $0xFFFFFFFF  }
0xad: {  	[dreg:$0x0] =	wrdreg $0x60  }
0xae: {  	[dreg:$0x2] =	wrdreg s24  }
0xaf: {  	[dreg:$0x3] =	wrdreg s2  }
0xb0: {  	[dreg:$0x4] =	wrdreg $0x66000  }
0xb1: {  	[dreg:$0x5] =	wrdreg $0x9  }
0xb2: {  	_ =	task.clear_ibuf [dreg:s7], $0x6FFFF;
	_ =	strace $0x9000004C  }
0xb3: {  	s29 =	simm.s32 $0x9;
	_ =	strace $0x8000004E  }
0xb4: {  	_ =	swait.ge [sflag:s29], $0x1  }
0xb5: {  	[sflag:s29] =	ssyncadd.s32 $0xFFFFFFFF  }
0xb6: {  	_ =	strace $0x9000004E  }
0xb7: {  	_ =	sfence  }
0xb8: {  	s30 =	sld [smem:$0x0];
	_ =	sdelay $0x2  }
0xb9: {  	s31 =	sshll.u32 s1, $0xD;
	s1 =	sshrl.u32 s1, $0x2  }
0xba: {  	s3 =	sand.u32 $0x4000, s31;
	s1 =	sadd.s32 s1, s30  }
0xbb: {  	s0 =	sor.u32 s3, s0;
	s1 =	sshll.u32 s1, $0x11  }
0xbc: {  	s0 =	sor.u32 s1, s0  }
0xbd: {  	s0 =	sadd.s32 $0x8F2B, s0  }
0xbe: {  	[sflag:s0] =	ssyncadd.remote.s32 $0x1  }
0xbf: {  	_ =	sfence.sel $0xFFFF  }
0xc0: {  	[dreg:$0x0] =	wrdreg $0xFFFFFFFF;
	(pc) =	sbr.abs _section_cstart, $3  }
0xc1: {  	[dreg:$0x1] =	wrdreg $0xFFFFFFFF  }
0xc2: {  	_ =	task.clear_ibuf [dreg:s7], $0x2FFFF;
	_ =	strace $0x9FFFFFFF  }
0xc3: {  	(tm) =	ssettm $0x7FFFFFFF  }
tec
execute0_lowered:
.L_overlay_start_1:
0x0: {  	(tag) =	ssettag $0x1  }
0x1: {  	s8 =	rddreg [dreg:$0x0]  }
0x2: {  	s1 =	rddreg [dreg:$0x1]  }
0x3: {  	s2 =	rddreg [dreg:$0x2]  }
0x4: {  	s3 =	simm.s32 $0x0;
	s9 =	srdreg.scid;
	s0 =	stileid.u32  }
0x5: {  	s20 =	simm.s32 $0x80;
	s22 =	simm.s32 $0x1600;
	s23 =	simm.s32 $0x100  }
0x6: {  	s24 =	simm.s32 $0x2600;
	s28 =	simm.s32 $0x2;
	s26 =	smul.u32 $0x61C00, s0  }
0x7: {  	s29 =	simm.s32 $0x0;
	s5 =	sadd.s32 $0x12D000, s8;
	s13 =	smul.u32 $0x18900, s0  }
0x8: {  	s7 =	sadd.s32 $0x129E00, s8;
	s11 =	sand.u32 $0x1, s9;
	s15 =	smul.u32 $0x30E0, s0  }
0x9: {  	s6 =	sadd.s32 $0xC7A00, s8;
	s14 =	sadd.s32 $0x18EC00, s8;
	s8 =	smul.u32 $0x189000, s11  }
0xa: {  	[smem:$0x7FF] =	sst s3;
	s30 =	sshll.u32 s0, $0x6;
	s17 =	smul.u32 $0x186A00, s11  }
0xb: {  	s25 =	sadd.s32 $0x16E900, s2;
	p0 =	seq.s32 s0, $0xF;
	s18 =	smul.u32 $0x30D40, s11  }
0xc: {  	_ =	strace $0x8000004D;
	s10 =	ssub.s32 $0x2, s11;
	s11 =	smul.u32 $0x312, s0  }
0xd: {  	s25 =	sshrl.u32 @p0 s25, $0x3;
	s12 =	sshrl.u32 s10, $0x1;
	s9 =	sshrl.u32 s26, $0x2  }
0xe: {  	s26 =	simm.s32 $0x1;
	s16 =	ssub.s32 s10, s12;
	s9 =	sadd.s32 s9, s2  }
.Ltmp0:
0xf: {  	s31 =	sadd.s32 s13, s8;
	s10 =	sor.u32 $0x1C03, s30;
	(pc) =	sbr.rel .LBB2_1-.Ltmp0, $4  }
0x10: {  	s17 =	sshrl.u32 s17, $0x3;
	s13 =	sshrl.u32 s13, $0x3;
	s15 =	sadd.s32 s15, s18  }
0x11: {  	s18 =	simm.s32 $0x3;
	s12 =	sshrl.u32 s31, $0x3;
	s17 =	sadd.s32 s14, s17  }
0x12: {  	s13 =	sadd.s32 s1, s13;
	s14 =	sadd.s32 s14, s15;
	s16 =	smax.u32 s16, $0x1  }
0x13: {  	s12 =	sadd.s32 s6, s12;
	s15 =	sadd.s32 $0x2DD20, s17;
	s17 =	sshrl.u32 s9, $0x3  }
.LBB2_6:
0x14: {  	_ =	swait.ge [sflag:s28], $0x3000  }
0x15: {  	[sflag:s28] =	ssyncset.done $0x0  }
0x16: {  	[sflag:s28] =	ssyncadd.s32 $0xFFFFD000  }
0x17: {  	s0 =	simm.s32 @p0 $0x3;
	[bflag:$0x0] =	sbarrier.arrive $0xFFFF  }
0x18: {  	[hbm:s15], [sflag:s10] =	dma.local @p0 [spmem:s25], $0x3020  }
0x19: {  	_ =	swait.ge @p0 [sflag:s0], $0x3020  }
0x1a: {  	s29 =	sadd.s32 $0x1, s29;
	[sflag:s0] =	ssyncset.done @p0 $0x0  }
0x1b: {  	p1 =	sne.s32 s29, s16;
	[sflag:s0] =	ssyncadd.s32 @p0 $0xFFFFCFE0;
	s0 =	sshrl.u32 @!p0 s9, $0x3  }
0x1c: {  	[hbm:s14], [sflag:s10] =	dma.local @!p0 [spmem:s0], $0x30E0  }
.Ltmp1:
0x1d: {  	_ = 	snop;
	(pc) =	sbr.rel @!p1 .LBB2_7-.Ltmp1, $4  }
0x1e: {  	s0 =	simm.s32 @!p0 $0x3  }
0x1f: {  	_ =	swait.ge @!p0 [sflag:s0], $0x30E0  }
0x20: {  	[sflag:s0] =	ssyncset.done @!p0 $0x0  }
0x21: {  	[sflag:s0] =	ssyncadd.s32 @!p0 $0xFFFFCF20  }
.LBB2_1:
0x22: {  	[spmem:s17], [sflag:s10] =	dma.local [hbm:s7], $0x30E0  }
0x23: {  	_ =	swait.ge [sflag:s18], $0x30E0  }
0x24: {  	[sflag:s18] =	ssyncset.done $0x0  }
0x25: {  	[sflag:s18] =	ssyncadd.s32 $0xFFFFCF20  }
0x26: {  	[bflag:$0x0] =	sbarrier.arrive $0xFFFF  }
0x27: {  	[tilespmem:s3], [sflag:$0x3] =	stream.linear.gather [hbm4b:s12+s3], $0x180, $0x38;
	[tilespmem:$0x1ED00] =	vst v63  }
0x28: {  	_ =	swait.ge [sflag:s18], $0x180  }
0x29: {  	[sflag:s18] =	ssyncset.done $0x0  }
0x2a: {  	s0 =	simm.s32 $0x300;
	[sflag:s18] =	ssyncadd.s32 $0xFFFFFE80  }
0x2b: {  	[tilespmem:s0], [sflag:$0x3] =	stream.linear.gather [hbm4b:s13+s3], $0x180, $0x38;
	[tilespmem:$0x1ED00] =	vst v63  }
0x2c: {  	_ =	swait.ge [sflag:s18], $0x180  }
0x2d: {  	[sflag:s18] =	ssyncset.done $0x0  }
0x2e: {  	s31 =	simm.s32 $0x600;
	[sflag:s18] =	ssyncadd.s32 $0xFFFFFE80  }
0x2f: {  	[tilespmem:s31], [sflag:$0x1] =	stream.indirect.gather [hbm4b:s5+s20], $0x20, s3, s20, $0xb8;
	[tilespmem:$0x1ED00] =	vst v63  }
.Ltmp2:
0x30: {  	_ = 	snop;
	(pc) =	sbr.rel .LBB2_2-.Ltmp2, $4  }
0x31: {  	_ = 	snop  }
0x32: {  	[tilespmem:s22], [sflag:$0x1] =	stream.indirect.gather [hbm4b:s5+s20], $0x20, s20, s20, $0xb8;
	[tilespmem:$0x1ED00] =	vst v63  }
0x33: {  	s30 =	simm.s32 $0x0  }
0x34: {  	[tilespmem:s24], [sflag:$0x1] =	stream.indirect.gather [hbm4b:s5+s20], $0x20, s23, s20, $0xb8;
	[tilespmem:$0x1ED00] =	vst v63  }
.LBB2_4:
0x35: {  	_ =	swait.ge [sflag:s26], $0x3000  }
0x36: {  	[sflag:s26] =	ssyncset.done $0x0  }
0x37: {  	s30 =	simm.s32 $0x106;
	[sflag:s26] =	ssyncadd.s32 $0xFFFFD000  }
.LBB2_5:
0x38: {  	s0 =	smul.u32 $0xC000, s31  }
0x39: {  	s4 =	smul.u32 $0x600, s31;
	_ =	sdelay $0x1  }
0x3a: {  	s0 =	sshrl.u32 s0, $0x2;
	s4 =	sshrl.u32 s4, $0x2  }
0x3b: {  	p1 =	slt.u32 s30, $0x106;
	s19 =	sor.u32 $0x600, s0;
	s21 =	sadd.s32 $0x300, s4  }
0x3c: {  	[spmem:s2] =	stream.indirect.scatter.add.f32 [tilespmem:s19], [sflag:$0x2], $0x20, s21, s20, $0xb8;
	[tilespmem:$0x1ED00] =	vst v63  }
.Ltmp3:
0x3d: {  	_ = 	snop;
	(pc) =	sbr.rel @!p1 .LBB2_6-.Ltmp3, $4  }
0x3e: {  	s31 =	sadd.s32 $0x380, s4;
	s21 =	sadd.s32 $0x1600, s0  }
0x3f: {  	[spmem:s2] =	stream.indirect.scatter.add.f32 [tilespmem:s21], [sflag:$0x2], $0x20, s31, s20, $0xb8;
	[tilespmem:$0x1ED00] =	vst v63  }
0x40: {  	s4 =	sor.u32 $0x400, s4;
	s0 =	sadd.s32 $0x2600, s0  }
0x41: {  	[spmem:s2] =	stream.indirect.scatter.add.f32 [tilespmem:s0], [sflag:$0x2], $0x20, s4, s20, $0xb8;
	[tilespmem:$0x1ED00] =	vst v63  }
.LBB2_2:
0x42: {  	p1 =	seq.s32 s30, $0x0  }
0x43: {  	p2 =	seq.s32 @!p1 s30, $0x105  }
0x44: {  	p2 =	por p1, !p2  }
.Ltmp4:
0x45: {  	_ = 	snop;
	(pc) =	sbr.rel @!p2 .LBB2_4-.Ltmp4, $4  }
0x46: {  	s0 =	simm.s32 @!p1 $0x2  }
0x47: {  	_ =	swait.ge @!p1 [sflag:s0], $0x3000  }
0x48: {  	[sflag:s0] =	ssyncset.done @!p1 $0x0  }
0x49: {  	s31 =	sand.u32 $0x1, s30;
	[sflag:s0] =	ssyncadd.s32 @!p1 $0xFFFFD000  }
0x4a: {  	s30 =	sadd.s32 @!p1 $0x1, s30  }
0x4b: {  	s30 =	simm.s32 @p1 $0x1  }
0x4c: {  	s0 =	smul.u32 $0x3, s30;
	_ =	sdelay $0x1  }
0x4d: {  	s0 =	sadd.s32 s11, s0  }
0x4e: {  	s4 =	sshll.u32 s0, $0x7  }
0x4f: {  	s19 =	sxor.u32 $0x1, s31;
	s4 =	sadd.s32 s8, s4  }
0x50: {  	s21 =	smul.u32 $0x180, s19;
	s4 =	sshrl.u32 s4, $0x3  }
0x51: {  	s4 =	sadd.s32 s6, s4  }
0x52: {  	[tilespmem:s21], [sflag:$0x3] =	stream.linear.gather [hbm4b:s4+s3], $0x180, $0x38;
	[tilespmem:$0x1ED00] =	vst v63  }
0x53: {  	_ =	swait.ge [sflag:s18], $0x180  }
0x54: {  	s0 =	sshll.u32 s0, $0x4;
	[sflag:s18] =	ssyncset.done $0x0  }
0x55: {  	s0 =	sadd.s32 s1, s0;
	s4 =	sadd.s32 $0x300, s21;
	[sflag:s18] =	ssyncadd.s32 $0xFFFFFE80  }
0x56: {  	[tilespmem:s4], [sflag:$0x3] =	stream.linear.gather [hbm4b:s0+s3], $0x180, $0x38;
	[tilespmem:$0x1ED00] =	vst v63  }
0x57: {  	_ =	swait.ge [sflag:s18], $0x180  }
0x58: {  	[sflag:s18] =	ssyncset.done $0x0  }
0x59: {  	s4 =	smul.u32 $0xC000, s19;
	[sflag:s18] =	ssyncadd.s32 $0xFFFFFE80  }
0x5a: {  	_ =	swait.ge [sflag:s26], $0x3000  }
0x5b: {  	s0 =	sshrl.u32 s4, $0x2;
	[sflag:s26] =	ssyncset.done $0x0  }
0x5c: {  	s19 =	sor.u32 $0x600, s0;
	[sflag:s26] =	ssyncadd.s32 $0xFFFFD000  }
0x5d: {  	[tilespmem:s19], [sflag:$0x1] =	stream.indirect.gather [hbm4b:s5+s20], $0x20, s21, s20, $0xb8;
	[tilespmem:$0x1ED00] =	vst v63  }
.Ltmp5:
0x5e: {  	_ = 	snop;
	(pc) =	sbr.rel .LBB2_5-.Ltmp5, $4  }
0x5f: {  	s4 =	sadd.s32 $0x1600, s0;
	s19 =	sadd.s32 $0x80, s21  }
0x60: {  	[tilespmem:s4], [sflag:$0x1] =	stream.indirect.gather [hbm4b:s5+s20], $0x20, s19, s20, $0xb8;
	[tilespmem:$0x1ED00] =	vst v63  }
0x61: {  	s0 =	sadd.s32 $0x2600, s0;
	s21 =	sadd.s32 $0x100, s21  }
0x62: {  	[tilespmem:s0], [sflag:$0x1] =	stream.indirect.gather [hbm4b:s5+s20], $0x20, s21, s20, $0xb8;
	[tilespmem:$0x1ED00] =	vst v63  }
.LBB2_7:
0x63: {  	_ =	sfence.sel $0x180000  }
0x64: {  	[bflag:$0x0] =	sbarrier.arrive $0xFFFF  }
0x65: {  	_ =	strace $0x9000004D  }
0x66: {  	s0 =	stileid.u32;
	[bflag:$0x2] =	sbarrier.arrive $0xFFFF  }
0x67: {  	p0 =	sne.s32 s0, $0x0;
	s0 =	rddreg [dreg:$0x3]  }
0x68: {  	s0 =	sadd.s32 @!p0 $0x100000, s0  }
0x69: {  	[sflag:s0] =	ssyncadd.tile.s32 @!p0 $0x1;
	_ =	shalt  }
.Lfunc_end2:
_tile_overlayer_lowered:
.L_overlay_start_2:
0x6a: {  	(tag) =	ssettag $0x2  }
0x6b: {  	s0 =	rddreg [dreg:$0x0];
	s2 =	stileid.u32  }
0x6c: {  	s1 =	rddreg [dreg:$0x1];
	p0 =	sne.s32 s2, $0x0  }
0x6d: {  	s3 =	rddreg [dreg:$0x2];
	[bflag:$0x3] =	sbarrier.arrive $0xFFFF;
	s2 =	simm.s32 @!p0 $0x1C03  }
0x6e: {  	[timem:s3], [sflag:s2] =	dma.local @!p0 [hbm:s0], s1  }
0x6f: {  	s0 =	simm.s32 @!p0 $0x3  }
0x70: {  	_ =	swait.ge @!p0 [sflag:s0], s1  }
0x71: {  	s1 =	ssub.s32 @!p0 $0x0, s1;
	[sflag:s0] =	ssyncset.done @!p0 $0x0  }
0x72: {  	[sflag:s0] =	ssyncadd.s32 @!p0 s1  }
0x73: {  	[bflag:$0x3] =	sbarrier.arrive $0xFFFF  }
0x74: {  	_ =	shalt  }

// kernel: kernel.21.cloned.1.call-start
scs
__scs_entry_jumppad:
0x0: {  	(pc) =	sbr.rel $0x88, $3  }
0x1: {  	(tag) =	ssettag $0x0;
	lr =	simm.s32 $0x1  }
0x2: {  	[smem:$0x3F9B] =	sst lr;
	_ =	strace $0xD0000000  }
0x3: {  	_ = 	snop  }
0x4: {  	_ = 	snop  }
0x5: {  	_ = 	snop  }
0x6: {  	_ = 	snop  }
0x7: {  	_ = 	snop  }
__scs_overlays_trampoline_lowered:
0x8: {  	[smem:$0x3FAA] =	sst s0  }
0x9: {  	[smem:$0x3FAB] =	sst s1  }
0xa: {  	[smem:$0x3FAC] =	sst s2  }
0xb: {  	[smem:$0x3FAD] =	sst s3  }
0xc: {  	[smem:$0x3FAE] =	sst s4  }
0xd: {  	[smem:$0x3FAF] =	sst s5  }
0xe: {  	[smem:$0x3FB0] =	sst s6  }
0xf: {  	[smem:$0x3FB1] =	sst s7  }
0x10: {  	[smem:$0x3FB2] =	sst s8  }
0x11: {  	[smem:$0x3FB3] =	sst s9;
	s0 =	simm.s32 @!p0 $0x0  }
0x12: {  	s1 =	sld [smem:$0x3F99];
	s0 =	simm.s32 @p0 $0x1  }
0x13: {  	[smem:$0x3FB4] =	sst s0;
	s0 =	simm.s32 @!p1 $0x0  }
0x14: {  	s2 =	sld [smem:$0x3F98];
	s0 =	simm.s32 @p1 $0x1  }
0x15: {  	[smem:$0x3FB5] =	sst s0;
	s0 =	simm.s32 @!p2 $0x0  }
0x16: {  	s3 =	sld [smem:$0x3FDB];
	s0 =	simm.s32 @p2 $0x1  }
0x17: {  	s4 =	simm.s32 $0x1BF5;
	[smem:$0x3FB7] =	sst s0  }
0x18: {  	s0 =	sld [smem:$0x3F9A];
	_ =	swait.ge [sflag:s4], $0x0  }
0x19: {  	s7 =	sld [smem:$0x3F9B]  }
0x1a: {  	s8 =	sadd.s32 $0xFFFFE003, lr  }
0x1b: {  	s9 =	sadd.s32 $0xFFFFFEF7, lr;
	s5 =	simm.s32 $0xFFFFFFFF;
	p2 =	slt.u32 s8, $0xFFFFF086  }
0x1c: {  	p1 =	slt.u32 s9, $0xF7A;
	s5 =	simm.s32 @!p2 $0x0  }
0x1d: {  	s5 =	simm.s32 @p1 $0x1;
	p0 =	seq.s32 s7, s2  }
0x1e: {  	s7 =	smul.u32 @!p0 $0xF7A, s2;
	p2 =	seq.s32 @!p0 s5, $0x0  }
0x1f: {  	s9 =	smul.u32 $0xF7A, s1;
	s8 =	simm.s32 @!p0 $0x1BF5;
	p2 =	por !p2, p0  }
0x20: {  	[sflag:s8] =	ssyncset.s32 @!p0 $0xFFFFF086;
	s6 =	sadd.s32 @!p0 s3, s7;
	s7 =	simm.s32 @!p0 $0x108  }
0x21: {  	s3 =	sadd.s32 s3, s9;
	s6 =	sadd.s32 @!p0 $0x88, s6;
	s7 =	simm.s32 @p2 $0x1082  }
0x22: {  	[simem:s7], [sflag:s8] =	dma.local @!p0 [hbm:s6], $0xF7A  }
0x23: {  	s9 =	sor.u32 $0xD0000000, s2;
	s6 =	simm.s32 $0x108;
	_ =	swait.ge @!p0 [sflag:s8], $0x0  }
0x24: {  	s3 =	sadd.s32 $0x88, s3;
	s6 =	simm.s32 @!p1 $0x1082;
	[sflag:s4] =	ssyncset.s32 $0xFFFFF086  }
0x25: {  	[simem:s6], [sflag:s4] =	dma.local [hbm:s3], $0xF7A  }
0x26: {  	[smem:$0x3F9B] =	sst s1;
	(tag) =	ssettag s2;
	_ =	strace s9  }
0x27: {  	s1 =	sld [smem:$0x3FAB]  }
0x28: {  	s2 =	sld [smem:$0x3FAC]  }
0x29: {  	s4 =	sld [smem:$0x3FAE]  }
0x2a: {  	p0 =	seq.s32 s5, $0x0;
	s5 =	sld [smem:$0x3FAF]  }
0x2b: {  	s6 =	sld [smem:$0x3FB0]  }
0x2c: {  	s7 =	sld [smem:$0x3FB1]  }
0x2d: {  	s3 =	simm.s32 $0x108;
	s8 =	sld [smem:$0x3FB2]  }
0x2e: {  	s3 =	simm.s32 @!p0 $0x1082;
	s9 =	sld [smem:$0x3FB3]  }
0x2f: {  	lr =	sadd.s32 s0, s3;
	s0 =	sld [smem:$0x3FAA]  }
0x30: {  	s3 =	sld [smem:$0x3FAD]  }
0x31: {  	[smem:$0x3FB6] =	sst s10  }
0x32: {  	s10 =	sld [smem:$0x3FB4];
	_ =	sdelay $0x3  }
0x33: {  	p0 =	seq.s32 s10, $0x1;
	s10 =	sld [smem:$0x3FB6];
	_ =	sdelay $0x3  }
0x34: {  	[smem:$0x3FB6] =	sst s10  }
0x35: {  	s10 =	sld [smem:$0x3FB5];
	_ =	sdelay $0x3  }
0x36: {  	p1 =	seq.s32 s10, $0x1;
	s10 =	sld [smem:$0x3FB6];
	_ =	sdelay $0x3  }
0x37: {  	[smem:$0x3FB6] =	sst s10  }
0x38: {  	s10 =	sld [smem:$0x3FB7]  }
0x39: {  	_ = 	snop;
	(pc) =	sbr.ind lr, $3  }
0x3a: {  	_ = 	snop  }
0x3b: {  	_ = 	snop  }
0x3c: {  	p2 =	seq.s32 s10, $0x1;
	s10 =	sld [smem:$0x3FB6]  }
0x3d: {  	_ =	shalt  }
0x3e: {  	_ =	shalt  }
0x3f: {  	_ =	shalt  }
0x40: {  	_ =	shalt  }
0x41: {  	_ =	shalt  }
0x42: {  	_ =	shalt  }
0x43: {  	_ =	shalt  }
0x44: {  	_ =	shalt  }
0x45: {  	_ =	shalt  }
0x46: {  	_ =	shalt  }
0x47: {  	_ =	shalt  }
0x48: {  	_ =	shalt  }
0x49: {  	_ =	shalt  }
0x4a: {  	_ =	shalt  }
0x4b: {  	_ =	shalt  }
0x4c: {  	_ =	shalt  }
0x4d: {  	_ =	shalt  }
0x4e: {  	_ =	shalt  }
0x4f: {  	_ =	shalt  }
0x50: {  	_ =	shalt  }
0x51: {  	_ =	shalt  }
0x52: {  	_ =	shalt  }
0x53: {  	_ =	shalt  }
0x54: {  	_ =	shalt  }
0x55: {  	_ =	shalt  }
0x56: {  	_ =	shalt  }
0x57: {  	_ =	shalt  }
0x58: {  	_ =	shalt  }
0x59: {  	_ =	shalt  }
0x5a: {  	_ =	shalt  }
0x5b: {  	_ =	shalt  }
0x5c: {  	_ =	shalt  }
0x5d: {  	_ =	shalt  }
0x5e: {  	_ =	shalt  }
0x5f: {  	_ =	shalt  }
0x60: {  	_ =	shalt  }
0x61: {  	_ =	shalt  }
0x62: {  	_ =	shalt  }
0x63: {  	_ =	shalt  }
0x64: {  	_ =	shalt  }
0x65: {  	_ =	shalt  }
0x66: {  	_ =	shalt  }
0x67: {  	_ =	shalt  }
0x68: {  	_ =	shalt  }
0x69: {  	_ =	shalt  }
0x6a: {  	_ =	shalt  }
0x6b: {  	_ =	shalt  }
0x6c: {  	_ =	shalt  }
0x6d: {  	_ =	shalt  }
0x6e: {  	_ =	shalt  }
0x6f: {  	_ =	shalt  }
0x70: {  	_ =	shalt  }
0x71: {  	_ =	shalt  }
0x72: {  	_ =	shalt  }
0x73: {  	_ =	shalt  }
0x74: {  	_ =	shalt  }
0x75: {  	_ =	shalt  }
0x76: {  	_ =	shalt  }
0x77: {  	_ =	shalt  }
0x78: {  	_ =	shalt  }
0x79: {  	_ =	shalt  }
0x7a: {  	_ =	shalt  }
0x7b: {  	_ =	shalt  }
0x7c: {  	_ =	shalt  }
0x7d: {  	_ =	shalt  }
0x7e: {  	_ =	shalt  }
0x7f: {  	_ =	shalt  }
0x80: {  	_ =	shalt  }
0x81: {  	_ =	shalt  }
0x82: {  	_ =	shalt  }
0x83: {  	_ =	shalt  }
0x84: {  	_ =	shalt  }
0x85: {  	_ =	shalt  }
0x86: {  	_ =	shalt  }
0x87: {  	_ =	shalt  }
.Lfunc_end0:
.L_simem_size_0:
called_computation.3_lowered:
.L_overlay_start_0:
0x88: {  	s2 =	sld [smem:$0x3FD9]  }
0x89: {  	s3 =	sld [smem:$0x3FFE];
	_ =	sdelay $0x1  }
0x8a: {  	s1 =	srdreg.scid  }
0x8b: {  	s0 =	sand.u32 $0x1, s1  }
0x8c: {  	s17 =	sshll.u32 s0, $0xA;
	s2 =	sadd.s32 s3, s2  }
0x8d: {  	s2 =	sadd.s32 s2, s17  }
0x8e: {  	[smem:$0x3FC2] =	sst s2  }
0x8f: {  	_ = 	snop  }
0x90: {  	s2 =	sld [smem:$0x3FD0];
	(tm) =	ssettm $0x1  }
0x91: {  	s18 =	sld [smem:$0x3FFB];
	_ =	sdelay $0x3  }
0x92: {  	_ =	strace s18  }
0x93: {  	s3 =	sld [smem:$0x3FFC];
	_ =	sdelay $0x3  }
0x94: {  	_ =	strace s3  }
0x95: {  	s3 =	sld [smem:$0x3FFD];
	_ =	sdelay $0x3  }
0x96: {  	_ =	strace s3  }
0x97: {  	_ =	strace $0x8FFFFFFF  }
0x98: {  	s19 =	sld [smem:$0x3FDB];
	_ =	sdelay $0x1  }
0x99: {  	s4 =	simm.s32 $_scs_section_size  }
0x9a: {  	s5 =	simm.s32 $_size__tile_overlayer_lowered;
	s6 =	simm.s32 $_tile_overlayer_lowered  }
0x9b: {  	s22 =	simm.s32 $0x1BFF;
	s21 =	sshll.u32 s6, $0x1;
	s3 =	sadd.s32 s4, s19  }
0x9c: {  	s7 =	simm.s32 $0x0;
	s20 =	sshll.u32 s5, $0x1;
	s5 =	sadd.s32 s21, s3  }
0x9d: {  	[timem:s7], [sflag:s22] =	dma.local [hbm:s5], s20  }
0x9e: {  	_ =	swait.ge [sflag:s22], s20  }
0x9f: {  	s4 =	ssub.s32 $0x0, s20;
	[sflag:s22] =	ssyncset.done $0x0  }
0xa0: {  	[sflag:s22] =	ssyncadd.s32 s4;
	_ =	sdelay $0x1  }
0xa1: {  	s23 =	simm.s32 $0x1B8B  }
0xa2: {  	_ =	swait.ge [sflag:s23], $0x1  }
0xa3: {  	[sflag:s23] =	ssyncset.done $0x0  }
0xa4: {  	s25 =	simm.s32 $0x1B8E;
	s24 =	sld [smem:$0x3FFE];
	[sflag:s23] =	ssyncadd.s32 $0xFFFFFFFF  }
0xa5: {  	s26 =	simm.s32 $execute0_lowered;
	[smem:$0x3FD2] =	sst s25  }
0xa6: {  	s5 =	sshll.u32 s26, $0x1;
	_ =	strace $0x8000004F;
	[dreg:$0x1] =	wrdreg $0xFFFFFFFF  }
0xa7: {  	s28 =	simm.s32 $_size_execute0_lowered;
	s3 =	sadd.s32 s3, s5;
	[dreg:$0x0] =	wrdreg $0x0  }
0xa8: {  	s5 =	sshll.u32 s28, $0x1;
	[dreg:$0x2] =	wrdreg s3  }
0xa9: {  	[dreg:$0x3] =	wrdreg s5  }
0xaa: {  	[dreg:$0x4] =	wrdreg $0xC0  }
0xab: {  	_ =	task [dreg:s7], $0x5FFFF  }
0xac: {  	[dreg:$0x1] =	wrdreg $0xFFFFFFFF  }
0xad: {  	[dreg:$0x0] =	wrdreg $0x60  }
0xae: {  	[dreg:$0x2] =	wrdreg s24  }
0xaf: {  	[dreg:$0x3] =	wrdreg s2  }
0xb0: {  	[dreg:$0x4] =	wrdreg $0x66000  }
0xb1: {  	[dreg:$0x5] =	wrdreg $0x9  }
0xb2: {  	_ =	task.clear_ibuf [dreg:s7], $0x6FFFF;
	_ =	strace $0x9000004F  }
0xb3: {  	s29 =	simm.s32 $0x9;
	_ =	strace $0x80000051  }
0xb4: {  	_ =	swait.ge [sflag:s29], $0x1  }
0xb5: {  	[sflag:s29] =	ssyncadd.s32 $0xFFFFFFFF  }
0xb6: {  	_ =	strace $0x90000051  }
0xb7: {  	_ =	sfence  }
0xb8: {  	s30 =	sld [smem:$0x0];
	_ =	sdelay $0x2  }
0xb9: {  	s31 =	sshll.u32 s1, $0xD;
	s1 =	sshrl.u32 s1, $0x2  }
0xba: {  	s3 =	sand.u32 $0x4000, s31;
	s1 =	sadd.s32 s1, s30  }
0xbb: {  	s0 =	sor.u32 s3, s0;
	s1 =	sshll.u32 s1, $0x11  }
0xbc: {  	s0 =	sor.u32 s1, s0  }
0xbd: {  	s0 =	sadd.s32 $0x8F2B, s0  }
0xbe: {  	[sflag:s0] =	ssyncadd.remote.s32 $0x1  }
0xbf: {  	_ =	sfence.sel $0xFFFF  }
0xc0: {  	[dreg:$0x0] =	wrdreg $0xFFFFFFFF;
	(pc) =	sbr.abs _section_cstart, $3  }
0xc1: {  	[dreg:$0x1] =	wrdreg $0xFFFFFFFF  }
0xc2: {  	_ =	task.clear_ibuf [dreg:s7], $0x2FFFF;
	_ =	strace $0x9FFFFFFF  }
0xc3: {  	(tm) =	ssettm $0x7FFFFFFF  }
tec
execute0_lowered:
.L_overlay_start_1:
0x0: {  	(tag) =	ssettag $0x1  }
0x1: {  	s8 =	rddreg [dreg:$0x0]  }
0x2: {  	s1 =	rddreg [dreg:$0x1]  }
0x3: {  	s2 =	rddreg [dreg:$0x2]  }
0x4: {  	s3 =	simm.s32 $0x0;
	s9 =	srdreg.scid;
	s0 =	stileid.u32  }
0x5: {  	s20 =	simm.s32 $0x80;
	s22 =	simm.s32 $0x1600;
	s23 =	simm.s32 $0x100  }
0x6: {  	s24 =	simm.s32 $0x2600;
	s28 =	simm.s32 $0x2;
	s26 =	smul.u32 $0x61C00, s0  }
0x7: {  	s29 =	simm.s32 $0x0;
	s5 =	sadd.s32 $0x3800, s8;
	s13 =	smul.u32 $0x18900, s0  }
0x8: {  	s6 =	sadd.s32 $0xC7A00, s8;
	s11 =	sand.u32 $0x1, s9;
	s15 =	smul.u32 $0x30E0, s0  }
0x9: {  	s7 =	sadd.s32 $0x129E00, s8;
	s14 =	sadd.s32 $0x65400, s8;
	s8 =	smul.u32 $0x189000, s11  }
0xa: {  	[smem:$0x7FF] =	sst s3;
	s30 =	sshll.u32 s0, $0x6;
	s17 =	smul.u32 $0x186A00, s11  }
0xb: {  	s25 =	sadd.s32 $0x16E900, s2;
	p0 =	seq.s32 s0, $0xF;
	s18 =	smul.u32 $0x30D40, s11  }
0xc: {  	_ =	strace $0x80000050;
	s10 =	ssub.s32 $0x2, s11;
	s11 =	smul.u32 $0x312, s0  }
0xd: {  	s25 =	sshrl.u32 @p0 s25, $0x3;
	s12 =	sshrl.u32 s10, $0x1;
	s9 =	sshrl.u32 s26, $0x2  }
0xe: {  	s26 =	simm.s32 $0x1;
	s16 =	ssub.s32 s10, s12;
	s9 =	sadd.s32 s9, s2  }
.Ltmp0:
0xf: {  	s31 =	sadd.s32 s13, s8;
	s10 =	sor.u32 $0x1C03, s30;
	(pc) =	sbr.rel .LBB2_1-.Ltmp0, $4  }
0x10: {  	s17 =	sshrl.u32 s17, $0x3;
	s13 =	sshrl.u32 s13, $0x3;
	s15 =	sadd.s32 s15, s18  }
0x11: {  	s18 =	simm.s32 $0x3;
	s12 =	sshrl.u32 s31, $0x3;
	s17 =	sadd.s32 s14, s17  }
0x12: {  	s13 =	sadd.s32 s1, s13;
	s14 =	sadd.s32 s14, s15;
	s16 =	smax.u32 s16, $0x1  }
0x13: {  	s12 =	sadd.s32 s6, s12;
	s15 =	sadd.s32 $0x2DD20, s17;
	s17 =	sshrl.u32 s9, $0x3  }
.LBB2_6:
0x14: {  	_ =	swait.ge [sflag:s28], $0x3000  }
0x15: {  	[sflag:s28] =	ssyncset.done $0x0  }
0x16: {  	[sflag:s28] =	ssyncadd.s32 $0xFFFFD000  }
0x17: {  	s0 =	simm.s32 @p0 $0x3;
	[bflag:$0x0] =	sbarrier.arrive $0xFFFF  }
0x18: {  	[hbm:s15], [sflag:s10] =	dma.local @p0 [spmem:s25], $0x3020  }
0x19: {  	_ =	swait.ge @p0 [sflag:s0], $0x3020  }
0x1a: {  	s29 =	sadd.s32 $0x1, s29;
	[sflag:s0] =	ssyncset.done @p0 $0x0  }
0x1b: {  	p1 =	sne.s32 s29, s16;
	[sflag:s0] =	ssyncadd.s32 @p0 $0xFFFFCFE0;
	s0 =	sshrl.u32 @!p0 s9, $0x3  }
0x1c: {  	[hbm:s14], [sflag:s10] =	dma.local @!p0 [spmem:s0], $0x30E0  }
.Ltmp1:
0x1d: {  	_ = 	snop;
	(pc) =	sbr.rel @!p1 .LBB2_7-.Ltmp1, $4  }
0x1e: {  	s0 =	simm.s32 @!p0 $0x3  }
0x1f: {  	_ =	swait.ge @!p0 [sflag:s0], $0x30E0  }
0x20: {  	[sflag:s0] =	ssyncset.done @!p0 $0x0  }
0x21: {  	[sflag:s0] =	ssyncadd.s32 @!p0 $0xFFFFCF20  }
.LBB2_1:
0x22: {  	[spmem:s17], [sflag:s10] =	dma.local [hbm:s7], $0x30E0  }
0x23: {  	_ =	swait.ge [sflag:s18], $0x30E0  }
0x24: {  	[sflag:s18] =	ssyncset.done $0x0  }
0x25: {  	[sflag:s18] =	ssyncadd.s32 $0xFFFFCF20  }
0x26: {  	[bflag:$0x0] =	sbarrier.arrive $0xFFFF  }
0x27: {  	[tilespmem:s3], [sflag:$0x3] =	stream.linear.gather [hbm4b:s12+s3], $0x180, $0x38;
	[tilespmem:$0x1ED00] =	vst v63  }
0x28: {  	_ =	swait.ge [sflag:s18], $0x180  }
0x29: {  	[sflag:s18] =	ssyncset.done $0x0  }
0x2a: {  	s0 =	simm.s32 $0x300;
	[sflag:s18] =	ssyncadd.s32 $0xFFFFFE80  }
0x2b: {  	[tilespmem:s0], [sflag:$0x3] =	stream.linear.gather [hbm4b:s13+s3], $0x180, $0x38;
	[tilespmem:$0x1ED00] =	vst v63  }
0x2c: {  	_ =	swait.ge [sflag:s18], $0x180  }
0x2d: {  	[sflag:s18] =	ssyncset.done $0x0  }
0x2e: {  	s31 =	simm.s32 $0x600;
	[sflag:s18] =	ssyncadd.s32 $0xFFFFFE80  }
0x2f: {  	[tilespmem:s31], [sflag:$0x1] =	stream.indirect.gather [hbm4b:s5+s20], $0x20, s3, s20, $0xb8;
	[tilespmem:$0x1ED00] =	vst v63  }
.Ltmp2:
0x30: {  	_ = 	snop;
	(pc) =	sbr.rel .LBB2_2-.Ltmp2, $4  }
0x31: {  	_ = 	snop  }
0x32: {  	[tilespmem:s22], [sflag:$0x1] =	stream.indirect.gather [hbm4b:s5+s20], $0x20, s20, s20, $0xb8;
	[tilespmem:$0x1ED00] =	vst v63  }
0x33: {  	s30 =	simm.s32 $0x0  }
0x34: {  	[tilespmem:s24], [sflag:$0x1] =	stream.indirect.gather [hbm4b:s5+s20], $0x20, s23, s20, $0xb8;
	[tilespmem:$0x1ED00] =	vst v63  }
.LBB2_4:
0x35: {  	_ =	swait.ge [sflag:s26], $0x3000  }
0x36: {  	[sflag:s26] =	ssyncset.done $0x0  }
0x37: {  	s30 =	simm.s32 $0x106;
	[sflag:s26] =	ssyncadd.s32 $0xFFFFD000  }
.LBB2_5:
0x38: {  	s0 =	smul.u32 $0xC000, s31  }
0x39: {  	s4 =	smul.u32 $0x600, s31;
	_ =	sdelay $0x1  }
0x3a: {  	s0 =	sshrl.u32 s0, $0x2;
	s4 =	sshrl.u32 s4, $0x2  }
0x3b: {  	p1 =	slt.u32 s30, $0x106;
	s19 =	sor.u32 $0x600, s0;
	s21 =	sadd.s32 $0x300, s4  }
0x3c: {  	[spmem:s2] =	stream.indirect.scatter.add.f32 [tilespmem:s19], [sflag:$0x2], $0x20, s21, s20, $0xb8;
	[tilespmem:$0x1ED00] =	vst v63  }
.Ltmp3:
0x3d: {  	_ = 	snop;
	(pc) =	sbr.rel @!p1 .LBB2_6-.Ltmp3, $4  }
0x3e: {  	s31 =	sadd.s32 $0x380, s4;
	s21 =	sadd.s32 $0x1600, s0  }
0x3f: {  	[spmem:s2] =	stream.indirect.scatter.add.f32 [tilespmem:s21], [sflag:$0x2], $0x20, s31, s20, $0xb8;
	[tilespmem:$0x1ED00] =	vst v63  }
0x40: {  	s4 =	sor.u32 $0x400, s4;
	s0 =	sadd.s32 $0x2600, s0  }
0x41: {  	[spmem:s2] =	stream.indirect.scatter.add.f32 [tilespmem:s0], [sflag:$0x2], $0x20, s4, s20, $0xb8;
	[tilespmem:$0x1ED00] =	vst v63  }
.LBB2_2:
0x42: {  	p1 =	seq.s32 s30, $0x0  }
0x43: {  	p2 =	seq.s32 @!p1 s30, $0x105  }
0x44: {  	p2 =	por p1, !p2  }
.Ltmp4:
0x45: {  	_ = 	snop;
	(pc) =	sbr.rel @!p2 .LBB2_4-.Ltmp4, $4  }
0x46: {  	s0 =	simm.s32 @!p1 $0x2  }
0x47: {  	_ =	swait.ge @!p1 [sflag:s0], $0x3000  }
0x48: {  	[sflag:s0] =	ssyncset.done @!p1 $0x0  }
0x49: {  	s31 =	sand.u32 $0x1, s30;
	[sflag:s0] =	ssyncadd.s32 @!p1 $0xFFFFD000  }
0x4a: {  	s30 =	sadd.s32 @!p1 $0x1, s30  }
0x4b: {  	s30 =	simm.s32 @p1 $0x1  }
0x4c: {  	s0 =	smul.u32 $0x3, s30;
	_ =	sdelay $0x1  }
0x4d: {  	s0 =	sadd.s32 s11, s0  }
0x4e: {  	s4 =	sshll.u32 s0, $0x7  }
0x4f: {  	s19 =	sxor.u32 $0x1, s31;
	s4 =	sadd.s32 s8, s4  }
0x50: {  	s21 =	smul.u32 $0x180, s19;
	s4 =	sshrl.u32 s4, $0x3  }
0x51: {  	s4 =	sadd.s32 s6, s4  }
0x52: {  	[tilespmem:s21], [sflag:$0x3] =	stream.linear.gather [hbm4b:s4+s3], $0x180, $0x38;
	[tilespmem:$0x1ED00] =	vst v63  }
0x53: {  	_ =	swait.ge [sflag:s18], $0x180  }
0x54: {  	s0 =	sshll.u32 s0, $0x4;
	[sflag:s18] =	ssyncset.done $0x0  }
0x55: {  	s0 =	sadd.s32 s1, s0;
	s4 =	sadd.s32 $0x300, s21;
	[sflag:s18] =	ssyncadd.s32 $0xFFFFFE80  }
0x56: {  	[tilespmem:s4], [sflag:$0x3] =	stream.linear.gather [hbm4b:s0+s3], $0x180, $0x38;
	[tilespmem:$0x1ED00] =	vst v63  }
0x57: {  	_ =	swait.ge [sflag:s18], $0x180  }
0x58: {  	[sflag:s18] =	ssyncset.done $0x0  }
0x59: {  	s4 =	smul.u32 $0xC000, s19;
	[sflag:s18] =	ssyncadd.s32 $0xFFFFFE80  }
0x5a: {  	_ =	swait.ge [sflag:s26], $0x3000  }
0x5b: {  	s0 =	sshrl.u32 s4, $0x2;
	[sflag:s26] =	ssyncset.done $0x0  }
0x5c: {  	s19 =	sor.u32 $0x600, s0;
	[sflag:s26] =	ssyncadd.s32 $0xFFFFD000  }
0x5d: {  	[tilespmem:s19], [sflag:$0x1] =	stream.indirect.gather [hbm4b:s5+s20], $0x20, s21, s20, $0xb8;
	[tilespmem:$0x1ED00] =	vst v63  }
.Ltmp5:
0x5e: {  	_ = 	snop;
	(pc) =	sbr.rel .LBB2_5-.Ltmp5, $4  }
0x5f: {  	s4 =	sadd.s32 $0x1600, s0;
	s19 =	sadd.s32 $0x80, s21  }
0x60: {  	[tilespmem:s4], [sflag:$0x1] =	stream.indirect.gather [hbm4b:s5+s20], $0x20, s19, s20, $0xb8;
	[tilespmem:$0x1ED00] =	vst v63  }
0x61: {  	s0 =	sadd.s32 $0x2600, s0;
	s21 =	sadd.s32 $0x100, s21  }
0x62: {  	[tilespmem:s0], [sflag:$0x1] =	stream.indirect.gather [hbm4b:s5+s20], $0x20, s21, s20, $0xb8;
	[tilespmem:$0x1ED00] =	vst v63  }
.LBB2_7:
0x63: {  	_ =	sfence.sel $0x180000  }
0x64: {  	[bflag:$0x0] =	sbarrier.arrive $0xFFFF  }
0x65: {  	_ =	strace $0x90000050  }
0x66: {  	s0 =	stileid.u32;
	[bflag:$0x2] =	sbarrier.arrive $0xFFFF  }
0x67: {  	p0 =	sne.s32 s0, $0x0;
	s0 =	rddreg [dreg:$0x3]  }
0x68: {  	s0 =	sadd.s32 @!p0 $0x100000, s0  }
0x69: {  	[sflag:s0] =	ssyncadd.tile.s32 @!p0 $0x1;
	_ =	shalt  }
.Lfunc_end2:
_tile_overlayer_lowered:
.L_overlay_start_2:
0x6a: {  	(tag) =	ssettag $0x2  }
0x6b: {  	s0 =	rddreg [dreg:$0x0];
	s2 =	stileid.u32  }
0x6c: {  	s1 =	rddreg [dreg:$0x1];
	p0 =	sne.s32 s2, $0x0  }
0x6d: {  	s3 =	rddreg [dreg:$0x2];
	[bflag:$0x3] =	sbarrier.arrive $0xFFFF;
	s2 =	simm.s32 @!p0 $0x1C03  }
0x6e: {  	[timem:s3], [sflag:s2] =	dma.local @!p0 [hbm:s0], s1  }
0x6f: {  	s0 =	simm.s32 @!p0 $0x3  }
0x70: {  	_ =	swait.ge @!p0 [sflag:s0], s1  }
0x71: {  	s1 =	ssub.s32 @!p0 $0x0, s1;
	[sflag:s0] =	ssyncset.done @!p0 $0x0  }
0x72: {  	[sflag:s0] =	ssyncadd.s32 @!p0 s1  }
0x73: {  	[bflag:$0x3] =	sbarrier.arrive $0xFFFF  }
0x74: {  	_ =	shalt  }

</sc_bundles>
